<compile_context>
chip_gen: v7x
topology: tpu7x:2x2x1
jax: 0.10.2.dev20260603
libtpu: 0.0.44.dev20260713+nightly
codegen_flags: <defaults>
</compile_context>

<pallas_src>
import functools

import jax
import jax.numpy as jnp
from jax import lax
from jax.experimental import pallas as pl
from jax.experimental.pallas import tpu as pltpu
from jax.experimental.pallas import tpu_sc as plsc

N = 10000
D = 256
HALF = 128
E = 160000
NT = 16
CHUNK = 32
EP = 10112
NCHUNKS = EP // CHUNK
EPAD = EP * NT
RMAIN = 10112
CBASE = RMAIN
R = RMAIN + 128
RPT = R // NT
RCHUNKS = tuple((o, 32) for o in range(0, RPT, 32))

_f32 = jnp.float32
_i32 = jnp.int32


def _sc_aggregate(pk, x2):

  mesh = plsc.VectorSubcoreMesh(core_axis_name="c", subcore_axis_name="s")

  @functools.partial(
      pl.kernel,
      out_type=[
          jax.ShapeDtypeStruct((2 * R, HALF), _f32),
      ],
      mesh=mesh,
      compiler_params=pltpu.CompilerParams(needs_layout_passes=False),
      scratch_types=[
          pltpu.VMEM((CHUNK,), _i32),
          pltpu.VMEM((CHUNK,), _i32),
          pltpu.VMEM((CHUNK,), _i32),
          pltpu.VMEM((CHUNK,), _i32),
          pltpu.VMEM((CHUNK,), _i32),
          pltpu.VMEM((HALF,), _i32),
          pltpu.VMEM((CHUNK, HALF), _f32),
          pltpu.VMEM((CHUNK, HALF), _f32),
          pltpu.VMEM((HALF, HALF), _f32),
          pltpu.VMEM_SHARED((R, HALF), _f32),
          pltpu.SemaphoreType.DMA,
          pltpu.SemaphoreType.DMA,
      ],
  )
  def agg(pk_hbm, x_hbm, out_hbm, pkv, srcv0, srcv1, dstv0, dstv1, crowv,
          rows0, rows1, hist, acc, gsem0, gsem1):
    srcv = (srcv0, srcv1)
    dstv = (dstv0, dstv1)
    rows = (rows0, rows1)
    gsem = (gsem0, gsem1)
    c = lax.axis_index("c")
    s = lax.axis_index("s")
    zero16 = jnp.zeros((16,), _f32)
    one16 = jnp.ones((16,), _f32)
    iot = lax.iota(_i32, 16)

    def fill_hist(i, _):
      for jj in range(HALF // 16):
        hist[i, pl.ds(jj * 16, 16)] = zero16
      return 0
    lax.fori_loop(0, HALF, fill_hist, 0)

    def fill_rows(i, _):
      for jj in range(HALF // 16):
        rows0[i, pl.ds(jj * 16, 16)] = zero16
      return 0
    lax.fori_loop(0, CHUNK, fill_rows, 0)

    for k in range(HALF // 16):
      crowv[pl.ds(k * 16, 16)] = iot + (k * 16 + CBASE)

    for off, sz in RCHUNKS:
      pltpu.sync_copy(rows0.at[pl.ds(0, sz)],
                      acc.at[pl.ds(s * RPT + off, sz)])

    plsc.subcore_barrier()

    coff = c * N

    def prep(i, b):
      pltpu.sync_copy(pk_hbm.at[s, i], pkv)
      for k in range(CHUNK // 16):
        p = pkv[pl.ds(k * 16, 16)]
        dv = lax.bitwise_and(p, 16383)
        srcv[b][pl.ds(k * 16, 16)] = lax.shift_right_logical(p, 14) + coff
        dstv[b][pl.ds(k * 16, 16)] = dv
        cnts, lmask = plsc.scan_count(dv)
        plsc.addupdate_scatter(
            hist,
            [lax.bitwise_and(dv, 127), lax.shift_right_logical(dv, 7)],
            cnts.astype(_f32), mask=lmask)

    prep(0, 0)
    pltpu.async_copy(x_hbm.at[srcv[0]], rows[0], gsem[0])
    prep(1, 1)
    pltpu.async_copy(x_hbm.at[srcv[1]], rows[1], gsem[1])

    def pair(t, _):
      for b in range(2):
        i = 2 * t + b
        pltpu.make_async_copy(x_hbm.at[srcv[b]], rows[b], gsem[b]).wait()
        pltpu.sync_copy(rows[b], acc.at[dstv[b]], add=True)

        @pl.when(i + 2 < NCHUNKS)
        def _():
          prep(i + 2, b)
          pltpu.async_copy(x_hbm.at[srcv[b]], rows[b], gsem[b])
      return 0
    lax.fori_loop(0, NCHUNKS // 2, pair, 0)

    pltpu.sync_copy(hist, acc.at[crowv], add=True)

    plsc.subcore_barrier()

    for off, sz in RCHUNKS:
      pltpu.sync_copy(acc.at[pl.ds(s * RPT + off, sz)], rows0.at[pl.ds(0, sz)])
      pltpu.sync_copy(rows0.at[pl.ds(0, sz)],
                      out_hbm.at[pl.ds(c * R + s * RPT + off, sz)])

  return agg(pk, x2)


def _tc_mlp(sums, x, wlt, wrt, wmt, bl, bm):
  BR = 128
  grid = (79,)

  def gelu(h):
    return 0.5 * h * (1.0 + lax.erf(h * 0.7071067811865476))

  def body(sl_ref, sr_ref, cnt_ref, x_ref, wlt_ref, wrt_ref, wmt_ref,
           bl_ref, bm_ref, out_ref):
    pid = pl.program_id(0)
    sel = (lax.broadcasted_iota(_i32, (HALF, 1), 0) == pid).astype(_f32)
    cnt = jnp.dot(cnt_ref[...], sel, preferred_element_type=_f32)
    inv = 1.0 / jnp.maximum(cnt, 1.0)
    ml = sl_ref[...] * inv
    mr = sr_ref[...] * inv
    h = jnp.dot(ml, wlt_ref[0:HALF, :], preferred_element_type=_f32)
    h = h + jnp.dot(mr, wlt_ref[HALF:D, :], preferred_element_type=_f32)
    h = h + jnp.dot(x_ref[...], wrt_ref[...], preferred_element_type=_f32)
    h = h + bl_ref[...]
    h = gelu(h)
    h = jnp.dot(h, wmt_ref[...], preferred_element_type=_f32) + bm_ref[...]
    out_ref[...] = gelu(h)

  return pl.pallas_call(
      body,
      grid=grid,
      in_specs=[
          pl.BlockSpec((BR, HALF), lambda i: (i, 0)),
          pl.BlockSpec((BR, HALF), lambda i: (i + R // BR, 0)),
          pl.BlockSpec((BR, HALF), lambda i: (CBASE // BR, 0)),
          pl.BlockSpec((BR, D), lambda i: (i, 0)),
          pl.BlockSpec((D, D), lambda i: (0, 0)),
          pl.BlockSpec((D, D), lambda i: (0, 0)),
          pl.BlockSpec((D, D), lambda i: (0, 0)),
          pl.BlockSpec((1, D), lambda i: (0, 0)),
          pl.BlockSpec((1, D), lambda i: (0, 0)),
      ],
      out_specs=pl.BlockSpec((BR, D), lambda i: (i, 0)),
      out_shape=jax.ShapeDtypeStruct((N, D), _f32),
  )(sums, sums, sums, x, wlt, wrt, wmt, bl, bm)


def kernel(x_hidden, edge_index, W_l, b_l, W_r, W_mlp, b_mlp):
  src = edge_index[0].astype(_i32)
  dst = edge_index[1].astype(_i32)
  pad = EPAD - E
  packed = src * 16384 + dst
  pk = jnp.concatenate([packed, jnp.full((pad,), N, _i32)]).reshape(
      NT, NCHUNKS, CHUNK)
  x2 = jnp.concatenate([x_hidden[:, :HALF], x_hidden[:, HALF:]], axis=0)
  (sums,) = _sc_aggregate(pk, x2)
  return _tc_mlp(sums, x_hidden, W_l.T, W_r.T, W_mlp.T,
                 b_l.reshape(1, D), b_mlp.reshape(1, D))

# --- scband reference (transcript-rebuilt; emitter-appended) ---
"""Pipeline reference for scband-processor-26929444945965 (READ-ONLY COPY).

The authoritative reference and input builder live on the scoring server;
editing this copy changes nothing except your own understanding.
"""

import jax, jax.numpy as jnp
import numpy as np

N_NODES = 10000
D = 256
N_EDGES = 160000

def setup_inputs(seed: int = 0) -> dict:
    key = jax.random.key(seed)
    ks = jax.random.split(key, 8)
    x_hidden = jax.random.normal(ks[0], (N_NODES, D), dtype=jnp.float32)
    edge_index = jax.random.randint(ks[1], (2, N_EDGES), 0, N_NODES, dtype=jnp.int64)
    s = 1.0 / np.sqrt(D)
    W_l = jax.random.uniform(ks[2], (D, D), dtype=jnp.float32, minval=-s, maxval=s)
    b_l = jax.random.uniform(ks[3], (D,), dtype=jnp.float32, minval=-s, maxval=s)
    W_r = jax.random.uniform(ks[4], (D, D), dtype=jnp.float32, minval=-s, maxval=s)
    W_mlp = jax.random.uniform(ks[5], (D, D), dtype=jnp.float32, minval=-s, maxval=s)
    b_mlp = jax.random.uniform(ks[6], (D,), dtype=jnp.float32, minval=-s, maxval=s)
    return {"x_hidden": x_hidden, "edge_index": edge_index, "W_l": W_l, "b_l": b_l, "W_r": W_r, "W_mlp": W_mlp, "b_mlp": b_mlp}

def reference(x_hidden, edge_index, W_l, b_l, W_r, W_mlp, b_mlp):
    # SAGEConv((x, x), edge_index): mean-aggregate source messages at dst nodes
    src = edge_index[0]
    dst = edge_index[1]
    n = x_hidden.shape[0]
    msgs = jnp.take(x_hidden, src, axis=0)                      # gather x_j
    summed = jax.ops.segment_sum(msgs, dst, num_segments=n)      # scatter-add
    cnt = jax.ops.segment_sum(jnp.ones((msgs.shape[0],), dtype=x_hidden.dtype), dst, num_segments=n)
    mean = summed / jnp.maximum(cnt, 1.0)[:, None]
    # out = lin_l(aggr) + lin_r(x_dst); lin_l has bias, lin_r does not
    h = mean @ W_l.T + b_l + x_hidden @ W_r.T
    # Processor MLP: GELU -> Linear -> GELU (torch GELU is exact erf form)
    h = jax.nn.gelu(h, approximate=False)
    h = h @ W_mlp.T + b_mlp
    return jax.nn.gelu(h, approximate=False)

if __name__ == "__main__":
    import jax
    _d = setup_inputs()
    print(jax.jit(kernel)(*tuple(_d.values())))

</pallas_src>

<mosaic_0001>
#map = affine_map<(d0, d1) -> (0, 0, 0)>
#map1 = affine_map<(d0, d1) -> (0, 0)>
module attributes {stable_mosaic.version = 14 : i64} {
  func.func @agg(%arg0: i32, %arg1: i32, %arg2: memref<16x316x32xi32, #tpu.memory_space<hbm>>, %arg3: memref<20000x128xf32, #tpu.memory_space<hbm>>, %arg4: memref<20480x128xf32, #tpu.memory_space<hbm>>, %arg5: memref<32xi32, #tpu.memory_space<vmem>>, %arg6: memref<32xi32, #tpu.memory_space<vmem>>, %arg7: memref<32xi32, #tpu.memory_space<vmem>>, %arg8: memref<32xi32, #tpu.memory_space<vmem>>, %arg9: memref<32xi32, #tpu.memory_space<vmem>>, %arg10: memref<128xi32, #tpu.memory_space<vmem>>, %arg11: memref<32x128xf32, #tpu.memory_space<vmem>>, %arg12: memref<32x128xf32, #tpu.memory_space<vmem>>, %arg13: memref<128x128xf32, #tpu.memory_space<vmem>>, %arg14: memref<10240x128xf32, #tpu.memory_space<vmem_shared>>, %arg15: memref<!tpu.dma_semaphore, #tpu.memory_space<semaphore_mem>>, %arg16: memref<!tpu.dma_semaphore, #tpu.memory_space<semaphore_mem>>) attributes {dimension_semantics = [#tpu.dimension_semantics<core_parallel>, #tpu.dimension_semantics<subcore_parallel>], iteration_bounds = array<i64: 2, 16>, scalar_prefetch = 0 : i64, scratch_operands = 12 : i64, tpu.core_type = #tpu.core_type<sc_vector_subcore>, window_params = [{transform_indices = #map}, {transform_indices = #map1}, {transform_indices = #map1}]} {
    %broadcast_in_dim3A = arith.constant 0.000000e+00 : f32
    %broadcast_in_dim3A_0 = vector.broadcast %broadcast_in_dim3A : f32 to vector<16xf32>
    %broadcast_in_dim3A_1 = arith.constant 1.000000e+00 : f32
    %broadcast_in_dim3A_2 = vector.broadcast %broadcast_in_dim3A_1 : f32 to vector<16xf32>
    %iota3A = tpu.iota {dimensions = array<i32: 0>} : vector<16xi32>
    %scan3A = arith.constant 0 : i32
    %scan3A_3 = arith.constant 0 : i32
    %scan3A_4 = arith.constant 128 : i32
    %scan3A_5 = arith.addi %scan3A_3, %scan3A_4 : i32
    %scan3A_6 = arith.constant 1 : i32
    %scan3A_7 = scf.for %scan3A_464 = %scan3A_3 to %scan3A_5 step %scan3A_6 iter_args(%scan3A_465 = %scan3A) -> (i32)  : i32 {
      %swap3A_466 = arith.index_cast %scan3A_464 : i32 to index
      %swap3A_467 = arith.constant 0 : index
      %swap3A_468 = tpu.vector_load %arg13[%swap3A_466, %swap3A_467] {strides = array<i32>} : memref<128x128xf32, #tpu.memory_space<vmem>>, vector<16xf32>,
      tpu.vector_store %arg13[%swap3A_466, %swap3A_467], %broadcast_in_dim3A_0 {strides = array<i32>} : memref<128x128xf32, #tpu.memory_space<vmem>>, vector<16xf32>,
      %swap3A_469 = arith.index_cast %scan3A_464 : i32 to index
      %swap3A_470 = arith.constant 16 : index
      %swap3A_471 = tpu.vector_load %arg13[%swap3A_469, %swap3A_470] {strides = array<i32>} : memref<128x128xf32, #tpu.memory_space<vmem>>, vector<16xf32>,
      tpu.vector_store %arg13[%swap3A_469, %swap3A_470], %broadcast_in_dim3A_0 {strides = array<i32>} : memref<128x128xf32, #tpu.memory_space<vmem>>, vector<16xf32>,
      %swap3A_472 = arith.index_cast %scan3A_464 : i32 to index
      %swap3A_473 = arith.constant 32 : index
      %swap3A_474 = tpu.vector_load %arg13[%swap3A_472, %swap3A_473] {strides = array<i32>} : memref<128x128xf32, #tpu.memory_space<vmem>>, vector<16xf32>,
      tpu.vector_store %arg13[%swap3A_472, %swap3A_473], %broadcast_in_dim3A_0 {strides = array<i32>} : memref<128x128xf32, #tpu.memory_space<vmem>>, vector<16xf32>,
      %swap3A_475 = arith.index_cast %scan3A_464 : i32 to index
      %swap3A_476 = arith.constant 48 : index
      %swap3A_477 = tpu.vector_load %arg13[%swap3A_475, %swap3A_476] {strides = array<i32>} : memref<128x128xf32, #tpu.memory_space<vmem>>, vector<16xf32>,
      tpu.vector_store %arg13[%swap3A_475, %swap3A_476], %broadcast_in_dim3A_0 {strides = array<i32>} : memref<128x128xf32, #tpu.memory_space<vmem>>, vector<16xf32>,
      %swap3A_478 = arith.index_cast %scan3A_464 : i32 to index
      %swap3A_479 = arith.constant 64 : index
      %swap3A_480 = tpu.vector_load %arg13[%swap3A_478, %swap3A_479] {strides = array<i32>} : memref<128x128xf32, #tpu.memory_space<vmem>>, vector<16xf32>,
      tpu.vector_store %arg13[%swap3A_478, %swap3A_479], %broadcast_in_dim3A_0 {strides = array<i32>} : memref<128x128xf32, #tpu.memory_space<vmem>>, vector<16xf32>,
      %swap3A_481 = arith.index_cast %scan3A_464 : i32 to index
      %swap3A_482 = arith.constant 80 : index
      %swap3A_483 = tpu.vector_load %arg13[%swap3A_481, %swap3A_482] {strides = array<i32>} : memref<128x128xf32, #tpu.memory_space<vmem>>, vector<16xf32>,
      tpu.vector_store %arg13[%swap3A_481, %swap3A_482], %broadcast_in_dim3A_0 {strides = array<i32>} : memref<128x128xf32, #tpu.memory_space<vmem>>, vector<16xf32>,
      %swap3A_484 = arith.index_cast %scan3A_464 : i32 to index
      %swap3A_485 = arith.constant 96 : index
      %swap3A_486 = tpu.vector_load %arg13[%swap3A_484, %swap3A_485] {strides = array<i32>} : memref<128x128xf32, #tpu.memory_space<vmem>>, vector<16xf32>,
      tpu.vector_store %arg13[%swap3A_484, %swap3A_485], %broadcast_in_dim3A_0 {strides = array<i32>} : memref<128x128xf32, #tpu.memory_space<vmem>>, vector<16xf32>,
      %swap3A_487 = arith.index_cast %scan3A_464 : i32 to index
      %swap3A_488 = arith.constant 112 : index
      %swap3A_489 = tpu.vector_load %arg13[%swap3A_487, %swap3A_488] {strides = array<i32>} : memref<128x128xf32, #tpu.memory_space<vmem>>, vector<16xf32>,
      tpu.vector_store %arg13[%swap3A_487, %swap3A_488], %broadcast_in_dim3A_0 {strides = array<i32>} : memref<128x128xf32, #tpu.memory_space<vmem>>, vector<16xf32>,
      %scan3A_490 = arith.constant 0 : i32
      scf.yield %scan3A_490 : i32
    }
    %scan3A_8 = arith.constant 128 : i32
    %scan3A_9 = arith.constant 0 : i32
    %scan3A_10 = arith.constant 0 : i32
    %scan3A_11 = arith.constant 32 : i32
    %scan3A_12 = arith.addi %scan3A_10, %scan3A_11 : i32
    %scan3A_13 = arith.constant 1 : i32
    %scan3A_14 = scf.for %scan3A_464 = %scan3A_10 to %scan3A_12 step %scan3A_13 iter_args(%scan3A_465 = %scan3A_9) -> (i32)  : i32 {
      %swap3A_466 = arith.index_cast %scan3A_464 : i32 to index
      %swap3A_467 = arith.constant 0 : index
      %swap3A_468 = tpu.vector_load %arg11[%swap3A_466, %swap3A_467] {strides = array<i32>} : memref<32x128xf32, #tpu.memory_space<vmem>>, vector<16xf32>,
      tpu.vector_store %arg11[%swap3A_466, %swap3A_467], %broadcast_in_dim3A_0 {strides = array<i32>} : memref<32x128xf32, #tpu.memory_space<vmem>>, vector<16xf32>,
      %swap3A_469 = arith.index_cast %scan3A_464 : i32 to index
      %swap3A_470 = arith.constant 16 : index
      %swap3A_471 = tpu.vector_load %arg11[%swap3A_469, %swap3A_470] {strides = array<i32>} : memref<32x128xf32, #tpu.memory_space<vmem>>, vector<16xf32>,
      tpu.vector_store %arg11[%swap3A_469, %swap3A_470], %broadcast_in_dim3A_0 {strides = array<i32>} : memref<32x128xf32, #tpu.memory_space<vmem>>, vector<16xf32>,
      %swap3A_472 = arith.index_cast %scan3A_464 : i32 to index
      %swap3A_473 = arith.constant 32 : index
      %swap3A_474 = tpu.vector_load %arg11[%swap3A_472, %swap3A_473] {strides = array<i32>} : memref<32x128xf32, #tpu.memory_space<vmem>>, vector<16xf32>,
      tpu.vector_store %arg11[%swap3A_472, %swap3A_473], %broadcast_in_dim3A_0 {strides = array<i32>} : memref<32x128xf32, #tpu.memory_space<vmem>>, vector<16xf32>,
      %swap3A_475 = arith.index_cast %scan3A_464 : i32 to index
      %swap3A_476 = arith.constant 48 : index
      %swap3A_477 = tpu.vector_load %arg11[%swap3A_475, %swap3A_476] {strides = array<i32>} : memref<32x128xf32, #tpu.memory_space<vmem>>, vector<16xf32>,
      tpu.vector_store %arg11[%swap3A_475, %swap3A_476], %broadcast_in_dim3A_0 {strides = array<i32>} : memref<32x128xf32, #tpu.memory_space<vmem>>, vector<16xf32>,
      %swap3A_478 = arith.index_cast %scan3A_464 : i32 to index
      %swap3A_479 = arith.constant 64 : index
      %swap3A_480 = tpu.vector_load %arg11[%swap3A_478, %swap3A_479] {strides = array<i32>} : memref<32x128xf32, #tpu.memory_space<vmem>>, vector<16xf32>,
      tpu.vector_store %arg11[%swap3A_478, %swap3A_479], %broadcast_in_dim3A_0 {strides = array<i32>} : memref<32x128xf32, #tpu.memory_space<vmem>>, vector<16xf32>,
      %swap3A_481 = arith.index_cast %scan3A_464 : i32 to index
      %swap3A_482 = arith.constant 80 : index
      %swap3A_483 = tpu.vector_load %arg11[%swap3A_481, %swap3A_482] {strides = array<i32>} : memref<32x128xf32, #tpu.memory_space<vmem>>, vector<16xf32>,
      tpu.vector_store %arg11[%swap3A_481, %swap3A_482], %broadcast_in_dim3A_0 {strides = array<i32>} : memref<32x128xf32, #tpu.memory_space<vmem>>, vector<16xf32>,
      %swap3A_484 = arith.index_cast %scan3A_464 : i32 to index
      %swap3A_485 = arith.constant 96 : index
      %swap3A_486 = tpu.vector_load %arg11[%swap3A_484, %swap3A_485] {strides = array<i32>} : memref<32x128xf32, #tpu.memory_space<vmem>>, vector<16xf32>,
      tpu.vector_store %arg11[%swap3A_484, %swap3A_485], %broadcast_in_dim3A_0 {strides = array<i32>} : memref<32x128xf32, #tpu.memory_space<vmem>>, vector<16xf32>,
      %swap3A_487 = arith.index_cast %scan3A_464 : i32 to index
      %swap3A_488 = arith.constant 112 : index
      %swap3A_489 = tpu.vector_load %arg11[%swap3A_487, %swap3A_488] {strides = array<i32>} : memref<32x128xf32, #tpu.memory_space<vmem>>, vector<16xf32>,
      tpu.vector_store %arg11[%swap3A_487, %swap3A_488], %broadcast_in_dim3A_0 {strides = array<i32>} : memref<32x128xf32, #tpu.memory_space<vmem>>, vector<16xf32>,
      %scan3A_490 = arith.constant 0 : i32
      scf.yield %scan3A_490 : i32
    }
    %scan3A_15 = arith.constant 32 : i32
    %add3A = arith.constant 10112 : i32
    %add3A_16 = vector.broadcast %add3A : i32 to vector<16xi32>
    %add3A_17 = arith.addi %iota3A, %add3A_16 : vector<16xi32>
    %swap3A = arith.constant 0 : index
    %swap3A_18 = tpu.vector_load %arg10[%swap3A] {strides = array<i32>} : memref<128xi32, #tpu.memory_space<vmem>>, vector<16xi32>,
    tpu.vector_store %arg10[%swap3A], %add3A_17 {strides = array<i32>} : memref<128xi32, #tpu.memory_space<vmem>>, vector<16xi32>,
    %add3A_19 = arith.constant 10128 : i32
    %add3A_20 = vector.broadcast %add3A_19 : i32 to vector<16xi32>
    %add3A_21 = arith.addi %iota3A, %add3A_20 : vector<16xi32>
    %swap3A_22 = arith.constant 16 : index
    %swap3A_23 = tpu.vector_load %arg10[%swap3A_22] {strides = array<i32>} : memref<128xi32, #tpu.memory_space<vmem>>, vector<16xi32>,
    tpu.vector_store %arg10[%swap3A_22], %add3A_21 {strides = array<i32>} : memref<128xi32, #tpu.memory_space<vmem>>, vector<16xi32>,
    %add3A_24 = arith.constant 10144 : i32
    %add3A_25 = vector.broadcast %add3A_24 : i32 to vector<16xi32>
    %add3A_26 = arith.addi %iota3A, %add3A_25 : vector<16xi32>
    %swap3A_27 = arith.constant 32 : index
    %swap3A_28 = tpu.vector_load %arg10[%swap3A_27] {strides = array<i32>} : memref<128xi32, #tpu.memory_space<vmem>>, vector<16xi32>,
    tpu.vector_store %arg10[%swap3A_27], %add3A_26 {strides = array<i32>} : memref<128xi32, #tpu.memory_space<vmem>>, vector<16xi32>,
    %add3A_29 = arith.constant 10160 : i32
    %add3A_30 = vector.broadcast %add3A_29 : i32 to vector<16xi32>
    %add3A_31 = arith.addi %iota3A, %add3A_30 : vector<16xi32>
    %swap3A_32 = arith.constant 48 : index
    %swap3A_33 = tpu.vector_load %arg10[%swap3A_32] {strides = array<i32>} : memref<128xi32, #tpu.memory_space<vmem>>, vector<16xi32>,
    tpu.vector_store %arg10[%swap3A_32], %add3A_31 {strides = array<i32>} : memref<128xi32, #tpu.memory_space<vmem>>, vector<16xi32>,
    %add3A_34 = arith.constant 10176 : i32
    %add3A_35 = vector.broadcast %add3A_34 : i32 to vector<16xi32>
    %add3A_36 = arith.addi %iota3A, %add3A_35 : vector<16xi32>
    %swap3A_37 = arith.constant 64 : index
    %swap3A_38 = tpu.vector_load %arg10[%swap3A_37] {strides = array<i32>} : memref<128xi32, #tpu.memory_space<vmem>>, vector<16xi32>,
    tpu.vector_store %arg10[%swap3A_37], %add3A_36 {strides = array<i32>} : memref<128xi32, #tpu.memory_space<vmem>>, vector<16xi32>,
    %add3A_39 = arith.constant 10192 : i32
    %add3A_40 = vector.broadcast %add3A_39 : i32 to vector<16xi32>
    %add3A_41 = arith.addi %iota3A, %add3A_40 : vector<16xi32>
    %swap3A_42 = arith.constant 80 : index
    %swap3A_43 = tpu.vector_load %arg10[%swap3A_42] {strides = array<i32>} : memref<128xi32, #tpu.memory_space<vmem>>, vector<16xi32>,
    tpu.vector_store %arg10[%swap3A_42], %add3A_41 {strides = array<i32>} : memref<128xi32, #tpu.memory_space<vmem>>, vector<16xi32>,
    %add3A_44 = arith.constant 10208 : i32
    %add3A_45 = vector.broadcast %add3A_44 : i32 to vector<16xi32>
    %add3A_46 = arith.addi %iota3A, %add3A_45 : vector<16xi32>
    %swap3A_47 = arith.constant 96 : index
    %swap3A_48 = tpu.vector_load %arg10[%swap3A_47] {strides = array<i32>} : memref<128xi32, #tpu.memory_space<vmem>>, vector<16xi32>,
    tpu.vector_store %arg10[%swap3A_47], %add3A_46 {strides = array<i32>} : memref<128xi32, #tpu.memory_space<vmem>>, vector<16xi32>,
    %add3A_49 = arith.constant 10224 : i32
    %add3A_50 = vector.broadcast %add3A_49 : i32 to vector<16xi32>
    %add3A_51 = arith.addi %iota3A, %add3A_50 : vector<16xi32>
    %swap3A_52 = arith.constant 112 : index
    %swap3A_53 = tpu.vector_load %arg10[%swap3A_52] {strides = array<i32>} : memref<128xi32, #tpu.memory_space<vmem>>, vector<16xi32>,
    tpu.vector_store %arg10[%swap3A_52], %add3A_51 {strides = array<i32>} : memref<128xi32, #tpu.memory_space<vmem>>, vector<16xi32>,
    %mul3A = arith.constant 640 : i32
    %mul3A_54 = arith.muli %arg1, %mul3A : i32
    %add3A_55 = arith.constant 0 : i32
    %add3A_56 = arith.addi %mul3A_54, %add3A_55 : i32
    "tpu.region"() ({
      %run_scoped3A_464 = tpu.sem_alloc : memref<!tpu.dma_semaphore, #tpu.memory_space<semaphore_mem>>
      %dma_start3A_465 = arith.constant 0 : i32
      %dma_start3A_466 = arith.constant 0 : i32
      %dma_start3A_467 = tpu.memref_slice %arg11[%dma_start3A_465, %dma_start3A_466] : memref<32x128xf32, #tpu.memory_space<vmem>> -> memref<32x128xf32, #tpu.memory_space<vmem>>
      %dma_start3A_468 = arith.constant 0 : i32
      %dma_start3A_469 = tpu.memref_slice %arg14[%add3A_56, %dma_start3A_468] : memref<10240x128xf32, #tpu.memory_space<vmem_shared>> -> memref<32x128xf32, #tpu.memory_space<vmem_shared>>
      %dma_start3A_470 = arith.constant 0 : i32
      %dma_start3A_471 = tpu.memref_slice %arg14[%add3A_56, %dma_start3A_470] : memref<10240x128xf32, #tpu.memory_space<vmem_shared>> -> memref<32x128xf32, #tpu.memory_space<vmem_shared>>
      %dma_start3A_472 = arith.constant 0 : i32
      %dma_start3A_473 = arith.constant 0 : i32
      %dma_start3A_474 = tpu.memref_slice %arg11[%dma_start3A_472, %dma_start3A_473] : memref<32x128xf32, #tpu.memory_space<vmem>> -> memref<32x128xf32, #tpu.memory_space<vmem>>
      tpu.enqueue_dma source(%dma_start3A_474 : memref<32x128xf32, #tpu.memory_space<vmem>>) target(%dma_start3A_471 : memref<32x128xf32, #tpu.memory_space<vmem_shared>>) target_semaphore(%run_scoped3A_464 : memref<!tpu.dma_semaphore, #tpu.memory_space<semaphore_mem>>)
      %dma_wait3A = arith.constant 0 : i32
      %dma_wait3A_475 = arith.constant 0 : i32
      %dma_wait3A_476 = tpu.memref_slice %arg11[%dma_wait3A, %dma_wait3A_475] : memref<32x128xf32, #tpu.memory_space<vmem>> -> memref<32x128xf32, #tpu.memory_space<vmem>>
      %dma_wait3A_477 = arith.constant 0 : i32
      %dma_wait3A_478 = tpu.memref_slice %arg14[%add3A_56, %dma_wait3A_477] : memref<10240x128xf32, #tpu.memory_space<vmem_shared>> -> memref<32x128xf32, #tpu.memory_space<vmem_shared>>
      %dma_wait3A_479 = arith.constant 0 : i32
      %dma_wait3A_480 = tpu.memref_slice %arg14[%add3A_56, %dma_wait3A_479] : memref<10240x128xf32, #tpu.memory_space<vmem_shared>> -> memref<32x128xf32, #tpu.memory_space<vmem_shared>>
      %dma_wait3A_481 = arith.constant 0 : i32
      %dma_wait3A_482 = arith.constant 0 : i32
      %dma_wait3A_483 = tpu.memref_slice %arg11[%dma_wait3A_481, %dma_wait3A_482] : memref<32x128xf32, #tpu.memory_space<vmem>> -> memref<32x128xf32, #tpu.memory_space<vmem>>
      tpu.wait_dma2 semaphore(%run_scoped3A_464 : memref<!tpu.dma_semaphore, #tpu.memory_space<semaphore_mem>>) src(%dma_wait3A_483 : memref<32x128xf32, #tpu.memory_space<vmem>>) dst(%dma_wait3A_480 : memref<32x128xf32, #tpu.memory_space<vmem_shared>>)
      tpu.yield
    }) : () -> ()
    %mul3A_57 = arith.constant 640 : i32
    %mul3A_58 = arith.muli %arg1, %mul3A_57 : i32
    %add3A_59 = arith.constant 32 : i32
    %add3A_60 = arith.addi %mul3A_58, %add3A_59 : i32
    "tpu.region"() ({
      %run_scoped3A_464 = tpu.sem_alloc : memref<!tpu.dma_semaphore, #tpu.memory_space<semaphore_mem>>
      %dma_start3A_465 = arith.constant 0 : i32
      %dma_start3A_466 = arith.constant 0 : i32
      %dma_start3A_467 = tpu.memref_slice %arg11[%dma_start3A_465, %dma_start3A_466] : memref<32x128xf32, #tpu.memory_space<vmem>> -> memref<32x128xf32, #tpu.memory_space<vmem>>
      %dma_start3A_468 = arith.constant 0 : i32
      %dma_start3A_469 = tpu.memref_slice %arg14[%add3A_60, %dma_start3A_468] : memref<10240x128xf32, #tpu.memory_space<vmem_shared>> -> memref<32x128xf32, #tpu.memory_space<vmem_shared>>
      %dma_start3A_470 = arith.constant 0 : i32
      %dma_start3A_471 = tpu.memref_slice %arg14[%add3A_60, %dma_start3A_470] : memref<10240x128xf32, #tpu.memory_space<vmem_shared>> -> memref<32x128xf32, #tpu.memory_space<vmem_shared>>
      %dma_start3A_472 = arith.constant 0 : i32
      %dma_start3A_473 = arith.constant 0 : i32
      %dma_start3A_474 = tpu.memref_slice %arg11[%dma_start3A_472, %dma_start3A_473] : memref<32x128xf32, #tpu.memory_space<vmem>> -> memref<32x128xf32, #tpu.memory_space<vmem>>
      tpu.enqueue_dma source(%dma_start3A_474 : memref<32x128xf32, #tpu.memory_space<vmem>>) target(%dma_start3A_471 : memref<32x128xf32, #tpu.memory_space<vmem_shared>>) target_semaphore(%run_scoped3A_464 : memref<!tpu.dma_semaphore, #tpu.memory_space<semaphore_mem>>)
      %dma_wait3A = arith.constant 0 : i32
      %dma_wait3A_475 = arith.constant 0 : i32
      %dma_wait3A_476 = tpu.memref_slice %arg11[%dma_wait3A, %dma_wait3A_475] : memref<32x128xf32, #tpu.memory_space<vmem>> -> memref<32x128xf32, #tpu.memory_space<vmem>>
      %dma_wait3A_477 = arith.constant 0 : i32
      %dma_wait3A_478 = tpu.memref_slice %arg14[%add3A_60, %dma_wait3A_477] : memref<10240x128xf32, #tpu.memory_space<vmem_shared>> -> memref<32x128xf32, #tpu.memory_space<vmem_shared>>
      %dma_wait3A_479 = arith.constant 0 : i32
      %dma_wait3A_480 = tpu.memref_slice %arg14[%add3A_60, %dma_wait3A_479] : memref<10240x128xf32, #tpu.memory_space<vmem_shared>> -> memref<32x128xf32, #tpu.memory_space<vmem_shared>>
      %dma_wait3A_481 = arith.constant 0 : i32
      %dma_wait3A_482 = arith.constant 0 : i32
      %dma_wait3A_483 = tpu.memref_slice %arg11[%dma_wait3A_481, %dma_wait3A_482] : memref<32x128xf32, #tpu.memory_space<vmem>> -> memref<32x128xf32, #tpu.memory_space<vmem>>
      tpu.wait_dma2 semaphore(%run_scoped3A_464 : memref<!tpu.dma_semaphore, #tpu.memory_space<semaphore_mem>>) src(%dma_wait3A_483 : memref<32x128xf32, #tpu.memory_space<vmem>>) dst(%dma_wait3A_480 : memref<32x128xf32, #tpu.memory_space<vmem_shared>>)
      tpu.yield
    }) : () -> ()
    %mul3A_61 = arith.constant 640 : i32
    %mul3A_62 = arith.muli %arg1, %mul3A_61 : i32
    %add3A_63 = arith.constant 64 : i32
    %add3A_64 = arith.addi %mul3A_62, %add3A_63 : i32
    "tpu.region"() ({
      %run_scoped3A_464 = tpu.sem_alloc : memref<!tpu.dma_semaphore, #tpu.memory_space<semaphore_mem>>
      %dma_start3A_465 = arith.constant 0 : i32
      %dma_start3A_466 = arith.constant 0 : i32
      %dma_start3A_467 = tpu.memref_slice %arg11[%dma_start3A_465, %dma_start3A_466] : memref<32x128xf32, #tpu.memory_space<vmem>> -> memref<32x128xf32, #tpu.memory_space<vmem>>
      %dma_start3A_468 = arith.constant 0 : i32
      %dma_start3A_469 = tpu.memref_slice %arg14[%add3A_64, %dma_start3A_468] : memref<10240x128xf32, #tpu.memory_space<vmem_shared>> -> memref<32x128xf32, #tpu.memory_space<vmem_shared>>
      %dma_start3A_470 = arith.constant 0 : i32
      %dma_start3A_471 = tpu.memref_slice %arg14[%add3A_64, %dma_start3A_470] : memref<10240x128xf32, #tpu.memory_space<vmem_shared>> -> memref<32x128xf32, #tpu.memory_space<vmem_shared>>
      %dma_start3A_472 = arith.constant 0 : i32
      %dma_start3A_473 = arith.constant 0 : i32
      %dma_start3A_474 = tpu.memref_slice %arg11[%dma_start3A_472, %dma_start3A_473] : memref<32x128xf32, #tpu.memory_space<vmem>> -> memref<32x128xf32, #tpu.memory_space<vmem>>
      tpu.enqueue_dma source(%dma_start3A_474 : memref<32x128xf32, #tpu.memory_space<vmem>>) target(%dma_start3A_471 : memref<32x128xf32, #tpu.memory_space<vmem_shared>>) target_semaphore(%run_scoped3A_464 : memref<!tpu.dma_semaphore, #tpu.memory_space<semaphore_mem>>)
      %dma_wait3A = arith.constant 0 : i32
      %dma_wait3A_475 = arith.constant 0 : i32
      %dma_wait3A_476 = tpu.memref_slice %arg11[%dma_wait3A, %dma_wait3A_475] : memref<32x128xf32, #tpu.memory_space<vmem>> -> memref<32x128xf32, #tpu.memory_space<vmem>>
      %dma_wait3A_477 = arith.constant 0 : i32
      %dma_wait3A_478 = tpu.memref_slice %arg14[%add3A_64, %dma_wait3A_477] : memref<10240x128xf32, #tpu.memory_space<vmem_shared>> -> memref<32x128xf32, #tpu.memory_space<vmem_shared>>
      %dma_wait3A_479 = arith.constant 0 : i32
      %dma_wait3A_480 = tpu.memref_slice %arg14[%add3A_64, %dma_wait3A_479] : memref<10240x128xf32, #tpu.memory_space<vmem_shared>> -> memref<32x128xf32, #tpu.memory_space<vmem_shared>>
      %dma_wait3A_481 = arith.constant 0 : i32
      %dma_wait3A_482 = arith.constant 0 : i32
      %dma_wait3A_483 = tpu.memref_slice %arg11[%dma_wait3A_481, %dma_wait3A_482] : memref<32x128xf32, #tpu.memory_space<vmem>> -> memref<32x128xf32, #tpu.memory_space<vmem>>
      tpu.wait_dma2 semaphore(%run_scoped3A_464 : memref<!tpu.dma_semaphore, #tpu.memory_space<semaphore_mem>>) src(%dma_wait3A_483 : memref<32x128xf32, #tpu.memory_space<vmem>>) dst(%dma_wait3A_480 : memref<32x128xf32, #tpu.memory_space<vmem_shared>>)
      tpu.yield
    }) : () -> ()
    %mul3A_65 = arith.constant 640 : i32
    %mul3A_66 = arith.muli %arg1, %mul3A_65 : i32
    %add3A_67 = arith.constant 96 : i32
    %add3A_68 = arith.addi %mul3A_66, %add3A_67 : i32
    "tpu.region"() ({
      %run_scoped3A_464 = tpu.sem_alloc : memref<!tpu.dma_semaphore, #tpu.memory_space<semaphore_mem>>
      %dma_start3A_465 = arith.constant 0 : i32
      %dma_start3A_466 = arith.constant 0 : i32
      %dma_start3A_467 = tpu.memref_slice %arg11[%dma_start3A_465, %dma_start3A_466] : memref<32x128xf32, #tpu.memory_space<vmem>> -> memref<32x128xf32, #tpu.memory_space<vmem>>
      %dma_start3A_468 = arith.constant 0 : i32
      %dma_start3A_469 = tpu.memref_slice %arg14[%add3A_68, %dma_start3A_468] : memref<10240x128xf32, #tpu.memory_space<vmem_shared>> -> memref<32x128xf32, #tpu.memory_space<vmem_shared>>
      %dma_start3A_470 = arith.constant 0 : i32
      %dma_start3A_471 = tpu.memref_slice %arg14[%add3A_68, %dma_start3A_470] : memref<10240x128xf32, #tpu.memory_space<vmem_shared>> -> memref<32x128xf32, #tpu.memory_space<vmem_shared>>
      %dma_start3A_472 = arith.constant 0 : i32
      %dma_start3A_473 = arith.constant 0 : i32
      %dma_start3A_474 = tpu.memref_slice %arg11[%dma_start3A_472, %dma_start3A_473] : memref<32x128xf32, #tpu.memory_space<vmem>> -> memref<32x128xf32, #tpu.memory_space<vmem>>
      tpu.enqueue_dma source(%dma_start3A_474 : memref<32x128xf32, #tpu.memory_space<vmem>>) target(%dma_start3A_471 : memref<32x128xf32, #tpu.memory_space<vmem_shared>>) target_semaphore(%run_scoped3A_464 : memref<!tpu.dma_semaphore, #tpu.memory_space<semaphore_mem>>)
      %dma_wait3A = arith.constant 0 : i32
      %dma_wait3A_475 = arith.constant 0 : i32
      %dma_wait3A_476 = tpu.memref_slice %arg11[%dma_wait3A, %dma_wait3A_475] : memref<32x128xf32, #tpu.memory_space<vmem>> -> memref<32x128xf32, #tpu.memory_space<vmem>>
      %dma_wait3A_477 = arith.constant 0 : i32
      %dma_wait3A_478 = tpu.memref_slice %arg14[%add3A_68, %dma_wait3A_477] : memref<10240x128xf32, #tpu.memory_space<vmem_shared>> -> memref<32x128xf32, #tpu.memory_space<vmem_shared>>
      %dma_wait3A_479 = arith.constant 0 : i32
      %dma_wait3A_480 = tpu.memref_slice %arg14[%add3A_68, %dma_wait3A_479] : memref<10240x128xf32, #tpu.memory_space<vmem_shared>> -> memref<32x128xf32, #tpu.memory_space<vmem_shared>>
      %dma_wait3A_481 = arith.constant 0 : i32
      %dma_wait3A_482 = arith.constant 0 : i32
      %dma_wait3A_483 = tpu.memref_slice %arg11[%dma_wait3A_481, %dma_wait3A_482] : memref<32x128xf32, #tpu.memory_space<vmem>> -> memref<32x128xf32, #tpu.memory_space<vmem>>
      tpu.wait_dma2 semaphore(%run_scoped3A_464 : memref<!tpu.dma_semaphore, #tpu.memory_space<semaphore_mem>>) src(%dma_wait3A_483 : memref<32x128xf32, #tpu.memory_space<vmem>>) dst(%dma_wait3A_480 : memref<32x128xf32, #tpu.memory_space<vmem_shared>>)
      tpu.yield
    }) : () -> ()
    %mul3A_69 = arith.constant 640 : i32
    %mul3A_70 = arith.muli %arg1, %mul3A_69 : i32
    %add3A_71 = arith.constant 128 : i32
    %add3A_72 = arith.addi %mul3A_70, %add3A_71 : i32
    "tpu.region"() ({
      %run_scoped3A_464 = tpu.sem_alloc : memref<!tpu.dma_semaphore, #tpu.memory_space<semaphore_mem>>
      %dma_start3A_465 = arith.constant 0 : i32
      %dma_start3A_466 = arith.constant 0 : i32
      %dma_start3A_467 = tpu.memref_slice %arg11[%dma_start3A_465, %dma_start3A_466] : memref<32x128xf32, #tpu.memory_space<vmem>> -> memref<32x128xf32, #tpu.memory_space<vmem>>
      %dma_start3A_468 = arith.constant 0 : i32
      %dma_start3A_469 = tpu.memref_slice %arg14[%add3A_72, %dma_start3A_468] : memref<10240x128xf32, #tpu.memory_space<vmem_shared>> -> memref<32x128xf32, #tpu.memory_space<vmem_shared>>
      %dma_start3A_470 = arith.constant 0 : i32
      %dma_start3A_471 = tpu.memref_slice %arg14[%add3A_72, %dma_start3A_470] : memref<10240x128xf32, #tpu.memory_space<vmem_shared>> -> memref<32x128xf32, #tpu.memory_space<vmem_shared>>
      %dma_start3A_472 = arith.constant 0 : i32
      %dma_start3A_473 = arith.constant 0 : i32
      %dma_start3A_474 = tpu.memref_slice %arg11[%dma_start3A_472, %dma_start3A_473] : memref<32x128xf32, #tpu.memory_space<vmem>> -> memref<32x128xf32, #tpu.memory_space<vmem>>
      tpu.enqueue_dma source(%dma_start3A_474 : memref<32x128xf32, #tpu.memory_space<vmem>>) target(%dma_start3A_471 : memref<32x128xf32, #tpu.memory_space<vmem_shared>>) target_semaphore(%run_scoped3A_464 : memref<!tpu.dma_semaphore, #tpu.memory_space<semaphore_mem>>)
      %dma_wait3A = arith.constant 0 : i32
      %dma_wait3A_475 = arith.constant 0 : i32
      %dma_wait3A_476 = tpu.memref_slice %arg11[%dma_wait3A, %dma_wait3A_475] : memref<32x128xf32, #tpu.memory_space<vmem>> -> memref<32x128xf32, #tpu.memory_space<vmem>>
      %dma_wait3A_477 = arith.constant 0 : i32
      %dma_wait3A_478 = tpu.memref_slice %arg14[%add3A_72, %dma_wait3A_477] : memref<10240x128xf32, #tpu.memory_space<vmem_shared>> -> memref<32x128xf32, #tpu.memory_space<vmem_shared>>
      %dma_wait3A_479 = arith.constant 0 : i32
      %dma_wait3A_480 = tpu.memref_slice %arg14[%add3A_72, %dma_wait3A_479] : memref<10240x128xf32, #tpu.memory_space<vmem_shared>> -> memref<32x128xf32, #tpu.memory_space<vmem_shared>>
      %dma_wait3A_481 = arith.constant 0 : i32
      %dma_wait3A_482 = arith.constant 0 : i32
      %dma_wait3A_483 = tpu.memref_slice %arg11[%dma_wait3A_481, %dma_wait3A_482] : memref<32x128xf32, #tpu.memory_space<vmem>> -> memref<32x128xf32, #tpu.memory_space<vmem>>
      tpu.wait_dma2 semaphore(%run_scoped3A_464 : memref<!tpu.dma_semaphore, #tpu.memory_space<semaphore_mem>>) src(%dma_wait3A_483 : memref<32x128xf32, #tpu.memory_space<vmem>>) dst(%dma_wait3A_480 : memref<32x128xf32, #tpu.memory_space<vmem_shared>>)
      tpu.yield
    }) : () -> ()
    %mul3A_73 = arith.constant 640 : i32
    %mul3A_74 = arith.muli %arg1, %mul3A_73 : i32
    %add3A_75 = arith.constant 160 : i32
    %add3A_76 = arith.addi %mul3A_74, %add3A_75 : i32
    "tpu.region"() ({
      %run_scoped3A_464 = tpu.sem_alloc : memref<!tpu.dma_semaphore, #tpu.memory_space<semaphore_mem>>
      %dma_start3A_465 = arith.constant 0 : i32
      %dma_start3A_466 = arith.constant 0 : i32
      %dma_start3A_467 = tpu.memref_slice %arg11[%dma_start3A_465, %dma_start3A_466] : memref<32x128xf32, #tpu.memory_space<vmem>> -> memref<32x128xf32, #tpu.memory_space<vmem>>
      %dma_start3A_468 = arith.constant 0 : i32
      %dma_start3A_469 = tpu.memref_slice %arg14[%add3A_76, %dma_start3A_468] : memref<10240x128xf32, #tpu.memory_space<vmem_shared>> -> memref<32x128xf32, #tpu.memory_space<vmem_shared>>
      %dma_start3A_470 = arith.constant 0 : i32
      %dma_start3A_471 = tpu.memref_slice %arg14[%add3A_76, %dma_start3A_470] : memref<10240x128xf32, #tpu.memory_space<vmem_shared>> -> memref<32x128xf32, #tpu.memory_space<vmem_shared>>
      %dma_start3A_472 = arith.constant 0 : i32
      %dma_start3A_473 = arith.constant 0 : i32
      %dma_start3A_474 = tpu.memref_slice %arg11[%dma_start3A_472, %dma_start3A_473] : memref<32x128xf32, #tpu.memory_space<vmem>> -> memref<32x128xf32, #tpu.memory_space<vmem>>
      tpu.enqueue_dma source(%dma_start3A_474 : memref<32x128xf32, #tpu.memory_space<vmem>>) target(%dma_start3A_471 : memref<32x128xf32, #tpu.memory_space<vmem_shared>>) target_semaphore(%run_scoped3A_464 : memref<!tpu.dma_semaphore, #tpu.memory_space<semaphore_mem>>)
      %dma_wait3A = arith.constant 0 : i32
      %dma_wait3A_475 = arith.constant 0 : i32
      %dma_wait3A_476 = tpu.memref_slice %arg11[%dma_wait3A, %dma_wait3A_475] : memref<32x128xf32, #tpu.memory_space<vmem>> -> memref<32x128xf32, #tpu.memory_space<vmem>>
      %dma_wait3A_477 = arith.constant 0 : i32
      %dma_wait3A_478 = tpu.memref_slice %arg14[%add3A_76, %dma_wait3A_477] : memref<10240x128xf32, #tpu.memory_space<vmem_shared>> -> memref<32x128xf32, #tpu.memory_space<vmem_shared>>
      %dma_wait3A_479 = arith.constant 0 : i32
      %dma_wait3A_480 = tpu.memref_slice %arg14[%add3A_76, %dma_wait3A_479] : memref<10240x128xf32, #tpu.memory_space<vmem_shared>> -> memref<32x128xf32, #tpu.memory_space<vmem_shared>>
      %dma_wait3A_481 = arith.constant 0 : i32
      %dma_wait3A_482 = arith.constant 0 : i32
      %dma_wait3A_483 = tpu.memref_slice %arg11[%dma_wait3A_481, %dma_wait3A_482] : memref<32x128xf32, #tpu.memory_space<vmem>> -> memref<32x128xf32, #tpu.memory_space<vmem>>
      tpu.wait_dma2 semaphore(%run_scoped3A_464 : memref<!tpu.dma_semaphore, #tpu.memory_space<semaphore_mem>>) src(%dma_wait3A_483 : memref<32x128xf32, #tpu.memory_space<vmem>>) dst(%dma_wait3A_480 : memref<32x128xf32, #tpu.memory_space<vmem_shared>>)
      tpu.yield
    }) : () -> ()
    %mul3A_77 = arith.constant 640 : i32
    %mul3A_78 = arith.muli %arg1, %mul3A_77 : i32
    %add3A_79 = arith.constant 192 : i32
    %add3A_80 = arith.addi %mul3A_78, %add3A_79 : i32
    "tpu.region"() ({
      %run_scoped3A_464 = tpu.sem_alloc : memref<!tpu.dma_semaphore, #tpu.memory_space<semaphore_mem>>
      %dma_start3A_465 = arith.constant 0 : i32
      %dma_start3A_466 = arith.constant 0 : i32
      %dma_start3A_467 = tpu.memref_slice %arg11[%dma_start3A_465, %dma_start3A_466] : memref<32x128xf32, #tpu.memory_space<vmem>> -> memref<32x128xf32, #tpu.memory_space<vmem>>
      %dma_start3A_468 = arith.constant 0 : i32
      %dma_start3A_469 = tpu.memref_slice %arg14[%add3A_80, %dma_start3A_468] : memref<10240x128xf32, #tpu.memory_space<vmem_shared>> -> memref<32x128xf32, #tpu.memory_space<vmem_shared>>
      %dma_start3A_470 = arith.constant 0 : i32
      %dma_start3A_471 = tpu.memref_slice %arg14[%add3A_80, %dma_start3A_470] : memref<10240x128xf32, #tpu.memory_space<vmem_shared>> -> memref<32x128xf32, #tpu.memory_space<vmem_shared>>
      %dma_start3A_472 = arith.constant 0 : i32
      %dma_start3A_473 = arith.constant 0 : i32
      %dma_start3A_474 = tpu.memref_slice %arg11[%dma_start3A_472, %dma_start3A_473] : memref<32x128xf32, #tpu.memory_space<vmem>> -> memref<32x128xf32, #tpu.memory_space<vmem>>
      tpu.enqueue_dma source(%dma_start3A_474 : memref<32x128xf32, #tpu.memory_space<vmem>>) target(%dma_start3A_471 : memref<32x128xf32, #tpu.memory_space<vmem_shared>>) target_semaphore(%run_scoped3A_464 : memref<!tpu.dma_semaphore, #tpu.memory_space<semaphore_mem>>)
      %dma_wait3A = arith.constant 0 : i32
      %dma_wait3A_475 = arith.constant 0 : i32
      %dma_wait3A_476 = tpu.memref_slice %arg11[%dma_wait3A, %dma_wait3A_475] : memref<32x128xf32, #tpu.memory_space<vmem>> -> memref<32x128xf32, #tpu.memory_space<vmem>>
      %dma_wait3A_477 = arith.constant 0 : i32
      %dma_wait3A_478 = tpu.memref_slice %arg14[%add3A_80, %dma_wait3A_477] : memref<10240x128xf32, #tpu.memory_space<vmem_shared>> -> memref<32x128xf32, #tpu.memory_space<vmem_shared>>
      %dma_wait3A_479 = arith.constant 0 : i32
      %dma_wait3A_480 = tpu.memref_slice %arg14[%add3A_80, %dma_wait3A_479] : memref<10240x128xf32, #tpu.memory_space<vmem_shared>> -> memref<32x128xf32, #tpu.memory_space<vmem_shared>>
      %dma_wait3A_481 = arith.constant 0 : i32
      %dma_wait3A_482 = arith.constant 0 : i32
      %dma_wait3A_483 = tpu.memref_slice %arg11[%dma_wait3A_481, %dma_wait3A_482] : memref<32x128xf32, #tpu.memory_space<vmem>> -> memref<32x128xf32, #tpu.memory_space<vmem>>
      tpu.wait_dma2 semaphore(%run_scoped3A_464 : memref<!tpu.dma_semaphore, #tpu.memory_space<semaphore_mem>>) src(%dma_wait3A_483 : memref<32x128xf32, #tpu.memory_space<vmem>>) dst(%dma_wait3A_480 : memref<32x128xf32, #tpu.memory_space<vmem_shared>>)
      tpu.yield
    }) : () -> ()
    %mul3A_81 = arith.constant 640 : i32
    %mul3A_82 = arith.muli %arg1, %mul3A_81 : i32
    %add3A_83 = arith.constant 224 : i32
    %add3A_84 = arith.addi %mul3A_82, %add3A_83 : i32
    "tpu.region"() ({
      %run_scoped3A_464 = tpu.sem_alloc : memref<!tpu.dma_semaphore, #tpu.memory_space<semaphore_mem>>
      %dma_start3A_465 = arith.constant 0 : i32
      %dma_start3A_466 = arith.constant 0 : i32
      %dma_start3A_467 = tpu.memref_slice %arg11[%dma_start3A_465, %dma_start3A_466] : memref<32x128xf32, #tpu.memory_space<vmem>> -> memref<32x128xf32, #tpu.memory_space<vmem>>
      %dma_start3A_468 = arith.constant 0 : i32
      %dma_start3A_469 = tpu.memref_slice %arg14[%add3A_84, %dma_start3A_468] : memref<10240x128xf32, #tpu.memory_space<vmem_shared>> -> memref<32x128xf32, #tpu.memory_space<vmem_shared>>
      %dma_start3A_470 = arith.constant 0 : i32
      %dma_start3A_471 = tpu.memref_slice %arg14[%add3A_84, %dma_start3A_470] : memref<10240x128xf32, #tpu.memory_space<vmem_shared>> -> memref<32x128xf32, #tpu.memory_space<vmem_shared>>
      %dma_start3A_472 = arith.constant 0 : i32
      %dma_start3A_473 = arith.constant 0 : i32
      %dma_start3A_474 = tpu.memref_slice %arg11[%dma_start3A_472, %dma_start3A_473] : memref<32x128xf32, #tpu.memory_space<vmem>> -> memref<32x128xf32, #tpu.memory_space<vmem>>
      tpu.enqueue_dma source(%dma_start3A_474 : memref<32x128xf32, #tpu.memory_space<vmem>>) target(%dma_start3A_471 : memref<32x128xf32, #tpu.memory_space<vmem_shared>>) target_semaphore(%run_scoped3A_464 : memref<!tpu.dma_semaphore, #tpu.memory_space<semaphore_mem>>)
      %dma_wait3A = arith.constant 0 : i32
      %dma_wait3A_475 = arith.constant 0 : i32
      %dma_wait3A_476 = tpu.memref_slice %arg11[%dma_wait3A, %dma_wait3A_475] : memref<32x128xf32, #tpu.memory_space<vmem>> -> memref<32x128xf32, #tpu.memory_space<vmem>>
      %dma_wait3A_477 = arith.constant 0 : i32
      %dma_wait3A_478 = tpu.memref_slice %arg14[%add3A_84, %dma_wait3A_477] : memref<10240x128xf32, #tpu.memory_space<vmem_shared>> -> memref<32x128xf32, #tpu.memory_space<vmem_shared>>
      %dma_wait3A_479 = arith.constant 0 : i32
      %dma_wait3A_480 = tpu.memref_slice %arg14[%add3A_84, %dma_wait3A_479] : memref<10240x128xf32, #tpu.memory_space<vmem_shared>> -> memref<32x128xf32, #tpu.memory_space<vmem_shared>>
      %dma_wait3A_481 = arith.constant 0 : i32
      %dma_wait3A_482 = arith.constant 0 : i32
      %dma_wait3A_483 = tpu.memref_slice %arg11[%dma_wait3A_481, %dma_wait3A_482] : memref<32x128xf32, #tpu.memory_space<vmem>> -> memref<32x128xf32, #tpu.memory_space<vmem>>
      tpu.wait_dma2 semaphore(%run_scoped3A_464 : memref<!tpu.dma_semaphore, #tpu.memory_space<semaphore_mem>>) src(%dma_wait3A_483 : memref<32x128xf32, #tpu.memory_space<vmem>>) dst(%dma_wait3A_480 : memref<32x128xf32, #tpu.memory_space<vmem_shared>>)
      tpu.yield
    }) : () -> ()
    %mul3A_85 = arith.constant 640 : i32
    %mul3A_86 = arith.muli %arg1, %mul3A_85 : i32
    %add3A_87 = arith.constant 256 : i32
    %add3A_88 = arith.addi %mul3A_86, %add3A_87 : i32
    "tpu.region"() ({
      %run_scoped3A_464 = tpu.sem_alloc : memref<!tpu.dma_semaphore, #tpu.memory_space<semaphore_mem>>
      %dma_start3A_465 = arith.constant 0 : i32
      %dma_start3A_466 = arith.constant 0 : i32
      %dma_start3A_467 = tpu.memref_slice %arg11[%dma_start3A_465, %dma_start3A_466] : memref<32x128xf32, #tpu.memory_space<vmem>> -> memref<32x128xf32, #tpu.memory_space<vmem>>
      %dma_start3A_468 = arith.constant 0 : i32
      %dma_start3A_469 = tpu.memref_slice %arg14[%add3A_88, %dma_start3A_468] : memref<10240x128xf32, #tpu.memory_space<vmem_shared>> -> memref<32x128xf32, #tpu.memory_space<vmem_shared>>
      %dma_start3A_470 = arith.constant 0 : i32
      %dma_start3A_471 = tpu.memref_slice %arg14[%add3A_88, %dma_start3A_470] : memref<10240x128xf32, #tpu.memory_space<vmem_shared>> -> memref<32x128xf32, #tpu.memory_space<vmem_shared>>
      %dma_start3A_472 = arith.constant 0 : i32
      %dma_start3A_473 = arith.constant 0 : i32
      %dma_start3A_474 = tpu.memref_slice %arg11[%dma_start3A_472, %dma_start3A_473] : memref<32x128xf32, #tpu.memory_space<vmem>> -> memref<32x128xf32, #tpu.memory_space<vmem>>
      tpu.enqueue_dma source(%dma_start3A_474 : memref<32x128xf32, #tpu.memory_space<vmem>>) target(%dma_start3A_471 : memref<32x128xf32, #tpu.memory_space<vmem_shared>>) target_semaphore(%run_scoped3A_464 : memref<!tpu.dma_semaphore, #tpu.memory_space<semaphore_mem>>)
      %dma_wait3A = arith.constant 0 : i32
      %dma_wait3A_475 = arith.constant 0 : i32
      %dma_wait3A_476 = tpu.memref_slice %arg11[%dma_wait3A, %dma_wait3A_475] : memref<32x128xf32, #tpu.memory_space<vmem>> -> memref<32x128xf32, #tpu.memory_space<vmem>>
      %dma_wait3A_477 = arith.constant 0 : i32
      %dma_wait3A_478 = tpu.memref_slice %arg14[%add3A_88, %dma_wait3A_477] : memref<10240x128xf32, #tpu.memory_space<vmem_shared>> -> memref<32x128xf32, #tpu.memory_space<vmem_shared>>
      %dma_wait3A_479 = arith.constant 0 : i32
      %dma_wait3A_480 = tpu.memref_slice %arg14[%add3A_88, %dma_wait3A_479] : memref<10240x128xf32, #tpu.memory_space<vmem_shared>> -> memref<32x128xf32, #tpu.memory_space<vmem_shared>>
      %dma_wait3A_481 = arith.constant 0 : i32
      %dma_wait3A_482 = arith.constant 0 : i32
      %dma_wait3A_483 = tpu.memref_slice %arg11[%dma_wait3A_481, %dma_wait3A_482] : memref<32x128xf32, #tpu.memory_space<vmem>> -> memref<32x128xf32, #tpu.memory_space<vmem>>
      tpu.wait_dma2 semaphore(%run_scoped3A_464 : memref<!tpu.dma_semaphore, #tpu.memory_space<semaphore_mem>>) src(%dma_wait3A_483 : memref<32x128xf32, #tpu.memory_space<vmem>>) dst(%dma_wait3A_480 : memref<32x128xf32, #tpu.memory_space<vmem_shared>>)
      tpu.yield
    }) : () -> ()
    %mul3A_89 = arith.constant 640 : i32
    %mul3A_90 = arith.muli %arg1, %mul3A_89 : i32
    %add3A_91 = arith.constant 288 : i32
    %add3A_92 = arith.addi %mul3A_90, %add3A_91 : i32
    "tpu.region"() ({
      %run_scoped3A_464 = tpu.sem_alloc : memref<!tpu.dma_semaphore, #tpu.memory_space<semaphore_mem>>
      %dma_start3A_465 = arith.constant 0 : i32
      %dma_start3A_466 = arith.constant 0 : i32
      %dma_start3A_467 = tpu.memref_slice %arg11[%dma_start3A_465, %dma_start3A_466] : memref<32x128xf32, #tpu.memory_space<vmem>> -> memref<32x128xf32, #tpu.memory_space<vmem>>
      %dma_start3A_468 = arith.constant 0 : i32
      %dma_start3A_469 = tpu.memref_slice %arg14[%add3A_92, %dma_start3A_468] : memref<10240x128xf32, #tpu.memory_space<vmem_shared>> -> memref<32x128xf32, #tpu.memory_space<vmem_shared>>
      %dma_start3A_470 = arith.constant 0 : i32
      %dma_start3A_471 = tpu.memref_slice %arg14[%add3A_92, %dma_start3A_470] : memref<10240x128xf32, #tpu.memory_space<vmem_shared>> -> memref<32x128xf32, #tpu.memory_space<vmem_shared>>
      %dma_start3A_472 = arith.constant 0 : i32
      %dma_start3A_473 = arith.constant 0 : i32
      %dma_start3A_474 = tpu.memref_slice %arg11[%dma_start3A_472, %dma_start3A_473] : memref<32x128xf32, #tpu.memory_space<vmem>> -> memref<32x128xf32, #tpu.memory_space<vmem>>
      tpu.enqueue_dma source(%dma_start3A_474 : memref<32x128xf32, #tpu.memory_space<vmem>>) target(%dma_start3A_471 : memref<32x128xf32, #tpu.memory_space<vmem_shared>>) target_semaphore(%run_scoped3A_464 : memref<!tpu.dma_semaphore, #tpu.memory_space<semaphore_mem>>)
      %dma_wait3A = arith.constant 0 : i32
      %dma_wait3A_475 = arith.constant 0 : i32
      %dma_wait3A_476 = tpu.memref_slice %arg11[%dma_wait3A, %dma_wait3A_475] : memref<32x128xf32, #tpu.memory_space<vmem>> -> memref<32x128xf32, #tpu.memory_space<vmem>>
      %dma_wait3A_477 = arith.constant 0 : i32
      %dma_wait3A_478 = tpu.memref_slice %arg14[%add3A_92, %dma_wait3A_477] : memref<10240x128xf32, #tpu.memory_space<vmem_shared>> -> memref<32x128xf32, #tpu.memory_space<vmem_shared>>
      %dma_wait3A_479 = arith.constant 0 : i32
      %dma_wait3A_480 = tpu.memref_slice %arg14[%add3A_92, %dma_wait3A_479] : memref<10240x128xf32, #tpu.memory_space<vmem_shared>> -> memref<32x128xf32, #tpu.memory_space<vmem_shared>>
      %dma_wait3A_481 = arith.constant 0 : i32
      %dma_wait3A_482 = arith.constant 0 : i32
      %dma_wait3A_483 = tpu.memref_slice %arg11[%dma_wait3A_481, %dma_wait3A_482] : memref<32x128xf32, #tpu.memory_space<vmem>> -> memref<32x128xf32, #tpu.memory_space<vmem>>
      tpu.wait_dma2 semaphore(%run_scoped3A_464 : memref<!tpu.dma_semaphore, #tpu.memory_space<semaphore_mem>>) src(%dma_wait3A_483 : memref<32x128xf32, #tpu.memory_space<vmem>>) dst(%dma_wait3A_480 : memref<32x128xf32, #tpu.memory_space<vmem_shared>>)
      tpu.yield
    }) : () -> ()
    %mul3A_93 = arith.constant 640 : i32
    %mul3A_94 = arith.muli %arg1, %mul3A_93 : i32
    %add3A_95 = arith.constant 320 : i32
    %add3A_96 = arith.addi %mul3A_94, %add3A_95 : i32
    "tpu.region"() ({
      %run_scoped3A_464 = tpu.sem_alloc : memref<!tpu.dma_semaphore, #tpu.memory_space<semaphore_mem>>
      %dma_start3A_465 = arith.constant 0 : i32
      %dma_start3A_466 = arith.constant 0 : i32
      %dma_start3A_467 = tpu.memref_slice %arg11[%dma_start3A_465, %dma_start3A_466] : memref<32x128xf32, #tpu.memory_space<vmem>> -> memref<32x128xf32, #tpu.memory_space<vmem>>
      %dma_start3A_468 = arith.constant 0 : i32
      %dma_start3A_469 = tpu.memref_slice %arg14[%add3A_96, %dma_start3A_468] : memref<10240x128xf32, #tpu.memory_space<vmem_shared>> -> memref<32x128xf32, #tpu.memory_space<vmem_shared>>
      %dma_start3A_470 = arith.constant 0 : i32
      %dma_start3A_471 = tpu.memref_slice %arg14[%add3A_96, %dma_start3A_470] : memref<10240x128xf32, #tpu.memory_space<vmem_shared>> -> memref<32x128xf32, #tpu.memory_space<vmem_shared>>
      %dma_start3A_472 = arith.constant 0 : i32
      %dma_start3A_473 = arith.constant 0 : i32
      %dma_start3A_474 = tpu.memref_slice %arg11[%dma_start3A_472, %dma_start3A_473] : memref<32x128xf32, #tpu.memory_space<vmem>> -> memref<32x128xf32, #tpu.memory_space<vmem>>
      tpu.enqueue_dma source(%dma_start3A_474 : memref<32x128xf32, #tpu.memory_space<vmem>>) target(%dma_start3A_471 : memref<32x128xf32, #tpu.memory_space<vmem_shared>>) target_semaphore(%run_scoped3A_464 : memref<!tpu.dma_semaphore, #tpu.memory_space<semaphore_mem>>)
      %dma_wait3A = arith.constant 0 : i32
      %dma_wait3A_475 = arith.constant 0 : i32
      %dma_wait3A_476 = tpu.memref_slice %arg11[%dma_wait3A, %dma_wait3A_475] : memref<32x128xf32, #tpu.memory_space<vmem>> -> memref<32x128xf32, #tpu.memory_space<vmem>>
      %dma_wait3A_477 = arith.constant 0 : i32
      %dma_wait3A_478 = tpu.memref_slice %arg14[%add3A_96, %dma_wait3A_477] : memref<10240x128xf32, #tpu.memory_space<vmem_shared>> -> memref<32x128xf32, #tpu.memory_space<vmem_shared>>
      %dma_wait3A_479 = arith.constant 0 : i32
      %dma_wait3A_480 = tpu.memref_slice %arg14[%add3A_96, %dma_wait3A_479] : memref<10240x128xf32, #tpu.memory_space<vmem_shared>> -> memref<32x128xf32, #tpu.memory_space<vmem_shared>>
      %dma_wait3A_481 = arith.constant 0 : i32
      %dma_wait3A_482 = arith.constant 0 : i32
      %dma_wait3A_483 = tpu.memref_slice %arg11[%dma_wait3A_481, %dma_wait3A_482] : memref<32x128xf32, #tpu.memory_space<vmem>> -> memref<32x128xf32, #tpu.memory_space<vmem>>
      tpu.wait_dma2 semaphore(%run_scoped3A_464 : memref<!tpu.dma_semaphore, #tpu.memory_space<semaphore_mem>>) src(%dma_wait3A_483 : memref<32x128xf32, #tpu.memory_space<vmem>>) dst(%dma_wait3A_480 : memref<32x128xf32, #tpu.memory_space<vmem_shared>>)
      tpu.yield
    }) : () -> ()
    %mul3A_97 = arith.constant 640 : i32
    %mul3A_98 = arith.muli %arg1, %mul3A_97 : i32
    %add3A_99 = arith.constant 352 : i32
    %add3A_100 = arith.addi %mul3A_98, %add3A_99 : i32
    "tpu.region"() ({
      %run_scoped3A_464 = tpu.sem_alloc : memref<!tpu.dma_semaphore, #tpu.memory_space<semaphore_mem>>
      %dma_start3A_465 = arith.constant 0 : i32
      %dma_start3A_466 = arith.constant 0 : i32
      %dma_start3A_467 = tpu.memref_slice %arg11[%dma_start3A_465, %dma_start3A_466] : memref<32x128xf32, #tpu.memory_space<vmem>> -> memref<32x128xf32, #tpu.memory_space<vmem>>
      %dma_start3A_468 = arith.constant 0 : i32
      %dma_start3A_469 = tpu.memref_slice %arg14[%add3A_100, %dma_start3A_468] : memref<10240x128xf32, #tpu.memory_space<vmem_shared>> -> memref<32x128xf32, #tpu.memory_space<vmem_shared>>
      %dma_start3A_470 = arith.constant 0 : i32
      %dma_start3A_471 = tpu.memref_slice %arg14[%add3A_100, %dma_start3A_470] : memref<10240x128xf32, #tpu.memory_space<vmem_shared>> -> memref<32x128xf32, #tpu.memory_space<vmem_shared>>
      %dma_start3A_472 = arith.constant 0 : i32
      %dma_start3A_473 = arith.constant 0 : i32
      %dma_start3A_474 = tpu.memref_slice %arg11[%dma_start3A_472, %dma_start3A_473] : memref<32x128xf32, #tpu.memory_space<vmem>> -> memref<32x128xf32, #tpu.memory_space<vmem>>
      tpu.enqueue_dma source(%dma_start3A_474 : memref<32x128xf32, #tpu.memory_space<vmem>>) target(%dma_start3A_471 : memref<32x128xf32, #tpu.memory_space<vmem_shared>>) target_semaphore(%run_scoped3A_464 : memref<!tpu.dma_semaphore, #tpu.memory_space<semaphore_mem>>)
      %dma_wait3A = arith.constant 0 : i32
      %dma_wait3A_475 = arith.constant 0 : i32
      %dma_wait3A_476 = tpu.memref_slice %arg11[%dma_wait3A, %dma_wait3A_475] : memref<32x128xf32, #tpu.memory_space<vmem>> -> memref<32x128xf32, #tpu.memory_space<vmem>>
      %dma_wait3A_477 = arith.constant 0 : i32
      %dma_wait3A_478 = tpu.memref_slice %arg14[%add3A_100, %dma_wait3A_477] : memref<10240x128xf32, #tpu.memory_space<vmem_shared>> -> memref<32x128xf32, #tpu.memory_space<vmem_shared>>
      %dma_wait3A_479 = arith.constant 0 : i32
      %dma_wait3A_480 = tpu.memref_slice %arg14[%add3A_100, %dma_wait3A_479] : memref<10240x128xf32, #tpu.memory_space<vmem_shared>> -> memref<32x128xf32, #tpu.memory_space<vmem_shared>>
      %dma_wait3A_481 = arith.constant 0 : i32
      %dma_wait3A_482 = arith.constant 0 : i32
      %dma_wait3A_483 = tpu.memref_slice %arg11[%dma_wait3A_481, %dma_wait3A_482] : memref<32x128xf32, #tpu.memory_space<vmem>> -> memref<32x128xf32, #tpu.memory_space<vmem>>
      tpu.wait_dma2 semaphore(%run_scoped3A_464 : memref<!tpu.dma_semaphore, #tpu.memory_space<semaphore_mem>>) src(%dma_wait3A_483 : memref<32x128xf32, #tpu.memory_space<vmem>>) dst(%dma_wait3A_480 : memref<32x128xf32, #tpu.memory_space<vmem_shared>>)
      tpu.yield
    }) : () -> ()
    %mul3A_101 = arith.constant 640 : i32
    %mul3A_102 = arith.muli %arg1, %mul3A_101 : i32
    %add3A_103 = arith.constant 384 : i32
    %add3A_104 = arith.addi %mul3A_102, %add3A_103 : i32
    "tpu.region"() ({
      %run_scoped3A_464 = tpu.sem_alloc : memref<!tpu.dma_semaphore, #tpu.memory_space<semaphore_mem>>
      %dma_start3A_465 = arith.constant 0 : i32
      %dma_start3A_466 = arith.constant 0 : i32
      %dma_start3A_467 = tpu.memref_slice %arg11[%dma_start3A_465, %dma_start3A_466] : memref<32x128xf32, #tpu.memory_space<vmem>> -> memref<32x128xf32, #tpu.memory_space<vmem>>
      %dma_start3A_468 = arith.constant 0 : i32
      %dma_start3A_469 = tpu.memref_slice %arg14[%add3A_104, %dma_start3A_468] : memref<10240x128xf32, #tpu.memory_space<vmem_shared>> -> memref<32x128xf32, #tpu.memory_space<vmem_shared>>
      %dma_start3A_470 = arith.constant 0 : i32
      %dma_start3A_471 = tpu.memref_slice %arg14[%add3A_104, %dma_start3A_470] : memref<10240x128xf32, #tpu.memory_space<vmem_shared>> -> memref<32x128xf32, #tpu.memory_space<vmem_shared>>
      %dma_start3A_472 = arith.constant 0 : i32
      %dma_start3A_473 = arith.constant 0 : i32
      %dma_start3A_474 = tpu.memref_slice %arg11[%dma_start3A_472, %dma_start3A_473] : memref<32x128xf32, #tpu.memory_space<vmem>> -> memref<32x128xf32, #tpu.memory_space<vmem>>
      tpu.enqueue_dma source(%dma_start3A_474 : memref<32x128xf32, #tpu.memory_space<vmem>>) target(%dma_start3A_471 : memref<32x128xf32, #tpu.memory_space<vmem_shared>>) target_semaphore(%run_scoped3A_464 : memref<!tpu.dma_semaphore, #tpu.memory_space<semaphore_mem>>)
      %dma_wait3A = arith.constant 0 : i32
      %dma_wait3A_475 = arith.constant 0 : i32
      %dma_wait3A_476 = tpu.memref_slice %arg11[%dma_wait3A, %dma_wait3A_475] : memref<32x128xf32, #tpu.memory_space<vmem>> -> memref<32x128xf32, #tpu.memory_space<vmem>>
      %dma_wait3A_477 = arith.constant 0 : i32
      %dma_wait3A_478 = tpu.memref_slice %arg14[%add3A_104, %dma_wait3A_477] : memref<10240x128xf32, #tpu.memory_space<vmem_shared>> -> memref<32x128xf32, #tpu.memory_space<vmem_shared>>
      %dma_wait3A_479 = arith.constant 0 : i32
      %dma_wait3A_480 = tpu.memref_slice %arg14[%add3A_104, %dma_wait3A_479] : memref<10240x128xf32, #tpu.memory_space<vmem_shared>> -> memref<32x128xf32, #tpu.memory_space<vmem_shared>>
      %dma_wait3A_481 = arith.constant 0 : i32
      %dma_wait3A_482 = arith.constant 0 : i32
      %dma_wait3A_483 = tpu.memref_slice %arg11[%dma_wait3A_481, %dma_wait3A_482] : memref<32x128xf32, #tpu.memory_space<vmem>> -> memref<32x128xf32, #tpu.memory_space<vmem>>
      tpu.wait_dma2 semaphore(%run_scoped3A_464 : memref<!tpu.dma_semaphore, #tpu.memory_space<semaphore_mem>>) src(%dma_wait3A_483 : memref<32x128xf32, #tpu.memory_space<vmem>>) dst(%dma_wait3A_480 : memref<32x128xf32, #tpu.memory_space<vmem_shared>>)
      tpu.yield
    }) : () -> ()
    %mul3A_105 = arith.constant 640 : i32
    %mul3A_106 = arith.muli %arg1, %mul3A_105 : i32
    %add3A_107 = arith.constant 416 : i32
    %add3A_108 = arith.addi %mul3A_106, %add3A_107 : i32
    "tpu.region"() ({
      %run_scoped3A_464 = tpu.sem_alloc : memref<!tpu.dma_semaphore, #tpu.memory_space<semaphore_mem>>
      %dma_start3A_465 = arith.constant 0 : i32
      %dma_start3A_466 = arith.constant 0 : i32
      %dma_start3A_467 = tpu.memref_slice %arg11[%dma_start3A_465, %dma_start3A_466] : memref<32x128xf32, #tpu.memory_space<vmem>> -> memref<32x128xf32, #tpu.memory_space<vmem>>
      %dma_start3A_468 = arith.constant 0 : i32
      %dma_start3A_469 = tpu.memref_slice %arg14[%add3A_108, %dma_start3A_468] : memref<10240x128xf32, #tpu.memory_space<vmem_shared>> -> memref<32x128xf32, #tpu.memory_space<vmem_shared>>
      %dma_start3A_470 = arith.constant 0 : i32
      %dma_start3A_471 = tpu.memref_slice %arg14[%add3A_108, %dma_start3A_470] : memref<10240x128xf32, #tpu.memory_space<vmem_shared>> -> memref<32x128xf32, #tpu.memory_space<vmem_shared>>
      %dma_start3A_472 = arith.constant 0 : i32
      %dma_start3A_473 = arith.constant 0 : i32
      %dma_start3A_474 = tpu.memref_slice %arg11[%dma_start3A_472, %dma_start3A_473] : memref<32x128xf32, #tpu.memory_space<vmem>> -> memref<32x128xf32, #tpu.memory_space<vmem>>
      tpu.enqueue_dma source(%dma_start3A_474 : memref<32x128xf32, #tpu.memory_space<vmem>>) target(%dma_start3A_471 : memref<32x128xf32, #tpu.memory_space<vmem_shared>>) target_semaphore(%run_scoped3A_464 : memref<!tpu.dma_semaphore, #tpu.memory_space<semaphore_mem>>)
      %dma_wait3A = arith.constant 0 : i32
      %dma_wait3A_475 = arith.constant 0 : i32
      %dma_wait3A_476 = tpu.memref_slice %arg11[%dma_wait3A, %dma_wait3A_475] : memref<32x128xf32, #tpu.memory_space<vmem>> -> memref<32x128xf32, #tpu.memory_space<vmem>>
      %dma_wait3A_477 = arith.constant 0 : i32
      %dma_wait3A_478 = tpu.memref_slice %arg14[%add3A_108, %dma_wait3A_477] : memref<10240x128xf32, #tpu.memory_space<vmem_shared>> -> memref<32x128xf32, #tpu.memory_space<vmem_shared>>
      %dma_wait3A_479 = arith.constant 0 : i32
      %dma_wait3A_480 = tpu.memref_slice %arg14[%add3A_108, %dma_wait3A_479] : memref<10240x128xf32, #tpu.memory_space<vmem_shared>> -> memref<32x128xf32, #tpu.memory_space<vmem_shared>>
      %dma_wait3A_481 = arith.constant 0 : i32
      %dma_wait3A_482 = arith.constant 0 : i32
      %dma_wait3A_483 = tpu.memref_slice %arg11[%dma_wait3A_481, %dma_wait3A_482] : memref<32x128xf32, #tpu.memory_space<vmem>> -> memref<32x128xf32, #tpu.memory_space<vmem>>
      tpu.wait_dma2 semaphore(%run_scoped3A_464 : memref<!tpu.dma_semaphore, #tpu.memory_space<semaphore_mem>>) src(%dma_wait3A_483 : memref<32x128xf32, #tpu.memory_space<vmem>>) dst(%dma_wait3A_480 : memref<32x128xf32, #tpu.memory_space<vmem_shared>>)
      tpu.yield
    }) : () -> ()
    %mul3A_109 = arith.constant 640 : i32
    %mul3A_110 = arith.muli %arg1, %mul3A_109 : i32
    %add3A_111 = arith.constant 448 : i32
    %add3A_112 = arith.addi %mul3A_110, %add3A_111 : i32
    "tpu.region"() ({
      %run_scoped3A_464 = tpu.sem_alloc : memref<!tpu.dma_semaphore, #tpu.memory_space<semaphore_mem>>
      %dma_start3A_465 = arith.constant 0 : i32
      %dma_start3A_466 = arith.constant 0 : i32
      %dma_start3A_467 = tpu.memref_slice %arg11[%dma_start3A_465, %dma_start3A_466] : memref<32x128xf32, #tpu.memory_space<vmem>> -> memref<32x128xf32, #tpu.memory_space<vmem>>
      %dma_start3A_468 = arith.constant 0 : i32
      %dma_start3A_469 = tpu.memref_slice %arg14[%add3A_112, %dma_start3A_468] : memref<10240x128xf32, #tpu.memory_space<vmem_shared>> -> memref<32x128xf32, #tpu.memory_space<vmem_shared>>
      %dma_start3A_470 = arith.constant 0 : i32
      %dma_start3A_471 = tpu.memref_slice %arg14[%add3A_112, %dma_start3A_470] : memref<10240x128xf32, #tpu.memory_space<vmem_shared>> -> memref<32x128xf32, #tpu.memory_space<vmem_shared>>
      %dma_start3A_472 = arith.constant 0 : i32
      %dma_start3A_473 = arith.constant 0 : i32
      %dma_start3A_474 = tpu.memref_slice %arg11[%dma_start3A_472, %dma_start3A_473] : memref<32x128xf32, #tpu.memory_space<vmem>> -> memref<32x128xf32, #tpu.memory_space<vmem>>
      tpu.enqueue_dma source(%dma_start3A_474 : memref<32x128xf32, #tpu.memory_space<vmem>>) target(%dma_start3A_471 : memref<32x128xf32, #tpu.memory_space<vmem_shared>>) target_semaphore(%run_scoped3A_464 : memref<!tpu.dma_semaphore, #tpu.memory_space<semaphore_mem>>)
      %dma_wait3A = arith.constant 0 : i32
      %dma_wait3A_475 = arith.constant 0 : i32
      %dma_wait3A_476 = tpu.memref_slice %arg11[%dma_wait3A, %dma_wait3A_475] : memref<32x128xf32, #tpu.memory_space<vmem>> -> memref<32x128xf32, #tpu.memory_space<vmem>>
      %dma_wait3A_477 = arith.constant 0 : i32
      %dma_wait3A_478 = tpu.memref_slice %arg14[%add3A_112, %dma_wait3A_477] : memref<10240x128xf32, #tpu.memory_space<vmem_shared>> -> memref<32x128xf32, #tpu.memory_space<vmem_shared>>
      %dma_wait3A_479 = arith.constant 0 : i32
      %dma_wait3A_480 = tpu.memref_slice %arg14[%add3A_112, %dma_wait3A_479] : memref<10240x128xf32, #tpu.memory_space<vmem_shared>> -> memref<32x128xf32, #tpu.memory_space<vmem_shared>>
      %dma_wait3A_481 = arith.constant 0 : i32
      %dma_wait3A_482 = arith.constant 0 : i32
      %dma_wait3A_483 = tpu.memref_slice %arg11[%dma_wait3A_481, %dma_wait3A_482] : memref<32x128xf32, #tpu.memory_space<vmem>> -> memref<32x128xf32, #tpu.memory_space<vmem>>
      tpu.wait_dma2 semaphore(%run_scoped3A_464 : memref<!tpu.dma_semaphore, #tpu.memory_space<semaphore_mem>>) src(%dma_wait3A_483 : memref<32x128xf32, #tpu.memory_space<vmem>>) dst(%dma_wait3A_480 : memref<32x128xf32, #tpu.memory_space<vmem_shared>>)
      tpu.yield
    }) : () -> ()
    %mul3A_113 = arith.constant 640 : i32
    %mul3A_114 = arith.muli %arg1, %mul3A_113 : i32
    %add3A_115 = arith.constant 480 : i32
    %add3A_116 = arith.addi %mul3A_114, %add3A_115 : i32
    "tpu.region"() ({
      %run_scoped3A_464 = tpu.sem_alloc : memref<!tpu.dma_semaphore, #tpu.memory_space<semaphore_mem>>
      %dma_start3A_465 = arith.constant 0 : i32
      %dma_start3A_466 = arith.constant 0 : i32
      %dma_start3A_467 = tpu.memref_slice %arg11[%dma_start3A_465, %dma_start3A_466] : memref<32x128xf32, #tpu.memory_space<vmem>> -> memref<32x128xf32, #tpu.memory_space<vmem>>
      %dma_start3A_468 = arith.constant 0 : i32
      %dma_start3A_469 = tpu.memref_slice %arg14[%add3A_116, %dma_start3A_468] : memref<10240x128xf32, #tpu.memory_space<vmem_shared>> -> memref<32x128xf32, #tpu.memory_space<vmem_shared>>
      %dma_start3A_470 = arith.constant 0 : i32
      %dma_start3A_471 = tpu.memref_slice %arg14[%add3A_116, %dma_start3A_470] : memref<10240x128xf32, #tpu.memory_space<vmem_shared>> -> memref<32x128xf32, #tpu.memory_space<vmem_shared>>
      %dma_start3A_472 = arith.constant 0 : i32
      %dma_start3A_473 = arith.constant 0 : i32
      %dma_start3A_474 = tpu.memref_slice %arg11[%dma_start3A_472, %dma_start3A_473] : memref<32x128xf32, #tpu.memory_space<vmem>> -> memref<32x128xf32, #tpu.memory_space<vmem>>
      tpu.enqueue_dma source(%dma_start3A_474 : memref<32x128xf32, #tpu.memory_space<vmem>>) target(%dma_start3A_471 : memref<32x128xf32, #tpu.memory_space<vmem_shared>>) target_semaphore(%run_scoped3A_464 : memref<!tpu.dma_semaphore, #tpu.memory_space<semaphore_mem>>)
      %dma_wait3A = arith.constant 0 : i32
      %dma_wait3A_475 = arith.constant 0 : i32
      %dma_wait3A_476 = tpu.memref_slice %arg11[%dma_wait3A, %dma_wait3A_475] : memref<32x128xf32, #tpu.memory_space<vmem>> -> memref<32x128xf32, #tpu.memory_space<vmem>>
      %dma_wait3A_477 = arith.constant 0 : i32
      %dma_wait3A_478 = tpu.memref_slice %arg14[%add3A_116, %dma_wait3A_477] : memref<10240x128xf32, #tpu.memory_space<vmem_shared>> -> memref<32x128xf32, #tpu.memory_space<vmem_shared>>
      %dma_wait3A_479 = arith.constant 0 : i32
      %dma_wait3A_480 = tpu.memref_slice %arg14[%add3A_116, %dma_wait3A_479] : memref<10240x128xf32, #tpu.memory_space<vmem_shared>> -> memref<32x128xf32, #tpu.memory_space<vmem_shared>>
      %dma_wait3A_481 = arith.constant 0 : i32
      %dma_wait3A_482 = arith.constant 0 : i32
      %dma_wait3A_483 = tpu.memref_slice %arg11[%dma_wait3A_481, %dma_wait3A_482] : memref<32x128xf32, #tpu.memory_space<vmem>> -> memref<32x128xf32, #tpu.memory_space<vmem>>
      tpu.wait_dma2 semaphore(%run_scoped3A_464 : memref<!tpu.dma_semaphore, #tpu.memory_space<semaphore_mem>>) src(%dma_wait3A_483 : memref<32x128xf32, #tpu.memory_space<vmem>>) dst(%dma_wait3A_480 : memref<32x128xf32, #tpu.memory_space<vmem_shared>>)
      tpu.yield
    }) : () -> ()
    %mul3A_117 = arith.constant 640 : i32
    %mul3A_118 = arith.muli %arg1, %mul3A_117 : i32
    %add3A_119 = arith.constant 512 : i32
    %add3A_120 = arith.addi %mul3A_118, %add3A_119 : i32
    "tpu.region"() ({
      %run_scoped3A_464 = tpu.sem_alloc : memref<!tpu.dma_semaphore, #tpu.memory_space<semaphore_mem>>
      %dma_start3A_465 = arith.constant 0 : i32
      %dma_start3A_466 = arith.constant 0 : i32
      %dma_start3A_467 = tpu.memref_slice %arg11[%dma_start3A_465, %dma_start3A_466] : memref<32x128xf32, #tpu.memory_space<vmem>> -> memref<32x128xf32, #tpu.memory_space<vmem>>
      %dma_start3A_468 = arith.constant 0 : i32
      %dma_start3A_469 = tpu.memref_slice %arg14[%add3A_120, %dma_start3A_468] : memref<10240x128xf32, #tpu.memory_space<vmem_shared>> -> memref<32x128xf32, #tpu.memory_space<vmem_shared>>
      %dma_start3A_470 = arith.constant 0 : i32
      %dma_start3A_471 = tpu.memref_slice %arg14[%add3A_120, %dma_start3A_470] : memref<10240x128xf32, #tpu.memory_space<vmem_shared>> -> memref<32x128xf32, #tpu.memory_space<vmem_shared>>
      %dma_start3A_472 = arith.constant 0 : i32
      %dma_start3A_473 = arith.constant 0 : i32
      %dma_start3A_474 = tpu.memref_slice %arg11[%dma_start3A_472, %dma_start3A_473] : memref<32x128xf32, #tpu.memory_space<vmem>> -> memref<32x128xf32, #tpu.memory_space<vmem>>
      tpu.enqueue_dma source(%dma_start3A_474 : memref<32x128xf32, #tpu.memory_space<vmem>>) target(%dma_start3A_471 : memref<32x128xf32, #tpu.memory_space<vmem_shared>>) target_semaphore(%run_scoped3A_464 : memref<!tpu.dma_semaphore, #tpu.memory_space<semaphore_mem>>)
      %dma_wait3A = arith.constant 0 : i32
      %dma_wait3A_475 = arith.constant 0 : i32
      %dma_wait3A_476 = tpu.memref_slice %arg11[%dma_wait3A, %dma_wait3A_475] : memref<32x128xf32, #tpu.memory_space<vmem>> -> memref<32x128xf32, #tpu.memory_space<vmem>>
      %dma_wait3A_477 = arith.constant 0 : i32
      %dma_wait3A_478 = tpu.memref_slice %arg14[%add3A_120, %dma_wait3A_477] : memref<10240x128xf32, #tpu.memory_space<vmem_shared>> -> memref<32x128xf32, #tpu.memory_space<vmem_shared>>
      %dma_wait3A_479 = arith.constant 0 : i32
      %dma_wait3A_480 = tpu.memref_slice %arg14[%add3A_120, %dma_wait3A_479] : memref<10240x128xf32, #tpu.memory_space<vmem_shared>> -> memref<32x128xf32, #tpu.memory_space<vmem_shared>>
      %dma_wait3A_481 = arith.constant 0 : i32
      %dma_wait3A_482 = arith.constant 0 : i32
      %dma_wait3A_483 = tpu.memref_slice %arg11[%dma_wait3A_481, %dma_wait3A_482] : memref<32x128xf32, #tpu.memory_space<vmem>> -> memref<32x128xf32, #tpu.memory_space<vmem>>
      tpu.wait_dma2 semaphore(%run_scoped3A_464 : memref<!tpu.dma_semaphore, #tpu.memory_space<semaphore_mem>>) src(%dma_wait3A_483 : memref<32x128xf32, #tpu.memory_space<vmem>>) dst(%dma_wait3A_480 : memref<32x128xf32, #tpu.memory_space<vmem_shared>>)
      tpu.yield
    }) : () -> ()
    %mul3A_121 = arith.constant 640 : i32
    %mul3A_122 = arith.muli %arg1, %mul3A_121 : i32
    %add3A_123 = arith.constant 544 : i32
    %add3A_124 = arith.addi %mul3A_122, %add3A_123 : i32
    "tpu.region"() ({
      %run_scoped3A_464 = tpu.sem_alloc : memref<!tpu.dma_semaphore, #tpu.memory_space<semaphore_mem>>
      %dma_start3A_465 = arith.constant 0 : i32
      %dma_start3A_466 = arith.constant 0 : i32
      %dma_start3A_467 = tpu.memref_slice %arg11[%dma_start3A_465, %dma_start3A_466] : memref<32x128xf32, #tpu.memory_space<vmem>> -> memref<32x128xf32, #tpu.memory_space<vmem>>
      %dma_start3A_468 = arith.constant 0 : i32
      %dma_start3A_469 = tpu.memref_slice %arg14[%add3A_124, %dma_start3A_468] : memref<10240x128xf32, #tpu.memory_space<vmem_shared>> -> memref<32x128xf32, #tpu.memory_space<vmem_shared>>
      %dma_start3A_470 = arith.constant 0 : i32
      %dma_start3A_471 = tpu.memref_slice %arg14[%add3A_124, %dma_start3A_470] : memref<10240x128xf32, #tpu.memory_space<vmem_shared>> -> memref<32x128xf32, #tpu.memory_space<vmem_shared>>
      %dma_start3A_472 = arith.constant 0 : i32
      %dma_start3A_473 = arith.constant 0 : i32
      %dma_start3A_474 = tpu.memref_slice %arg11[%dma_start3A_472, %dma_start3A_473] : memref<32x128xf32, #tpu.memory_space<vmem>> -> memref<32x128xf32, #tpu.memory_space<vmem>>
      tpu.enqueue_dma source(%dma_start3A_474 : memref<32x128xf32, #tpu.memory_space<vmem>>) target(%dma_start3A_471 : memref<32x128xf32, #tpu.memory_space<vmem_shared>>) target_semaphore(%run_scoped3A_464 : memref<!tpu.dma_semaphore, #tpu.memory_space<semaphore_mem>>)
      %dma_wait3A = arith.constant 0 : i32
      %dma_wait3A_475 = arith.constant 0 : i32
      %dma_wait3A_476 = tpu.memref_slice %arg11[%dma_wait3A, %dma_wait3A_475] : memref<32x128xf32, #tpu.memory_space<vmem>> -> memref<32x128xf32, #tpu.memory_space<vmem>>
      %dma_wait3A_477 = arith.constant 0 : i32
      %dma_wait3A_478 = tpu.memref_slice %arg14[%add3A_124, %dma_wait3A_477] : memref<10240x128xf32, #tpu.memory_space<vmem_shared>> -> memref<32x128xf32, #tpu.memory_space<vmem_shared>>
      %dma_wait3A_479 = arith.constant 0 : i32
      %dma_wait3A_480 = tpu.memref_slice %arg14[%add3A_124, %dma_wait3A_479] : memref<10240x128xf32, #tpu.memory_space<vmem_shared>> -> memref<32x128xf32, #tpu.memory_space<vmem_shared>>
      %dma_wait3A_481 = arith.constant 0 : i32
      %dma_wait3A_482 = arith.constant 0 : i32
      %dma_wait3A_483 = tpu.memref_slice %arg11[%dma_wait3A_481, %dma_wait3A_482] : memref<32x128xf32, #tpu.memory_space<vmem>> -> memref<32x128xf32, #tpu.memory_space<vmem>>
      tpu.wait_dma2 semaphore(%run_scoped3A_464 : memref<!tpu.dma_semaphore, #tpu.memory_space<semaphore_mem>>) src(%dma_wait3A_483 : memref<32x128xf32, #tpu.memory_space<vmem>>) dst(%dma_wait3A_480 : memref<32x128xf32, #tpu.memory_space<vmem_shared>>)
      tpu.yield
    }) : () -> ()
    %mul3A_125 = arith.constant 640 : i32
    %mul3A_126 = arith.muli %arg1, %mul3A_125 : i32
    %add3A_127 = arith.constant 576 : i32
    %add3A_128 = arith.addi %mul3A_126, %add3A_127 : i32
    "tpu.region"() ({
      %run_scoped3A_464 = tpu.sem_alloc : memref<!tpu.dma_semaphore, #tpu.memory_space<semaphore_mem>>
      %dma_start3A_465 = arith.constant 0 : i32
      %dma_start3A_466 = arith.constant 0 : i32
      %dma_start3A_467 = tpu.memref_slice %arg11[%dma_start3A_465, %dma_start3A_466] : memref<32x128xf32, #tpu.memory_space<vmem>> -> memref<32x128xf32, #tpu.memory_space<vmem>>
      %dma_start3A_468 = arith.constant 0 : i32
      %dma_start3A_469 = tpu.memref_slice %arg14[%add3A_128, %dma_start3A_468] : memref<10240x128xf32, #tpu.memory_space<vmem_shared>> -> memref<32x128xf32, #tpu.memory_space<vmem_shared>>
      %dma_start3A_470 = arith.constant 0 : i32
      %dma_start3A_471 = tpu.memref_slice %arg14[%add3A_128, %dma_start3A_470] : memref<10240x128xf32, #tpu.memory_space<vmem_shared>> -> memref<32x128xf32, #tpu.memory_space<vmem_shared>>
      %dma_start3A_472 = arith.constant 0 : i32
      %dma_start3A_473 = arith.constant 0 : i32
      %dma_start3A_474 = tpu.memref_slice %arg11[%dma_start3A_472, %dma_start3A_473] : memref<32x128xf32, #tpu.memory_space<vmem>> -> memref<32x128xf32, #tpu.memory_space<vmem>>
      tpu.enqueue_dma source(%dma_start3A_474 : memref<32x128xf32, #tpu.memory_space<vmem>>) target(%dma_start3A_471 : memref<32x128xf32, #tpu.memory_space<vmem_shared>>) target_semaphore(%run_scoped3A_464 : memref<!tpu.dma_semaphore, #tpu.memory_space<semaphore_mem>>)
      %dma_wait3A = arith.constant 0 : i32
      %dma_wait3A_475 = arith.constant 0 : i32
      %dma_wait3A_476 = tpu.memref_slice %arg11[%dma_wait3A, %dma_wait3A_475] : memref<32x128xf32, #tpu.memory_space<vmem>> -> memref<32x128xf32, #tpu.memory_space<vmem>>
      %dma_wait3A_477 = arith.constant 0 : i32
      %dma_wait3A_478 = tpu.memref_slice %arg14[%add3A_128, %dma_wait3A_477] : memref<10240x128xf32, #tpu.memory_space<vmem_shared>> -> memref<32x128xf32, #tpu.memory_space<vmem_shared>>
      %dma_wait3A_479 = arith.constant 0 : i32
      %dma_wait3A_480 = tpu.memref_slice %arg14[%add3A_128, %dma_wait3A_479] : memref<10240x128xf32, #tpu.memory_space<vmem_shared>> -> memref<32x128xf32, #tpu.memory_space<vmem_shared>>
      %dma_wait3A_481 = arith.constant 0 : i32
      %dma_wait3A_482 = arith.constant 0 : i32
      %dma_wait3A_483 = tpu.memref_slice %arg11[%dma_wait3A_481, %dma_wait3A_482] : memref<32x128xf32, #tpu.memory_space<vmem>> -> memref<32x128xf32, #tpu.memory_space<vmem>>
      tpu.wait_dma2 semaphore(%run_scoped3A_464 : memref<!tpu.dma_semaphore, #tpu.memory_space<semaphore_mem>>) src(%dma_wait3A_483 : memref<32x128xf32, #tpu.memory_space<vmem>>) dst(%dma_wait3A_480 : memref<32x128xf32, #tpu.memory_space<vmem_shared>>)
      tpu.yield
    }) : () -> ()
    %mul3A_129 = arith.constant 640 : i32
    %mul3A_130 = arith.muli %arg1, %mul3A_129 : i32
    %add3A_131 = arith.constant 608 : i32
    %add3A_132 = arith.addi %mul3A_130, %add3A_131 : i32
    "tpu.region"() ({
      %run_scoped3A_464 = tpu.sem_alloc : memref<!tpu.dma_semaphore, #tpu.memory_space<semaphore_mem>>
      %dma_start3A_465 = arith.constant 0 : i32
      %dma_start3A_466 = arith.constant 0 : i32
      %dma_start3A_467 = tpu.memref_slice %arg11[%dma_start3A_465, %dma_start3A_466] : memref<32x128xf32, #tpu.memory_space<vmem>> -> memref<32x128xf32, #tpu.memory_space<vmem>>
      %dma_start3A_468 = arith.constant 0 : i32
      %dma_start3A_469 = tpu.memref_slice %arg14[%add3A_132, %dma_start3A_468] : memref<10240x128xf32, #tpu.memory_space<vmem_shared>> -> memref<32x128xf32, #tpu.memory_space<vmem_shared>>
      %dma_start3A_470 = arith.constant 0 : i32
      %dma_start3A_471 = tpu.memref_slice %arg14[%add3A_132, %dma_start3A_470] : memref<10240x128xf32, #tpu.memory_space<vmem_shared>> -> memref<32x128xf32, #tpu.memory_space<vmem_shared>>
      %dma_start3A_472 = arith.constant 0 : i32
      %dma_start3A_473 = arith.constant 0 : i32
      %dma_start3A_474 = tpu.memref_slice %arg11[%dma_start3A_472, %dma_start3A_473] : memref<32x128xf32, #tpu.memory_space<vmem>> -> memref<32x128xf32, #tpu.memory_space<vmem>>
      tpu.enqueue_dma source(%dma_start3A_474 : memref<32x128xf32, #tpu.memory_space<vmem>>) target(%dma_start3A_471 : memref<32x128xf32, #tpu.memory_space<vmem_shared>>) target_semaphore(%run_scoped3A_464 : memref<!tpu.dma_semaphore, #tpu.memory_space<semaphore_mem>>)
      %dma_wait3A = arith.constant 0 : i32
      %dma_wait3A_475 = arith.constant 0 : i32
      %dma_wait3A_476 = tpu.memref_slice %arg11[%dma_wait3A, %dma_wait3A_475] : memref<32x128xf32, #tpu.memory_space<vmem>> -> memref<32x128xf32, #tpu.memory_space<vmem>>
      %dma_wait3A_477 = arith.constant 0 : i32
      %dma_wait3A_478 = tpu.memref_slice %arg14[%add3A_132, %dma_wait3A_477] : memref<10240x128xf32, #tpu.memory_space<vmem_shared>> -> memref<32x128xf32, #tpu.memory_space<vmem_shared>>
      %dma_wait3A_479 = arith.constant 0 : i32
      %dma_wait3A_480 = tpu.memref_slice %arg14[%add3A_132, %dma_wait3A_479] : memref<10240x128xf32, #tpu.memory_space<vmem_shared>> -> memref<32x128xf32, #tpu.memory_space<vmem_shared>>
      %dma_wait3A_481 = arith.constant 0 : i32
      %dma_wait3A_482 = arith.constant 0 : i32
      %dma_wait3A_483 = tpu.memref_slice %arg11[%dma_wait3A_481, %dma_wait3A_482] : memref<32x128xf32, #tpu.memory_space<vmem>> -> memref<32x128xf32, #tpu.memory_space<vmem>>
      tpu.wait_dma2 semaphore(%run_scoped3A_464 : memref<!tpu.dma_semaphore, #tpu.memory_space<semaphore_mem>>) src(%dma_wait3A_483 : memref<32x128xf32, #tpu.memory_space<vmem>>) dst(%dma_wait3A_480 : memref<32x128xf32, #tpu.memory_space<vmem_shared>>)
      tpu.yield
    }) : () -> ()
    %barrier3A = arith.constant 0 : index
    tpu.barrier barrier_id(%barrier3A)
    %mul3A_133 = arith.constant 10000 : i32
    %mul3A_134 = arith.muli %arg0, %mul3A_133 : i32
    %run_scoped3A = arith.constant 0 : i32
    "tpu.region"() ({
      %run_scoped3A_464 = tpu.sem_alloc : memref<!tpu.dma_semaphore, #tpu.memory_space<semaphore_mem>>
      %dma_start3A_465 = arith.constant 0 : i32
      %dma_start3A_466 = tpu.memref_slice %arg2[%arg1, %run_scoped3A, %dma_start3A_465] : memref<16x316x32xi32, #tpu.memory_space<hbm>> -> memref<1x1x32xi32, #tpu.memory_space<hbm>>
      %dma_start3A_467 = tpu.memref_squeeze %dma_start3A_466 : memref<1x1x32xi32, #tpu.memory_space<hbm>> -> memref<32xi32, #tpu.memory_space<hbm>>
      %dma_start3A_468 = arith.constant 0 : i32
      %dma_start3A_469 = tpu.memref_slice %arg2[%arg1, %run_scoped3A, %dma_start3A_468] : memref<16x316x32xi32, #tpu.memory_space<hbm>> -> memref<1x1x32xi32, #tpu.memory_space<hbm>>
      %dma_start3A_470 = tpu.memref_squeeze %dma_start3A_469 : memref<1x1x32xi32, #tpu.memory_space<hbm>> -> memref<32xi32, #tpu.memory_space<hbm>>
      tpu.enqueue_dma source(%dma_start3A_470 : memref<32xi32, #tpu.memory_space<hbm>>) target(%arg5 : memref<32xi32, #tpu.memory_space<vmem>>) target_semaphore(%run_scoped3A_464 : memref<!tpu.dma_semaphore, #tpu.memory_space<semaphore_mem>>)
      %dma_wait3A = arith.constant 0 : i32
      %dma_wait3A_471 = tpu.memref_slice %arg2[%arg1, %run_scoped3A, %dma_wait3A] : memref<16x316x32xi32, #tpu.memory_space<hbm>> -> memref<1x1x32xi32, #tpu.memory_space<hbm>>
      %dma_wait3A_472 = tpu.memref_squeeze %dma_wait3A_471 : memref<1x1x32xi32, #tpu.memory_space<hbm>> -> memref<32xi32, #tpu.memory_space<hbm>>
      %dma_wait3A_473 = arith.constant 0 : i32
      %dma_wait3A_474 = tpu.memref_slice %arg2[%arg1, %run_scoped3A, %dma_wait3A_473] : memref<16x316x32xi32, #tpu.memory_space<hbm>> -> memref<1x1x32xi32, #tpu.memory_space<hbm>>
      %dma_wait3A_475 = tpu.memref_squeeze %dma_wait3A_474 : memref<1x1x32xi32, #tpu.memory_space<hbm>> -> memref<32xi32, #tpu.memory_space<hbm>>
      tpu.wait_dma2 semaphore(%run_scoped3A_464 : memref<!tpu.dma_semaphore, #tpu.memory_space<semaphore_mem>>) src(%dma_wait3A_475 : memref<32xi32, #tpu.memory_space<hbm>>) dst(%arg5 : memref<32xi32, #tpu.memory_space<vmem>>)
      tpu.yield
    }) : () -> ()
    %get3A = arith.constant 0 : index
    %get3A_135 = tpu.vector_load %arg5[%get3A] {strides = array<i32>} : memref<32xi32, #tpu.memory_space<vmem>>, vector<16xi32>,
    %and3A = arith.constant 16383 : i32
    %and3A_136 = vector.broadcast %and3A : i32 to vector<16xi32>
    %and3A_137 = arith.andi %get3A_135, %and3A_136 : vector<16xi32>
    %shift_right_logical3A = arith.constant 14 : i32
    %shift_right_logical3A_138 = vector.broadcast %shift_right_logical3A : i32 to vector<16xi32>
    %shift_right_logical3A_139 = arith.shrui %get3A_135, %shift_right_logical3A_138 : vector<16xi32>
    %add3A_140 = vector.broadcast %mul3A_134 : i32 to vector<16xi32>
    %add3A_141 = arith.addi %shift_right_logical3A_139, %add3A_140 : vector<16xi32>
    %swap3A_142 = arith.constant 0 : index
    %swap3A_143 = tpu.vector_load %arg6[%swap3A_142] {strides = array<i32>} : memref<32xi32, #tpu.memory_space<vmem>>, vector<16xi32>,
    tpu.vector_store %arg6[%swap3A_142], %add3A_141 {strides = array<i32>} : memref<32xi32, #tpu.memory_space<vmem>>, vector<16xi32>,
    %swap3A_144 = arith.constant 0 : index
    %swap3A_145 = tpu.vector_load %arg8[%swap3A_144] {strides = array<i32>} : memref<32xi32, #tpu.memory_space<vmem>>, vector<16xi32>,
    tpu.vector_store %arg8[%swap3A_144], %and3A_137 {strides = array<i32>} : memref<32xi32, #tpu.memory_space<vmem>>, vector<16xi32>,
    %broadcast_in_dim3A_146 = arith.constant true
    %broadcast_in_dim3A_147 = vector.broadcast %broadcast_in_dim3A_146 : i1 to vector<16xi1>
    %unique3A, %unique3A_148 = tpu.scan_count mask(%broadcast_in_dim3A_147 : vector<16xi1>) value(%and3A_137 : vector<16xi32>) : vector<16xi1>, vector<16xi32>
    %and3A_149 = arith.constant 127 : i32
    %and3A_150 = vector.broadcast %and3A_149 : i32 to vector<16xi32>
    %and3A_151 = arith.andi %and3A_137, %and3A_150 : vector<16xi32>
    %shift_right_logical3A_152 = arith.constant 7 : i32
    %shift_right_logical3A_153 = vector.broadcast %shift_right_logical3A_152 : i32 to vector<16xi32>
    %shift_right_logical3A_154 = arith.shrui %and3A_137, %shift_right_logical3A_153 : vector<16xi32>
    %convert_element_type3A = arith.sitofp %unique3A_148 : vector<16xi32> to vector<16xf32>
    tpu.vector_store_idx %arg13[%and3A_151, %shift_right_logical3A_154], %convert_element_type3A masked %unique3A {add = true} : memref<128x128xf32, #tpu.memory_space<vmem>>[vector<16xi32>, vector<16xi32>], vector<16xf32>, vector<16xi1>
    %get3A_155 = arith.constant 16 : index
    %get3A_156 = tpu.vector_load %arg5[%get3A_155] {strides = array<i32>} : memref<32xi32, #tpu.memory_space<vmem>>, vector<16xi32>,
    %and3A_157 = arith.constant 16383 : i32
    %and3A_158 = vector.broadcast %and3A_157 : i32 to vector<16xi32>
    %and3A_159 = arith.andi %get3A_156, %and3A_158 : vector<16xi32>
    %shift_right_logical3A_160 = arith.constant 14 : i32
    %shift_right_logical3A_161 = vector.broadcast %shift_right_logical3A_160 : i32 to vector<16xi32>
    %shift_right_logical3A_162 = arith.shrui %get3A_156, %shift_right_logical3A_161 : vector<16xi32>
    %add3A_163 = vector.broadcast %mul3A_134 : i32 to vector<16xi32>
    %add3A_164 = arith.addi %shift_right_logical3A_162, %add3A_163 : vector<16xi32>
    %swap3A_165 = arith.constant 16 : index
    %swap3A_166 = tpu.vector_load %arg6[%swap3A_165] {strides = array<i32>} : memref<32xi32, #tpu.memory_space<vmem>>, vector<16xi32>,
    tpu.vector_store %arg6[%swap3A_165], %add3A_164 {strides = array<i32>} : memref<32xi32, #tpu.memory_space<vmem>>, vector<16xi32>,
    %swap3A_167 = arith.constant 16 : index
    %swap3A_168 = tpu.vector_load %arg8[%swap3A_167] {strides = array<i32>} : memref<32xi32, #tpu.memory_space<vmem>>, vector<16xi32>,
    tpu.vector_store %arg8[%swap3A_167], %and3A_159 {strides = array<i32>} : memref<32xi32, #tpu.memory_space<vmem>>, vector<16xi32>,
    %broadcast_in_dim3A_169 = arith.constant true
    %broadcast_in_dim3A_170 = vector.broadcast %broadcast_in_dim3A_169 : i1 to vector<16xi1>
    %unique3A_171, %unique3A_172 = tpu.scan_count mask(%broadcast_in_dim3A_170 : vector<16xi1>) value(%and3A_159 : vector<16xi32>) : vector<16xi1>, vector<16xi32>
    %and3A_173 = arith.constant 127 : i32
    %and3A_174 = vector.broadcast %and3A_173 : i32 to vector<16xi32>
    %and3A_175 = arith.andi %and3A_159, %and3A_174 : vector<16xi32>
    %shift_right_logical3A_176 = arith.constant 7 : i32
    %shift_right_logical3A_177 = vector.broadcast %shift_right_logical3A_176 : i32 to vector<16xi32>
    %shift_right_logical3A_178 = arith.shrui %and3A_159, %shift_right_logical3A_177 : vector<16xi32>
    %convert_element_type3A_179 = arith.sitofp %unique3A_172 : vector<16xi32> to vector<16xf32>
    tpu.vector_store_idx %arg13[%and3A_175, %shift_right_logical3A_178], %convert_element_type3A_179 masked %unique3A_171 {add = true} : memref<128x128xf32, #tpu.memory_space<vmem>>[vector<16xi32>, vector<16xi32>], vector<16xf32>, vector<16xi1>
    %dma_start3A = arith.constant 0 : i32
    %dma_start3A_180 = arith.constant 0 : i32
    %dma_start3A_181 = tpu.memref_slice %arg3[%dma_start3A, %dma_start3A_180] : memref<20000x128xf32, #tpu.memory_space<hbm>> -> memref<20000x128xf32, #tpu.memory_space<hbm>>
    tpu.enqueue_indirect_dma source(%dma_start3A_181 : memref<20000x128xf32, #tpu.memory_space<hbm>>) target(%arg11 : memref<32x128xf32, #tpu.memory_space<vmem>>) offsets(%arg6 : memref<32xi32, #tpu.memory_space<vmem>>) semaphore(%arg15 : memref<!tpu.dma_semaphore, #tpu.memory_space<semaphore_mem>>)
    %run_scoped3A_182 = arith.constant 1 : i32
    "tpu.region"() ({
      %run_scoped3A_464 = tpu.sem_alloc : memref<!tpu.dma_semaphore, #tpu.memory_space<semaphore_mem>>
      %dma_start3A_465 = arith.constant 0 : i32
      %dma_start3A_466 = tpu.memref_slice %arg2[%arg1, %run_scoped3A_182, %dma_start3A_465] : memref<16x316x32xi32, #tpu.memory_space<hbm>> -> memref<1x1x32xi32, #tpu.memory_space<hbm>>
      %dma_start3A_467 = tpu.memref_squeeze %dma_start3A_466 : memref<1x1x32xi32, #tpu.memory_space<hbm>> -> memref<32xi32, #tpu.memory_space<hbm>>
      %dma_start3A_468 = arith.constant 0 : i32
      %dma_start3A_469 = tpu.memref_slice %arg2[%arg1, %run_scoped3A_182, %dma_start3A_468] : memref<16x316x32xi32, #tpu.memory_space<hbm>> -> memref<1x1x32xi32, #tpu.memory_space<hbm>>
      %dma_start3A_470 = tpu.memref_squeeze %dma_start3A_469 : memref<1x1x32xi32, #tpu.memory_space<hbm>> -> memref<32xi32, #tpu.memory_space<hbm>>
      tpu.enqueue_dma source(%dma_start3A_470 : memref<32xi32, #tpu.memory_space<hbm>>) target(%arg5 : memref<32xi32, #tpu.memory_space<vmem>>) target_semaphore(%run_scoped3A_464 : memref<!tpu.dma_semaphore, #tpu.memory_space<semaphore_mem>>)
      %dma_wait3A = arith.constant 0 : i32
      %dma_wait3A_471 = tpu.memref_slice %arg2[%arg1, %run_scoped3A_182, %dma_wait3A] : memref<16x316x32xi32, #tpu.memory_space<hbm>> -> memref<1x1x32xi32, #tpu.memory_space<hbm>>
      %dma_wait3A_472 = tpu.memref_squeeze %dma_wait3A_471 : memref<1x1x32xi32, #tpu.memory_space<hbm>> -> memref<32xi32, #tpu.memory_space<hbm>>
      %dma_wait3A_473 = arith.constant 0 : i32
      %dma_wait3A_474 = tpu.memref_slice %arg2[%arg1, %run_scoped3A_182, %dma_wait3A_473] : memref<16x316x32xi32, #tpu.memory_space<hbm>> -> memref<1x1x32xi32, #tpu.memory_space<hbm>>
      %dma_wait3A_475 = tpu.memref_squeeze %dma_wait3A_474 : memref<1x1x32xi32, #tpu.memory_space<hbm>> -> memref<32xi32, #tpu.memory_space<hbm>>
      tpu.wait_dma2 semaphore(%run_scoped3A_464 : memref<!tpu.dma_semaphore, #tpu.memory_space<semaphore_mem>>) src(%dma_wait3A_475 : memref<32xi32, #tpu.memory_space<hbm>>) dst(%arg5 : memref<32xi32, #tpu.memory_space<vmem>>)
      tpu.yield
    }) : () -> ()
    %get3A_183 = arith.constant 0 : index
    %get3A_184 = tpu.vector_load %arg5[%get3A_183] {strides = array<i32>} : memref<32xi32, #tpu.memory_space<vmem>>, vector<16xi32>,
    %and3A_185 = arith.constant 16383 : i32
    %and3A_186 = vector.broadcast %and3A_185 : i32 to vector<16xi32>
    %and3A_187 = arith.andi %get3A_184, %and3A_186 : vector<16xi32>
    %shift_right_logical3A_188 = arith.constant 14 : i32
    %shift_right_logical3A_189 = vector.broadcast %shift_right_logical3A_188 : i32 to vector<16xi32>
    %shift_right_logical3A_190 = arith.shrui %get3A_184, %shift_right_logical3A_189 : vector<16xi32>
    %add3A_191 = vector.broadcast %mul3A_134 : i32 to vector<16xi32>
    %add3A_192 = arith.addi %shift_right_logical3A_190, %add3A_191 : vector<16xi32>
    %swap3A_193 = arith.constant 0 : index
    %swap3A_194 = tpu.vector_load %arg7[%swap3A_193] {strides = array<i32>} : memref<32xi32, #tpu.memory_space<vmem>>, vector<16xi32>,
    tpu.vector_store %arg7[%swap3A_193], %add3A_192 {strides = array<i32>} : memref<32xi32, #tpu.memory_space<vmem>>, vector<16xi32>,
    %swap3A_195 = arith.constant 0 : index
    %swap3A_196 = tpu.vector_load %arg9[%swap3A_195] {strides = array<i32>} : memref<32xi32, #tpu.memory_space<vmem>>, vector<16xi32>,
    tpu.vector_store %arg9[%swap3A_195], %and3A_187 {strides = array<i32>} : memref<32xi32, #tpu.memory_space<vmem>>, vector<16xi32>,
    %broadcast_in_dim3A_197 = arith.constant true
    %broadcast_in_dim3A_198 = vector.broadcast %broadcast_in_dim3A_197 : i1 to vector<16xi1>
    %unique3A_199, %unique3A_200 = tpu.scan_count mask(%broadcast_in_dim3A_198 : vector<16xi1>) value(%and3A_187 : vector<16xi32>) : vector<16xi1>, vector<16xi32>
    %and3A_201 = arith.constant 127 : i32
    %and3A_202 = vector.broadcast %and3A_201 : i32 to vector<16xi32>
    %and3A_203 = arith.andi %and3A_187, %and3A_202 : vector<16xi32>
    %shift_right_logical3A_204 = arith.constant 7 : i32
    %shift_right_logical3A_205 = vector.broadcast %shift_right_logical3A_204 : i32 to vector<16xi32>
    %shift_right_logical3A_206 = arith.shrui %and3A_187, %shift_right_logical3A_205 : vector<16xi32>
    %convert_element_type3A_207 = arith.sitofp %unique3A_200 : vector<16xi32> to vector<16xf32>
    tpu.vector_store_idx %arg13[%and3A_203, %shift_right_logical3A_206], %convert_element_type3A_207 masked %unique3A_199 {add = true} : memref<128x128xf32, #tpu.memory_space<vmem>>[vector<16xi32>, vector<16xi32>], vector<16xf32>, vector<16xi1>
    %get3A_208 = arith.constant 16 : index
    %get3A_209 = tpu.vector_load %arg5[%get3A_208] {strides = array<i32>} : memref<32xi32, #tpu.memory_space<vmem>>, vector<16xi32>,
    %and3A_210 = arith.constant 16383 : i32
    %and3A_211 = vector.broadcast %and3A_210 : i32 to vector<16xi32>
    %and3A_212 = arith.andi %get3A_209, %and3A_211 : vector<16xi32>
    %shift_right_logical3A_213 = arith.constant 14 : i32
    %shift_right_logical3A_214 = vector.broadcast %shift_right_logical3A_213 : i32 to vector<16xi32>
    %shift_right_logical3A_215 = arith.shrui %get3A_209, %shift_right_logical3A_214 : vector<16xi32>
    %add3A_216 = vector.broadcast %mul3A_134 : i32 to vector<16xi32>
    %add3A_217 = arith.addi %shift_right_logical3A_215, %add3A_216 : vector<16xi32>
    %swap3A_218 = arith.constant 16 : index
    %swap3A_219 = tpu.vector_load %arg7[%swap3A_218] {strides = array<i32>} : memref<32xi32, #tpu.memory_space<vmem>>, vector<16xi32>,
    tpu.vector_store %arg7[%swap3A_218], %add3A_217 {strides = array<i32>} : memref<32xi32, #tpu.memory_space<vmem>>, vector<16xi32>,
    %swap3A_220 = arith.constant 16 : index
    %swap3A_221 = tpu.vector_load %arg9[%swap3A_220] {strides = array<i32>} : memref<32xi32, #tpu.memory_space<vmem>>, vector<16xi32>,
    tpu.vector_store %arg9[%swap3A_220], %and3A_212 {strides = array<i32>} : memref<32xi32, #tpu.memory_space<vmem>>, vector<16xi32>,
    %broadcast_in_dim3A_222 = arith.constant true
    %broadcast_in_dim3A_223 = vector.broadcast %broadcast_in_dim3A_222 : i1 to vector<16xi1>
    %unique3A_224, %unique3A_225 = tpu.scan_count mask(%broadcast_in_dim3A_223 : vector<16xi1>) value(%and3A_212 : vector<16xi32>) : vector<16xi1>, vector<16xi32>
    %and3A_226 = arith.constant 127 : i32
    %and3A_227 = vector.broadcast %and3A_226 : i32 to vector<16xi32>
    %and3A_228 = arith.andi %and3A_212, %and3A_227 : vector<16xi32>
    %shift_right_logical3A_229 = arith.constant 7 : i32
    %shift_right_logical3A_230 = vector.broadcast %shift_right_logical3A_229 : i32 to vector<16xi32>
    %shift_right_logical3A_231 = arith.shrui %and3A_212, %shift_right_logical3A_230 : vector<16xi32>
    %convert_element_type3A_232 = arith.sitofp %unique3A_225 : vector<16xi32> to vector<16xf32>
    tpu.vector_store_idx %arg13[%and3A_228, %shift_right_logical3A_231], %convert_element_type3A_232 masked %unique3A_224 {add = true} : memref<128x128xf32, #tpu.memory_space<vmem>>[vector<16xi32>, vector<16xi32>], vector<16xf32>, vector<16xi1>
    %dma_start3A_233 = arith.constant 0 : i32
    %dma_start3A_234 = arith.constant 0 : i32
    %dma_start3A_235 = tpu.memref_slice %arg3[%dma_start3A_233, %dma_start3A_234] : memref<20000x128xf32, #tpu.memory_space<hbm>> -> memref<20000x128xf32, #tpu.memory_space<hbm>>
    tpu.enqueue_indirect_dma source(%dma_start3A_235 : memref<20000x128xf32, #tpu.memory_space<hbm>>) target(%arg12 : memref<32x128xf32, #tpu.memory_space<vmem>>) offsets(%arg7 : memref<32xi32, #tpu.memory_space<vmem>>) semaphore(%arg16 : memref<!tpu.dma_semaphore, #tpu.memory_space<semaphore_mem>>)
    %scan3A_236 = arith.constant 0 : i32
    %scan3A_237 = arith.constant 0 : i32
    %scan3A_238 = arith.constant 158 : i32
    %scan3A_239 = arith.addi %scan3A_237, %scan3A_238 : i32
    %scan3A_240 = arith.constant 1 : i32
    %scan3A_241 = scf.for %scan3A_464 = %scan3A_237 to %scan3A_239 step %scan3A_240 iter_args(%scan3A_465 = %scan3A_236) -> (i32)  : i32 {
      %mul3A_466 = arith.constant 2 : i32
      %mul3A_467 = arith.muli %mul3A_466, %scan3A_464 : i32
      %add3A_468 = arith.constant 0 : i32
      %add3A_469 = arith.addi %mul3A_467, %add3A_468 : i32
      %dma_wait3A = arith.constant 0 : i32
      %dma_wait3A_470 = arith.constant 0 : i32
      %dma_wait3A_471 = tpu.memref_slice %arg3[%dma_wait3A, %dma_wait3A_470] : memref<20000x128xf32, #tpu.memory_space<hbm>> -> memref<20000x128xf32, #tpu.memory_space<hbm>>
      tpu.wait_indirect_dma semaphore(%arg15 : memref<!tpu.dma_semaphore, #tpu.memory_space<semaphore_mem>>) src(%dma_wait3A_471 : memref<20000x128xf32, #tpu.memory_space<hbm>>) dst(%arg11 : memref<32x128xf32, #tpu.memory_space<vmem>>)
      "tpu.region"() ({
        %run_scoped3A_492 = tpu.sem_alloc : memref<!tpu.dma_semaphore, #tpu.memory_space<semaphore_mem>>
        %dma_start3A_493 = arith.constant 0 : i32
        %dma_start3A_494 = arith.constant 0 : i32
        %dma_start3A_495 = tpu.memref_slice %arg14[%dma_start3A_493, %dma_start3A_494] : memref<10240x128xf32, #tpu.memory_space<vmem_shared>> -> memref<10240x128xf32, #tpu.memory_space<vmem_shared>>
        tpu.enqueue_indirect_dma source(%arg11 : memref<32x128xf32, #tpu.memory_space<vmem>>) target(%dma_start3A_495 : memref<10240x128xf32, #tpu.memory_space<vmem_shared>>) offsets(%arg8 : memref<32xi32, #tpu.memory_space<vmem>>) semaphore(%run_scoped3A_492 : memref<!tpu.dma_semaphore, #tpu.memory_space<semaphore_mem>>) {add = true}
        %dma_wait3A_496 = arith.constant 0 : i32
        %dma_wait3A_497 = arith.constant 0 : i32
        %dma_wait3A_498 = tpu.memref_slice %arg14[%dma_wait3A_496, %dma_wait3A_497] : memref<10240x128xf32, #tpu.memory_space<vmem_shared>> -> memref<10240x128xf32, #tpu.memory_space<vmem_shared>>
        tpu.wait_indirect_dma semaphore(%run_scoped3A_492 : memref<!tpu.dma_semaphore, #tpu.memory_space<semaphore_mem>>) src(%arg11 : memref<32x128xf32, #tpu.memory_space<vmem>>) dst(%dma_wait3A_498 : memref<10240x128xf32, #tpu.memory_space<vmem_shared>>)
        tpu.yield
      }) : () -> ()
      %add3A_472 = arith.constant 2 : i32
      %add3A_473 = arith.addi %add3A_469, %add3A_472 : i32
      %lt3A = arith.constant 316 : i32
      %lt3A_474 = arith.cmpi slt, %add3A_473, %lt3A : i32
      %convert_element_type3A_475 = arith.extui %lt3A_474 : i1 to i32
      %cond3A = arith.constant 0 : i32
      %cond3A_476 = arith.cmpi ne, %convert_element_type3A_475, %cond3A : i32
      scf.if %cond3A_476 {
        %add3A_492 = arith.constant 2 : i32
        %add3A_493 = arith.addi %add3A_469, %add3A_492 : i32
        "tpu.region"() ({
          %run_scoped3A_547 = tpu.sem_alloc : memref<!tpu.dma_semaphore, #tpu.memory_space<semaphore_mem>>
          %dma_start3A_548 = arith.constant 0 : i32
          %dma_start3A_549 = tpu.memref_slice %arg2[%arg1, %add3A_493, %dma_start3A_548] : memref<16x316x32xi32, #tpu.memory_space<hbm>> -> memref<1x1x32xi32, #tpu.memory_space<hbm>>
          %dma_start3A_550 = tpu.memref_squeeze %dma_start3A_549 : memref<1x1x32xi32, #tpu.memory_space<hbm>> -> memref<32xi32, #tpu.memory_space<hbm>>
          %dma_start3A_551 = arith.constant 0 : i32
          %dma_start3A_552 = tpu.memref_slice %arg2[%arg1, %add3A_493, %dma_start3A_551] : memref<16x316x32xi32, #tpu.memory_space<hbm>> -> memref<1x1x32xi32, #tpu.memory_space<hbm>>
          %dma_start3A_553 = tpu.memref_squeeze %dma_start3A_552 : memref<1x1x32xi32, #tpu.memory_space<hbm>> -> memref<32xi32, #tpu.memory_space<hbm>>
          tpu.enqueue_dma source(%dma_start3A_553 : memref<32xi32, #tpu.memory_space<hbm>>) target(%arg5 : memref<32xi32, #tpu.memory_space<vmem>>) target_semaphore(%run_scoped3A_547 : memref<!tpu.dma_semaphore, #tpu.memory_space<semaphore_mem>>)
          %dma_wait3A_554 = arith.constant 0 : i32
          %dma_wait3A_555 = tpu.memref_slice %arg2[%arg1, %add3A_493, %dma_wait3A_554] : memref<16x316x32xi32, #tpu.memory_space<hbm>> -> memref<1x1x32xi32, #tpu.memory_space<hbm>>
          %dma_wait3A_556 = tpu.memref_squeeze %dma_wait3A_555 : memref<1x1x32xi32, #tpu.memory_space<hbm>> -> memref<32xi32, #tpu.memory_space<hbm>>
          %dma_wait3A_557 = arith.constant 0 : i32
          %dma_wait3A_558 = tpu.memref_slice %arg2[%arg1, %add3A_493, %dma_wait3A_557] : memref<16x316x32xi32, #tpu.memory_space<hbm>> -> memref<1x1x32xi32, #tpu.memory_space<hbm>>
          %dma_wait3A_559 = tpu.memref_squeeze %dma_wait3A_558 : memref<1x1x32xi32, #tpu.memory_space<hbm>> -> memref<32xi32, #tpu.memory_space<hbm>>
          tpu.wait_dma2 semaphore(%run_scoped3A_547 : memref<!tpu.dma_semaphore, #tpu.memory_space<semaphore_mem>>) src(%dma_wait3A_559 : memref<32xi32, #tpu.memory_space<hbm>>) dst(%arg5 : memref<32xi32, #tpu.memory_space<vmem>>)
          tpu.yield
        }) : () -> ()
        %get3A_494 = arith.constant 0 : index
        %get3A_495 = tpu.vector_load %arg5[%get3A_494] {strides = array<i32>} : memref<32xi32, #tpu.memory_space<vmem>>, vector<16xi32>,
        %and3A_496 = arith.constant 16383 : i32
        %and3A_497 = vector.broadcast %and3A_496 : i32 to vector<16xi32>
        %and3A_498 = arith.andi %get3A_495, %and3A_497 : vector<16xi32>
        %shift_right_logical3A_499 = arith.constant 14 : i32
        %shift_right_logical3A_500 = vector.broadcast %shift_right_logical3A_499 : i32 to vector<16xi32>
        %shift_right_logical3A_501 = arith.shrui %get3A_495, %shift_right_logical3A_500 : vector<16xi32>
        %add3A_502 = vector.broadcast %mul3A_134 : i32 to vector<16xi32>
        %add3A_503 = arith.addi %shift_right_logical3A_501, %add3A_502 : vector<16xi32>
        %swap3A_504 = arith.constant 0 : index
        %swap3A_505 = tpu.vector_load %arg6[%swap3A_504] {strides = array<i32>} : memref<32xi32, #tpu.memory_space<vmem>>, vector<16xi32>,
        tpu.vector_store %arg6[%swap3A_504], %add3A_503 {strides = array<i32>} : memref<32xi32, #tpu.memory_space<vmem>>, vector<16xi32>,
        %swap3A_506 = arith.constant 0 : index
        %swap3A_507 = tpu.vector_load %arg8[%swap3A_506] {strides = array<i32>} : memref<32xi32, #tpu.memory_space<vmem>>, vector<16xi32>,
        tpu.vector_store %arg8[%swap3A_506], %and3A_498 {strides = array<i32>} : memref<32xi32, #tpu.memory_space<vmem>>, vector<16xi32>,
        %broadcast_in_dim3A_508 = arith.constant true
        %broadcast_in_dim3A_509 = vector.broadcast %broadcast_in_dim3A_508 : i1 to vector<16xi1>
        %unique3A_510, %unique3A_511 = tpu.scan_count mask(%broadcast_in_dim3A_509 : vector<16xi1>) value(%and3A_498 : vector<16xi32>) : vector<16xi1>, vector<16xi32>
        %and3A_512 = arith.constant 127 : i32
        %and3A_513 = vector.broadcast %and3A_512 : i32 to vector<16xi32>
        %and3A_514 = arith.andi %and3A_498, %and3A_513 : vector<16xi32>
        %shift_right_logical3A_515 = arith.constant 7 : i32
        %shift_right_logical3A_516 = vector.broadcast %shift_right_logical3A_515 : i32 to vector<16xi32>
        %shift_right_logical3A_517 = arith.shrui %and3A_498, %shift_right_logical3A_516 : vector<16xi32>
        %convert_element_type3A_518 = arith.sitofp %unique3A_511 : vector<16xi32> to vector<16xf32>
        tpu.vector_store_idx %arg13[%and3A_514, %shift_right_logical3A_517], %convert_element_type3A_518 masked %unique3A_510 {add = true} : memref<128x128xf32, #tpu.memory_space<vmem>>[vector<16xi32>, vector<16xi32>], vector<16xf32>, vector<16xi1>
        %get3A_519 = arith.constant 16 : index
        %get3A_520 = tpu.vector_load %arg5[%get3A_519] {strides = array<i32>} : memref<32xi32, #tpu.memory_space<vmem>>, vector<16xi32>,
        %and3A_521 = arith.constant 16383 : i32
        %and3A_522 = vector.broadcast %and3A_521 : i32 to vector<16xi32>
        %and3A_523 = arith.andi %get3A_520, %and3A_522 : vector<16xi32>
        %shift_right_logical3A_524 = arith.constant 14 : i32
        %shift_right_logical3A_525 = vector.broadcast %shift_right_logical3A_524 : i32 to vector<16xi32>
        %shift_right_logical3A_526 = arith.shrui %get3A_520, %shift_right_logical3A_525 : vector<16xi32>
        %add3A_527 = vector.broadcast %mul3A_134 : i32 to vector<16xi32>
        %add3A_528 = arith.addi %shift_right_logical3A_526, %add3A_527 : vector<16xi32>
        %swap3A_529 = arith.constant 16 : index
        %swap3A_530 = tpu.vector_load %arg6[%swap3A_529] {strides = array<i32>} : memref<32xi32, #tpu.memory_space<vmem>>, vector<16xi32>,
        tpu.vector_store %arg6[%swap3A_529], %add3A_528 {strides = array<i32>} : memref<32xi32, #tpu.memory_space<vmem>>, vector<16xi32>,
        %swap3A_531 = arith.constant 16 : index
        %swap3A_532 = tpu.vector_load %arg8[%swap3A_531] {strides = array<i32>} : memref<32xi32, #tpu.memory_space<vmem>>, vector<16xi32>,
        tpu.vector_store %arg8[%swap3A_531], %and3A_523 {strides = array<i32>} : memref<32xi32, #tpu.memory_space<vmem>>, vector<16xi32>,
        %broadcast_in_dim3A_533 = arith.constant true
        %broadcast_in_dim3A_534 = vector.broadcast %broadcast_in_dim3A_533 : i1 to vector<16xi1>
        %unique3A_535, %unique3A_536 = tpu.scan_count mask(%broadcast_in_dim3A_534 : vector<16xi1>) value(%and3A_523 : vector<16xi32>) : vector<16xi1>, vector<16xi32>
        %and3A_537 = arith.constant 127 : i32
        %and3A_538 = vector.broadcast %and3A_537 : i32 to vector<16xi32>
        %and3A_539 = arith.andi %and3A_523, %and3A_538 : vector<16xi32>
        %shift_right_logical3A_540 = arith.constant 7 : i32
        %shift_right_logical3A_541 = vector.broadcast %shift_right_logical3A_540 : i32 to vector<16xi32>
        %shift_right_logical3A_542 = arith.shrui %and3A_523, %shift_right_logical3A_541 : vector<16xi32>
        %convert_element_type3A_543 = arith.sitofp %unique3A_536 : vector<16xi32> to vector<16xf32>
        tpu.vector_store_idx %arg13[%and3A_539, %shift_right_logical3A_542], %convert_element_type3A_543 masked %unique3A_535 {add = true} : memref<128x128xf32, #tpu.memory_space<vmem>>[vector<16xi32>, vector<16xi32>], vector<16xf32>, vector<16xi1>
        %dma_start3A_544 = arith.constant 0 : i32
        %dma_start3A_545 = arith.constant 0 : i32
        %dma_start3A_546 = tpu.memref_slice %arg3[%dma_start3A_544, %dma_start3A_545] : memref<20000x128xf32, #tpu.memory_space<hbm>> -> memref<20000x128xf32, #tpu.memory_space<hbm>>
        tpu.enqueue_indirect_dma source(%dma_start3A_546 : memref<20000x128xf32, #tpu.memory_space<hbm>>) target(%arg11 : memref<32x128xf32, #tpu.memory_space<vmem>>) offsets(%arg6 : memref<32xi32, #tpu.memory_space<vmem>>) semaphore(%arg15 : memref<!tpu.dma_semaphore, #tpu.memory_space<semaphore_mem>>)
      } else {
      }
      %mul3A_477 = arith.constant 2 : i32
      %mul3A_478 = arith.muli %mul3A_477, %scan3A_464 : i32
      %add3A_479 = arith.constant 1 : i32
      %add3A_480 = arith.addi %mul3A_478, %add3A_479 : i32
      %dma_wait3A_481 = arith.constant 0 : i32
      %dma_wait3A_482 = arith.constant 0 : i32
      %dma_wait3A_483 = tpu.memref_slice %arg3[%dma_wait3A_481, %dma_wait3A_482] : memref<20000x128xf32, #tpu.memory_space<hbm>> -> memref<20000x128xf32, #tpu.memory_space<hbm>>
      tpu.wait_indirect_dma semaphore(%arg16 : memref<!tpu.dma_semaphore, #tpu.memory_space<semaphore_mem>>) src(%dma_wait3A_483 : memref<20000x128xf32, #tpu.memory_space<hbm>>) dst(%arg12 : memref<32x128xf32, #tpu.memory_space<vmem>>)
      "tpu.region"() ({
        %run_scoped3A_492 = tpu.sem_alloc : memref<!tpu.dma_semaphore, #tpu.memory_space<semaphore_mem>>
        %dma_start3A_493 = arith.constant 0 : i32
        %dma_start3A_494 = arith.constant 0 : i32
        %dma_start3A_495 = tpu.memref_slice %arg14[%dma_start3A_493, %dma_start3A_494] : memref<10240x128xf32, #tpu.memory_space<vmem_shared>> -> memref<10240x128xf32, #tpu.memory_space<vmem_shared>>
        tpu.enqueue_indirect_dma source(%arg12 : memref<32x128xf32, #tpu.memory_space<vmem>>) target(%dma_start3A_495 : memref<10240x128xf32, #tpu.memory_space<vmem_shared>>) offsets(%arg9 : memref<32xi32, #tpu.memory_space<vmem>>) semaphore(%run_scoped3A_492 : memref<!tpu.dma_semaphore, #tpu.memory_space<semaphore_mem>>) {add = true}
        %dma_wait3A_496 = arith.constant 0 : i32
        %dma_wait3A_497 = arith.constant 0 : i32
        %dma_wait3A_498 = tpu.memref_slice %arg14[%dma_wait3A_496, %dma_wait3A_497] : memref<10240x128xf32, #tpu.memory_space<vmem_shared>> -> memref<10240x128xf32, #tpu.memory_space<vmem_shared>>
        tpu.wait_indirect_dma semaphore(%run_scoped3A_492 : memref<!tpu.dma_semaphore, #tpu.memory_space<semaphore_mem>>) src(%arg12 : memref<32x128xf32, #tpu.memory_space<vmem>>) dst(%dma_wait3A_498 : memref<10240x128xf32, #tpu.memory_space<vmem_shared>>)
        tpu.yield
      }) : () -> ()
      %add3A_484 = arith.constant 2 : i32
      %add3A_485 = arith.addi %add3A_480, %add3A_484 : i32
      %lt3A_486 = arith.constant 316 : i32
      %lt3A_487 = arith.cmpi slt, %add3A_485, %lt3A_486 : i32
      %convert_element_type3A_488 = arith.extui %lt3A_487 : i1 to i32
      %cond3A_489 = arith.constant 0 : i32
      %cond3A_490 = arith.cmpi ne, %convert_element_type3A_488, %cond3A_489 : i32
      scf.if %cond3A_490 {
        %add3A_492 = arith.constant 2 : i32
        %add3A_493 = arith.addi %add3A_480, %add3A_492 : i32
        "tpu.region"() ({
          %run_scoped3A_547 = tpu.sem_alloc : memref<!tpu.dma_semaphore, #tpu.memory_space<semaphore_mem>>
          %dma_start3A_548 = arith.constant 0 : i32
          %dma_start3A_549 = tpu.memref_slice %arg2[%arg1, %add3A_493, %dma_start3A_548] : memref<16x316x32xi32, #tpu.memory_space<hbm>> -> memref<1x1x32xi32, #tpu.memory_space<hbm>>
          %dma_start3A_550 = tpu.memref_squeeze %dma_start3A_549 : memref<1x1x32xi32, #tpu.memory_space<hbm>> -> memref<32xi32, #tpu.memory_space<hbm>>
          %dma_start3A_551 = arith.constant 0 : i32
          %dma_start3A_552 = tpu.memref_slice %arg2[%arg1, %add3A_493, %dma_start3A_551] : memref<16x316x32xi32, #tpu.memory_space<hbm>> -> memref<1x1x32xi32, #tpu.memory_space<hbm>>
          %dma_start3A_553 = tpu.memref_squeeze %dma_start3A_552 : memref<1x1x32xi32, #tpu.memory_space<hbm>> -> memref<32xi32, #tpu.memory_space<hbm>>
          tpu.enqueue_dma source(%dma_start3A_553 : memref<32xi32, #tpu.memory_space<hbm>>) target(%arg5 : memref<32xi32, #tpu.memory_space<vmem>>) target_semaphore(%run_scoped3A_547 : memref<!tpu.dma_semaphore, #tpu.memory_space<semaphore_mem>>)
          %dma_wait3A_554 = arith.constant 0 : i32
          %dma_wait3A_555 = tpu.memref_slice %arg2[%arg1, %add3A_493, %dma_wait3A_554] : memref<16x316x32xi32, #tpu.memory_space<hbm>> -> memref<1x1x32xi32, #tpu.memory_space<hbm>>
          %dma_wait3A_556 = tpu.memref_squeeze %dma_wait3A_555 : memref<1x1x32xi32, #tpu.memory_space<hbm>> -> memref<32xi32, #tpu.memory_space<hbm>>
          %dma_wait3A_557 = arith.constant 0 : i32
          %dma_wait3A_558 = tpu.memref_slice %arg2[%arg1, %add3A_493, %dma_wait3A_557] : memref<16x316x32xi32, #tpu.memory_space<hbm>> -> memref<1x1x32xi32, #tpu.memory_space<hbm>>
          %dma_wait3A_559 = tpu.memref_squeeze %dma_wait3A_558 : memref<1x1x32xi32, #tpu.memory_space<hbm>> -> memref<32xi32, #tpu.memory_space<hbm>>
          tpu.wait_dma2 semaphore(%run_scoped3A_547 : memref<!tpu.dma_semaphore, #tpu.memory_space<semaphore_mem>>) src(%dma_wait3A_559 : memref<32xi32, #tpu.memory_space<hbm>>) dst(%arg5 : memref<32xi32, #tpu.memory_space<vmem>>)
          tpu.yield
        }) : () -> ()
        %get3A_494 = arith.constant 0 : index
        %get3A_495 = tpu.vector_load %arg5[%get3A_494] {strides = array<i32>} : memref<32xi32, #tpu.memory_space<vmem>>, vector<16xi32>,
        %and3A_496 = arith.constant 16383 : i32
        %and3A_497 = vector.broadcast %and3A_496 : i32 to vector<16xi32>
        %and3A_498 = arith.andi %get3A_495, %and3A_497 : vector<16xi32>
        %shift_right_logical3A_499 = arith.constant 14 : i32
        %shift_right_logical3A_500 = vector.broadcast %shift_right_logical3A_499 : i32 to vector<16xi32>
        %shift_right_logical3A_501 = arith.shrui %get3A_495, %shift_right_logical3A_500 : vector<16xi32>
        %add3A_502 = vector.broadcast %mul3A_134 : i32 to vector<16xi32>
        %add3A_503 = arith.addi %shift_right_logical3A_501, %add3A_502 : vector<16xi32>
        %swap3A_504 = arith.constant 0 : index
        %swap3A_505 = tpu.vector_load %arg7[%swap3A_504] {strides = array<i32>} : memref<32xi32, #tpu.memory_space<vmem>>, vector<16xi32>,
        tpu.vector_store %arg7[%swap3A_504], %add3A_503 {strides = array<i32>} : memref<32xi32, #tpu.memory_space<vmem>>, vector<16xi32>,
        %swap3A_506 = arith.constant 0 : index
        %swap3A_507 = tpu.vector_load %arg9[%swap3A_506] {strides = array<i32>} : memref<32xi32, #tpu.memory_space<vmem>>, vector<16xi32>,
        tpu.vector_store %arg9[%swap3A_506], %and3A_498 {strides = array<i32>} : memref<32xi32, #tpu.memory_space<vmem>>, vector<16xi32>,
        %broadcast_in_dim3A_508 = arith.constant true
        %broadcast_in_dim3A_509 = vector.broadcast %broadcast_in_dim3A_508 : i1 to vector<16xi1>
        %unique3A_510, %unique3A_511 = tpu.scan_count mask(%broadcast_in_dim3A_509 : vector<16xi1>) value(%and3A_498 : vector<16xi32>) : vector<16xi1>, vector<16xi32>
        %and3A_512 = arith.constant 127 : i32
        %and3A_513 = vector.broadcast %and3A_512 : i32 to vector<16xi32>
        %and3A_514 = arith.andi %and3A_498, %and3A_513 : vector<16xi32>
        %shift_right_logical3A_515 = arith.constant 7 : i32
        %shift_right_logical3A_516 = vector.broadcast %shift_right_logical3A_515 : i32 to vector<16xi32>
        %shift_right_logical3A_517 = arith.shrui %and3A_498, %shift_right_logical3A_516 : vector<16xi32>
        %convert_element_type3A_518 = arith.sitofp %unique3A_511 : vector<16xi32> to vector<16xf32>
        tpu.vector_store_idx %arg13[%and3A_514, %shift_right_logical3A_517], %convert_element_type3A_518 masked %unique3A_510 {add = true} : memref<128x128xf32, #tpu.memory_space<vmem>>[vector<16xi32>, vector<16xi32>], vector<16xf32>, vector<16xi1>
        %get3A_519 = arith.constant 16 : index
        %get3A_520 = tpu.vector_load %arg5[%get3A_519] {strides = array<i32>} : memref<32xi32, #tpu.memory_space<vmem>>, vector<16xi32>,
        %and3A_521 = arith.constant 16383 : i32
        %and3A_522 = vector.broadcast %and3A_521 : i32 to vector<16xi32>
        %and3A_523 = arith.andi %get3A_520, %and3A_522 : vector<16xi32>
        %shift_right_logical3A_524 = arith.constant 14 : i32
        %shift_right_logical3A_525 = vector.broadcast %shift_right_logical3A_524 : i32 to vector<16xi32>
        %shift_right_logical3A_526 = arith.shrui %get3A_520, %shift_right_logical3A_525 : vector<16xi32>
        %add3A_527 = vector.broadcast %mul3A_134 : i32 to vector<16xi32>
        %add3A_528 = arith.addi %shift_right_logical3A_526, %add3A_527 : vector<16xi32>
        %swap3A_529 = arith.constant 16 : index
        %swap3A_530 = tpu.vector_load %arg7[%swap3A_529] {strides = array<i32>} : memref<32xi32, #tpu.memory_space<vmem>>, vector<16xi32>,
        tpu.vector_store %arg7[%swap3A_529], %add3A_528 {strides = array<i32>} : memref<32xi32, #tpu.memory_space<vmem>>, vector<16xi32>,
        %swap3A_531 = arith.constant 16 : index
        %swap3A_532 = tpu.vector_load %arg9[%swap3A_531] {strides = array<i32>} : memref<32xi32, #tpu.memory_space<vmem>>, vector<16xi32>,
        tpu.vector_store %arg9[%swap3A_531], %and3A_523 {strides = array<i32>} : memref<32xi32, #tpu.memory_space<vmem>>, vector<16xi32>,
        %broadcast_in_dim3A_533 = arith.constant true
        %broadcast_in_dim3A_534 = vector.broadcast %broadcast_in_dim3A_533 : i1 to vector<16xi1>
        %unique3A_535, %unique3A_536 = tpu.scan_count mask(%broadcast_in_dim3A_534 : vector<16xi1>) value(%and3A_523 : vector<16xi32>) : vector<16xi1>, vector<16xi32>
        %and3A_537 = arith.constant 127 : i32
        %and3A_538 = vector.broadcast %and3A_537 : i32 to vector<16xi32>
        %and3A_539 = arith.andi %and3A_523, %and3A_538 : vector<16xi32>
        %shift_right_logical3A_540 = arith.constant 7 : i32
        %shift_right_logical3A_541 = vector.broadcast %shift_right_logical3A_540 : i32 to vector<16xi32>
        %shift_right_logical3A_542 = arith.shrui %and3A_523, %shift_right_logical3A_541 : vector<16xi32>
        %convert_element_type3A_543 = arith.sitofp %unique3A_536 : vector<16xi32> to vector<16xf32>
        tpu.vector_store_idx %arg13[%and3A_539, %shift_right_logical3A_542], %convert_element_type3A_543 masked %unique3A_535 {add = true} : memref<128x128xf32, #tpu.memory_space<vmem>>[vector<16xi32>, vector<16xi32>], vector<16xf32>, vector<16xi1>
        %dma_start3A_544 = arith.constant 0 : i32
        %dma_start3A_545 = arith.constant 0 : i32
        %dma_start3A_546 = tpu.memref_slice %arg3[%dma_start3A_544, %dma_start3A_545] : memref<20000x128xf32, #tpu.memory_space<hbm>> -> memref<20000x128xf32, #tpu.memory_space<hbm>>
        tpu.enqueue_indirect_dma source(%dma_start3A_546 : memref<20000x128xf32, #tpu.memory_space<hbm>>) target(%arg12 : memref<32x128xf32, #tpu.memory_space<vmem>>) offsets(%arg7 : memref<32xi32, #tpu.memory_space<vmem>>) semaphore(%arg16 : memref<!tpu.dma_semaphore, #tpu.memory_space<semaphore_mem>>)
      } else {
      }
      %scan3A_491 = arith.constant 0 : i32
      scf.yield %scan3A_491 : i32
    }
    %scan3A_242 = arith.constant 158 : i32
    "tpu.region"() ({
      %run_scoped3A_464 = tpu.sem_alloc : memref<!tpu.dma_semaphore, #tpu.memory_space<semaphore_mem>>
      %dma_start3A_465 = arith.constant 0 : i32
      %dma_start3A_466 = arith.constant 0 : i32
      %dma_start3A_467 = tpu.memref_slice %arg14[%dma_start3A_465, %dma_start3A_466] : memref<10240x128xf32, #tpu.memory_space<vmem_shared>> -> memref<10240x128xf32, #tpu.memory_space<vmem_shared>>
      tpu.enqueue_indirect_dma source(%arg13 : memref<128x128xf32, #tpu.memory_space<vmem>>) target(%dma_start3A_467 : memref<10240x128xf32, #tpu.memory_space<vmem_shared>>) offsets(%arg10 : memref<128xi32, #tpu.memory_space<vmem>>) semaphore(%run_scoped3A_464 : memref<!tpu.dma_semaphore, #tpu.memory_space<semaphore_mem>>) {add = true}
      %dma_wait3A = arith.constant 0 : i32
      %dma_wait3A_468 = arith.constant 0 : i32
      %dma_wait3A_469 = tpu.memref_slice %arg14[%dma_wait3A, %dma_wait3A_468] : memref<10240x128xf32, #tpu.memory_space<vmem_shared>> -> memref<10240x128xf32, #tpu.memory_space<vmem_shared>>
      tpu.wait_indirect_dma semaphore(%run_scoped3A_464 : memref<!tpu.dma_semaphore, #tpu.memory_space<semaphore_mem>>) src(%arg13 : memref<128x128xf32, #tpu.memory_space<vmem>>) dst(%dma_wait3A_469 : memref<10240x128xf32, #tpu.memory_space<vmem_shared>>)
      tpu.yield
    }) : () -> ()
    %barrier3A_243 = arith.constant 0 : index
    tpu.barrier barrier_id(%barrier3A_243)
    %mul3A_244 = arith.constant 640 : i32
    %mul3A_245 = arith.muli %arg1, %mul3A_244 : i32
    %add3A_246 = arith.constant 0 : i32
    %add3A_247 = arith.addi %mul3A_245, %add3A_246 : i32
    "tpu.region"() ({
      %run_scoped3A_464 = tpu.sem_alloc : memref<!tpu.dma_semaphore, #tpu.memory_space<semaphore_mem>>
      %dma_start3A_465 = arith.constant 0 : i32
      %dma_start3A_466 = arith.constant 0 : i32
      %dma_start3A_467 = tpu.memref_slice %arg11[%dma_start3A_465, %dma_start3A_466] : memref<32x128xf32, #tpu.memory_space<vmem>> -> memref<32x128xf32, #tpu.memory_space<vmem>>
      %dma_start3A_468 = arith.constant 0 : i32
      %dma_start3A_469 = tpu.memref_slice %arg14[%add3A_247, %dma_start3A_468] : memref<10240x128xf32, #tpu.memory_space<vmem_shared>> -> memref<32x128xf32, #tpu.memory_space<vmem_shared>>
      %dma_start3A_470 = arith.constant 0 : i32
      %dma_start3A_471 = arith.constant 0 : i32
      %dma_start3A_472 = tpu.memref_slice %arg11[%dma_start3A_470, %dma_start3A_471] : memref<32x128xf32, #tpu.memory_space<vmem>> -> memref<32x128xf32, #tpu.memory_space<vmem>>
      %dma_start3A_473 = arith.constant 0 : i32
      %dma_start3A_474 = tpu.memref_slice %arg14[%add3A_247, %dma_start3A_473] : memref<10240x128xf32, #tpu.memory_space<vmem_shared>> -> memref<32x128xf32, #tpu.memory_space<vmem_shared>>
      tpu.enqueue_dma source(%dma_start3A_474 : memref<32x128xf32, #tpu.memory_space<vmem_shared>>) target(%dma_start3A_472 : memref<32x128xf32, #tpu.memory_space<vmem>>) target_semaphore(%run_scoped3A_464 : memref<!tpu.dma_semaphore, #tpu.memory_space<semaphore_mem>>)
      %dma_wait3A = arith.constant 0 : i32
      %dma_wait3A_475 = arith.constant 0 : i32
      %dma_wait3A_476 = tpu.memref_slice %arg11[%dma_wait3A, %dma_wait3A_475] : memref<32x128xf32, #tpu.memory_space<vmem>> -> memref<32x128xf32, #tpu.memory_space<vmem>>
      %dma_wait3A_477 = arith.constant 0 : i32
      %dma_wait3A_478 = tpu.memref_slice %arg14[%add3A_247, %dma_wait3A_477] : memref<10240x128xf32, #tpu.memory_space<vmem_shared>> -> memref<32x128xf32, #tpu.memory_space<vmem_shared>>
      %dma_wait3A_479 = arith.constant 0 : i32
      %dma_wait3A_480 = arith.constant 0 : i32
      %dma_wait3A_481 = tpu.memref_slice %arg11[%dma_wait3A_479, %dma_wait3A_480] : memref<32x128xf32, #tpu.memory_space<vmem>> -> memref<32x128xf32, #tpu.memory_space<vmem>>
      %dma_wait3A_482 = arith.constant 0 : i32
      %dma_wait3A_483 = tpu.memref_slice %arg14[%add3A_247, %dma_wait3A_482] : memref<10240x128xf32, #tpu.memory_space<vmem_shared>> -> memref<32x128xf32, #tpu.memory_space<vmem_shared>>
      tpu.wait_dma2 semaphore(%run_scoped3A_464 : memref<!tpu.dma_semaphore, #tpu.memory_space<semaphore_mem>>) src(%dma_wait3A_483 : memref<32x128xf32, #tpu.memory_space<vmem_shared>>) dst(%dma_wait3A_481 : memref<32x128xf32, #tpu.memory_space<vmem>>)
      tpu.yield
    }) : () -> ()
    %mul3A_248 = arith.constant 10240 : i32
    %mul3A_249 = arith.muli %arg0, %mul3A_248 : i32
    %mul3A_250 = arith.constant 640 : i32
    %mul3A_251 = arith.muli %arg1, %mul3A_250 : i32
    %add3A_252 = arith.addi %mul3A_249, %mul3A_251 : i32
    %add3A_253 = arith.constant 0 : i32
    %add3A_254 = arith.addi %add3A_252, %add3A_253 : i32
    "tpu.region"() ({
      %run_scoped3A_464 = tpu.sem_alloc : memref<!tpu.dma_semaphore, #tpu.memory_space<semaphore_mem>>
      %dma_start3A_465 = arith.constant 0 : i32
      %dma_start3A_466 = arith.constant 0 : i32
      %dma_start3A_467 = tpu.memref_slice %arg11[%dma_start3A_465, %dma_start3A_466] : memref<32x128xf32, #tpu.memory_space<vmem>> -> memref<32x128xf32, #tpu.memory_space<vmem>>
      %dma_start3A_468 = arith.constant 0 : i32
      %dma_start3A_469 = tpu.memref_slice %arg4[%add3A_254, %dma_start3A_468] : memref<20480x128xf32, #tpu.memory_space<hbm>> -> memref<32x128xf32, #tpu.memory_space<hbm>>
      %dma_start3A_470 = arith.constant 0 : i32
      %dma_start3A_471 = tpu.memref_slice %arg4[%add3A_254, %dma_start3A_470] : memref<20480x128xf32, #tpu.memory_space<hbm>> -> memref<32x128xf32, #tpu.memory_space<hbm>>
      %dma_start3A_472 = arith.constant 0 : i32
      %dma_start3A_473 = arith.constant 0 : i32
      %dma_start3A_474 = tpu.memref_slice %arg11[%dma_start3A_472, %dma_start3A_473] : memref<32x128xf32, #tpu.memory_space<vmem>> -> memref<32x128xf32, #tpu.memory_space<vmem>>
      tpu.enqueue_dma source(%dma_start3A_474 : memref<32x128xf32, #tpu.memory_space<vmem>>) target(%dma_start3A_471 : memref<32x128xf32, #tpu.memory_space<hbm>>) target_semaphore(%run_scoped3A_464 : memref<!tpu.dma_semaphore, #tpu.memory_space<semaphore_mem>>)
      %dma_wait3A = arith.constant 0 : i32
      %dma_wait3A_475 = arith.constant 0 : i32
      %dma_wait3A_476 = tpu.memref_slice %arg11[%dma_wait3A, %dma_wait3A_475] : memref<32x128xf32, #tpu.memory_space<vmem>> -> memref<32x128xf32, #tpu.memory_space<vmem>>
      %dma_wait3A_477 = arith.constant 0 : i32
      %dma_wait3A_478 = tpu.memref_slice %arg4[%add3A_254, %dma_wait3A_477] : memref<20480x128xf32, #tpu.memory_space<hbm>> -> memref<32x128xf32, #tpu.memory_space<hbm>>
      %dma_wait3A_479 = arith.constant 0 : i32
      %dma_wait3A_480 = tpu.memref_slice %arg4[%add3A_254, %dma_wait3A_479] : memref<20480x128xf32, #tpu.memory_space<hbm>> -> memref<32x128xf32, #tpu.memory_space<hbm>>
      %dma_wait3A_481 = arith.constant 0 : i32
      %dma_wait3A_482 = arith.constant 0 : i32
      %dma_wait3A_483 = tpu.memref_slice %arg11[%dma_wait3A_481, %dma_wait3A_482] : memref<32x128xf32, #tpu.memory_space<vmem>> -> memref<32x128xf32, #tpu.memory_space<vmem>>
      tpu.wait_dma2 semaphore(%run_scoped3A_464 : memref<!tpu.dma_semaphore, #tpu.memory_space<semaphore_mem>>) src(%dma_wait3A_483 : memref<32x128xf32, #tpu.memory_space<vmem>>) dst(%dma_wait3A_480 : memref<32x128xf32, #tpu.memory_space<hbm>>)
      tpu.yield
    }) : () -> ()
    %mul3A_255 = arith.constant 640 : i32
    %mul3A_256 = arith.muli %arg1, %mul3A_255 : i32
    %add3A_257 = arith.constant 32 : i32
    %add3A_258 = arith.addi %mul3A_256, %add3A_257 : i32
    "tpu.region"() ({
      %run_scoped3A_464 = tpu.sem_alloc : memref<!tpu.dma_semaphore, #tpu.memory_space<semaphore_mem>>
      %dma_start3A_465 = arith.constant 0 : i32
      %dma_start3A_466 = arith.constant 0 : i32
      %dma_start3A_467 = tpu.memref_slice %arg11[%dma_start3A_465, %dma_start3A_466] : memref<32x128xf32, #tpu.memory_space<vmem>> -> memref<32x128xf32, #tpu.memory_space<vmem>>
      %dma_start3A_468 = arith.constant 0 : i32
      %dma_start3A_469 = tpu.memref_slice %arg14[%add3A_258, %dma_start3A_468] : memref<10240x128xf32, #tpu.memory_space<vmem_shared>> -> memref<32x128xf32, #tpu.memory_space<vmem_shared>>
      %dma_start3A_470 = arith.constant 0 : i32
      %dma_start3A_471 = arith.constant 0 : i32
      %dma_start3A_472 = tpu.memref_slice %arg11[%dma_start3A_470, %dma_start3A_471] : memref<32x128xf32, #tpu.memory_space<vmem>> -> memref<32x128xf32, #tpu.memory_space<vmem>>
      %dma_start3A_473 = arith.constant 0 : i32
      %dma_start3A_474 = tpu.memref_slice %arg14[%add3A_258, %dma_start3A_473] : memref<10240x128xf32, #tpu.memory_space<vmem_shared>> -> memref<32x128xf32, #tpu.memory_space<vmem_shared>>
      tpu.enqueue_dma source(%dma_start3A_474 : memref<32x128xf32, #tpu.memory_space<vmem_shared>>) target(%dma_start3A_472 : memref<32x128xf32, #tpu.memory_space<vmem>>) target_semaphore(%run_scoped3A_464 : memref<!tpu.dma_semaphore, #tpu.memory_space<semaphore_mem>>)
      %dma_wait3A = arith.constant 0 : i32
      %dma_wait3A_475 = arith.constant 0 : i32
      %dma_wait3A_476 = tpu.memref_slice %arg11[%dma_wait3A, %dma_wait3A_475] : memref<32x128xf32, #tpu.memory_space<vmem>> -> memref<32x128xf32, #tpu.memory_space<vmem>>
      %dma_wait3A_477 = arith.constant 0 : i32
      %dma_wait3A_478 = tpu.memref_slice %arg14[%add3A_258, %dma_wait3A_477] : memref<10240x128xf32, #tpu.memory_space<vmem_shared>> -> memref<32x128xf32, #tpu.memory_space<vmem_shared>>
      %dma_wait3A_479 = arith.constant 0 : i32
      %dma_wait3A_480 = arith.constant 0 : i32
      %dma_wait3A_481 = tpu.memref_slice %arg11[%dma_wait3A_479, %dma_wait3A_480] : memref<32x128xf32, #tpu.memory_space<vmem>> -> memref<32x128xf32, #tpu.memory_space<vmem>>
      %dma_wait3A_482 = arith.constant 0 : i32
      %dma_wait3A_483 = tpu.memref_slice %arg14[%add3A_258, %dma_wait3A_482] : memref<10240x128xf32, #tpu.memory_space<vmem_shared>> -> memref<32x128xf32, #tpu.memory_space<vmem_shared>>
      tpu.wait_dma2 semaphore(%run_scoped3A_464 : memref<!tpu.dma_semaphore, #tpu.memory_space<semaphore_mem>>) src(%dma_wait3A_483 : memref<32x128xf32, #tpu.memory_space<vmem_shared>>) dst(%dma_wait3A_481 : memref<32x128xf32, #tpu.memory_space<vmem>>)
      tpu.yield
    }) : () -> ()
    %mul3A_259 = arith.constant 10240 : i32
    %mul3A_260 = arith.muli %arg0, %mul3A_259 : i32
    %mul3A_261 = arith.constant 640 : i32
    %mul3A_262 = arith.muli %arg1, %mul3A_261 : i32
    %add3A_263 = arith.addi %mul3A_260, %mul3A_262 : i32
    %add3A_264 = arith.constant 32 : i32
    %add3A_265 = arith.addi %add3A_263, %add3A_264 : i32
    "tpu.region"() ({
      %run_scoped3A_464 = tpu.sem_alloc : memref<!tpu.dma_semaphore, #tpu.memory_space<semaphore_mem>>
      %dma_start3A_465 = arith.constant 0 : i32
      %dma_start3A_466 = arith.constant 0 : i32
      %dma_start3A_467 = tpu.memref_slice %arg11[%dma_start3A_465, %dma_start3A_466] : memref<32x128xf32, #tpu.memory_space<vmem>> -> memref<32x128xf32, #tpu.memory_space<vmem>>
      %dma_start3A_468 = arith.constant 0 : i32
      %dma_start3A_469 = tpu.memref_slice %arg4[%add3A_265, %dma_start3A_468] : memref<20480x128xf32, #tpu.memory_space<hbm>> -> memref<32x128xf32, #tpu.memory_space<hbm>>
      %dma_start3A_470 = arith.constant 0 : i32
      %dma_start3A_471 = tpu.memref_slice %arg4[%add3A_265, %dma_start3A_470] : memref<20480x128xf32, #tpu.memory_space<hbm>> -> memref<32x128xf32, #tpu.memory_space<hbm>>
      %dma_start3A_472 = arith.constant 0 : i32
      %dma_start3A_473 = arith.constant 0 : i32
      %dma_start3A_474 = tpu.memref_slice %arg11[%dma_start3A_472, %dma_start3A_473] : memref<32x128xf32, #tpu.memory_space<vmem>> -> memref<32x128xf32, #tpu.memory_space<vmem>>
      tpu.enqueue_dma source(%dma_start3A_474 : memref<32x128xf32, #tpu.memory_space<vmem>>) target(%dma_start3A_471 : memref<32x128xf32, #tpu.memory_space<hbm>>) target_semaphore(%run_scoped3A_464 : memref<!tpu.dma_semaphore, #tpu.memory_space<semaphore_mem>>)
      %dma_wait3A = arith.constant 0 : i32
      %dma_wait3A_475 = arith.constant 0 : i32
      %dma_wait3A_476 = tpu.memref_slice %arg11[%dma_wait3A, %dma_wait3A_475] : memref<32x128xf32, #tpu.memory_space<vmem>> -> memref<32x128xf32, #tpu.memory_space<vmem>>
      %dma_wait3A_477 = arith.constant 0 : i32
      %dma_wait3A_478 = tpu.memref_slice %arg4[%add3A_265, %dma_wait3A_477] : memref<20480x128xf32, #tpu.memory_space<hbm>> -> memref<32x128xf32, #tpu.memory_space<hbm>>
      %dma_wait3A_479 = arith.constant 0 : i32
      %dma_wait3A_480 = tpu.memref_slice %arg4[%add3A_265, %dma_wait3A_479] : memref<20480x128xf32, #tpu.memory_space<hbm>> -> memref<32x128xf32, #tpu.memory_space<hbm>>
      %dma_wait3A_481 = arith.constant 0 : i32
      %dma_wait3A_482 = arith.constant 0 : i32
      %dma_wait3A_483 = tpu.memref_slice %arg11[%dma_wait3A_481, %dma_wait3A_482] : memref<32x128xf32, #tpu.memory_space<vmem>> -> memref<32x128xf32, #tpu.memory_space<vmem>>
      tpu.wait_dma2 semaphore(%run_scoped3A_464 : memref<!tpu.dma_semaphore, #tpu.memory_space<semaphore_mem>>) src(%dma_wait3A_483 : memref<32x128xf32, #tpu.memory_space<vmem>>) dst(%dma_wait3A_480 : memref<32x128xf32, #tpu.memory_space<hbm>>)
      tpu.yield
    }) : () -> ()
    %mul3A_266 = arith.constant 640 : i32
    %mul3A_267 = arith.muli %arg1, %mul3A_266 : i32
    %add3A_268 = arith.constant 64 : i32
    %add3A_269 = arith.addi %mul3A_267, %add3A_268 : i32
    "tpu.region"() ({
      %run_scoped3A_464 = tpu.sem_alloc : memref<!tpu.dma_semaphore, #tpu.memory_space<semaphore_mem>>
      %dma_start3A_465 = arith.constant 0 : i32
      %dma_start3A_466 = arith.constant 0 : i32
      %dma_start3A_467 = tpu.memref_slice %arg11[%dma_start3A_465, %dma_start3A_466] : memref<32x128xf32, #tpu.memory_space<vmem>> -> memref<32x128xf32, #tpu.memory_space<vmem>>
      %dma_start3A_468 = arith.constant 0 : i32
      %dma_start3A_469 = tpu.memref_slice %arg14[%add3A_269, %dma_start3A_468] : memref<10240x128xf32, #tpu.memory_space<vmem_shared>> -> memref<32x128xf32, #tpu.memory_space<vmem_shared>>
      %dma_start3A_470 = arith.constant 0 : i32
      %dma_start3A_471 = arith.constant 0 : i32
      %dma_start3A_472 = tpu.memref_slice %arg11[%dma_start3A_470, %dma_start3A_471] : memref<32x128xf32, #tpu.memory_space<vmem>> -> memref<32x128xf32, #tpu.memory_space<vmem>>
      %dma_start3A_473 = arith.constant 0 : i32
      %dma_start3A_474 = tpu.memref_slice %arg14[%add3A_269, %dma_start3A_473] : memref<10240x128xf32, #tpu.memory_space<vmem_shared>> -> memref<32x128xf32, #tpu.memory_space<vmem_shared>>
      tpu.enqueue_dma source(%dma_start3A_474 : memref<32x128xf32, #tpu.memory_space<vmem_shared>>) target(%dma_start3A_472 : memref<32x128xf32, #tpu.memory_space<vmem>>) target_semaphore(%run_scoped3A_464 : memref<!tpu.dma_semaphore, #tpu.memory_space<semaphore_mem>>)
      %dma_wait3A = arith.constant 0 : i32
      %dma_wait3A_475 = arith.constant 0 : i32
      %dma_wait3A_476 = tpu.memref_slice %arg11[%dma_wait3A, %dma_wait3A_475] : memref<32x128xf32, #tpu.memory_space<vmem>> -> memref<32x128xf32, #tpu.memory_space<vmem>>
      %dma_wait3A_477 = arith.constant 0 : i32
      %dma_wait3A_478 = tpu.memref_slice %arg14[%add3A_269, %dma_wait3A_477] : memref<10240x128xf32, #tpu.memory_space<vmem_shared>> -> memref<32x128xf32, #tpu.memory_space<vmem_shared>>
      %dma_wait3A_479 = arith.constant 0 : i32
      %dma_wait3A_480 = arith.constant 0 : i32
      %dma_wait3A_481 = tpu.memref_slice %arg11[%dma_wait3A_479, %dma_wait3A_480] : memref<32x128xf32, #tpu.memory_space<vmem>> -> memref<32x128xf32, #tpu.memory_space<vmem>>
      %dma_wait3A_482 = arith.constant 0 : i32
      %dma_wait3A_483 = tpu.memref_slice %arg14[%add3A_269, %dma_wait3A_482] : memref<10240x128xf32, #tpu.memory_space<vmem_shared>> -> memref<32x128xf32, #tpu.memory_space<vmem_shared>>
      tpu.wait_dma2 semaphore(%run_scoped3A_464 : memref<!tpu.dma_semaphore, #tpu.memory_space<semaphore_mem>>) src(%dma_wait3A_483 : memref<32x128xf32, #tpu.memory_space<vmem_shared>>) dst(%dma_wait3A_481 : memref<32x128xf32, #tpu.memory_space<vmem>>)
      tpu.yield
    }) : () -> ()
    %mul3A_270 = arith.constant 10240 : i32
    %mul3A_271 = arith.muli %arg0, %mul3A_270 : i32
    %mul3A_272 = arith.constant 640 : i32
    %mul3A_273 = arith.muli %arg1, %mul3A_272 : i32
    %add3A_274 = arith.addi %mul3A_271, %mul3A_273 : i32
    %add3A_275 = arith.constant 64 : i32
    %add3A_276 = arith.addi %add3A_274, %add3A_275 : i32
    "tpu.region"() ({
      %run_scoped3A_464 = tpu.sem_alloc : memref<!tpu.dma_semaphore, #tpu.memory_space<semaphore_mem>>
      %dma_start3A_465 = arith.constant 0 : i32
      %dma_start3A_466 = arith.constant 0 : i32
      %dma_start3A_467 = tpu.memref_slice %arg11[%dma_start3A_465, %dma_start3A_466] : memref<32x128xf32, #tpu.memory_space<vmem>> -> memref<32x128xf32, #tpu.memory_space<vmem>>
      %dma_start3A_468 = arith.constant 0 : i32
      %dma_start3A_469 = tpu.memref_slice %arg4[%add3A_276, %dma_start3A_468] : memref<20480x128xf32, #tpu.memory_space<hbm>> -> memref<32x128xf32, #tpu.memory_space<hbm>>
      %dma_start3A_470 = arith.constant 0 : i32
      %dma_start3A_471 = tpu.memref_slice %arg4[%add3A_276, %dma_start3A_470] : memref<20480x128xf32, #tpu.memory_space<hbm>> -> memref<32x128xf32, #tpu.memory_space<hbm>>
      %dma_start3A_472 = arith.constant 0 : i32
      %dma_start3A_473 = arith.constant 0 : i32
      %dma_start3A_474 = tpu.memref_slice %arg11[%dma_start3A_472, %dma_start3A_473] : memref<32x128xf32, #tpu.memory_space<vmem>> -> memref<32x128xf32, #tpu.memory_space<vmem>>
      tpu.enqueue_dma source(%dma_start3A_474 : memref<32x128xf32, #tpu.memory_space<vmem>>) target(%dma_start3A_471 : memref<32x128xf32, #tpu.memory_space<hbm>>) target_semaphore(%run_scoped3A_464 : memref<!tpu.dma_semaphore, #tpu.memory_space<semaphore_mem>>)
      %dma_wait3A = arith.constant 0 : i32
      %dma_wait3A_475 = arith.constant 0 : i32
      %dma_wait3A_476 = tpu.memref_slice %arg11[%dma_wait3A, %dma_wait3A_475] : memref<32x128xf32, #tpu.memory_space<vmem>> -> memref<32x128xf32, #tpu.memory_space<vmem>>
      %dma_wait3A_477 = arith.constant 0 : i32
      %dma_wait3A_478 = tpu.memref_slice %arg4[%add3A_276, %dma_wait3A_477] : memref<20480x128xf32, #tpu.memory_space<hbm>> -> memref<32x128xf32, #tpu.memory_space<hbm>>
      %dma_wait3A_479 = arith.constant 0 : i32
      %dma_wait3A_480 = tpu.memref_slice %arg4[%add3A_276, %dma_wait3A_479] : memref<20480x128xf32, #tpu.memory_space<hbm>> -> memref<32x128xf32, #tpu.memory_space<hbm>>
      %dma_wait3A_481 = arith.constant 0 : i32
      %dma_wait3A_482 = arith.constant 0 : i32
      %dma_wait3A_483 = tpu.memref_slice %arg11[%dma_wait3A_481, %dma_wait3A_482] : memref<32x128xf32, #tpu.memory_space<vmem>> -> memref<32x128xf32, #tpu.memory_space<vmem>>
      tpu.wait_dma2 semaphore(%run_scoped3A_464 : memref<!tpu.dma_semaphore, #tpu.memory_space<semaphore_mem>>) src(%dma_wait3A_483 : memref<32x128xf32, #tpu.memory_space<vmem>>) dst(%dma_wait3A_480 : memref<32x128xf32, #tpu.memory_space<hbm>>)
      tpu.yield
    }) : () -> ()
    %mul3A_277 = arith.constant 640 : i32
    %mul3A_278 = arith.muli %arg1, %mul3A_277 : i32
    %add3A_279 = arith.constant 96 : i32
    %add3A_280 = arith.addi %mul3A_278, %add3A_279 : i32
    "tpu.region"() ({
      %run_scoped3A_464 = tpu.sem_alloc : memref<!tpu.dma_semaphore, #tpu.memory_space<semaphore_mem>>
      %dma_start3A_465 = arith.constant 0 : i32
      %dma_start3A_466 = arith.constant 0 : i32
      %dma_start3A_467 = tpu.memref_slice %arg11[%dma_start3A_465, %dma_start3A_466] : memref<32x128xf32, #tpu.memory_space<vmem>> -> memref<32x128xf32, #tpu.memory_space<vmem>>
      %dma_start3A_468 = arith.constant 0 : i32
      %dma_start3A_469 = tpu.memref_slice %arg14[%add3A_280, %dma_start3A_468] : memref<10240x128xf32, #tpu.memory_space<vmem_shared>> -> memref<32x128xf32, #tpu.memory_space<vmem_shared>>
      %dma_start3A_470 = arith.constant 0 : i32
      %dma_start3A_471 = arith.constant 0 : i32
      %dma_start3A_472 = tpu.memref_slice %arg11[%dma_start3A_470, %dma_start3A_471] : memref<32x128xf32, #tpu.memory_space<vmem>> -> memref<32x128xf32, #tpu.memory_space<vmem>>
      %dma_start3A_473 = arith.constant 0 : i32
      %dma_start3A_474 = tpu.memref_slice %arg14[%add3A_280, %dma_start3A_473] : memref<10240x128xf32, #tpu.memory_space<vmem_shared>> -> memref<32x128xf32, #tpu.memory_space<vmem_shared>>
      tpu.enqueue_dma source(%dma_start3A_474 : memref<32x128xf32, #tpu.memory_space<vmem_shared>>) target(%dma_start3A_472 : memref<32x128xf32, #tpu.memory_space<vmem>>) target_semaphore(%run_scoped3A_464 : memref<!tpu.dma_semaphore, #tpu.memory_space<semaphore_mem>>)
      %dma_wait3A = arith.constant 0 : i32
      %dma_wait3A_475 = arith.constant 0 : i32
      %dma_wait3A_476 = tpu.memref_slice %arg11[%dma_wait3A, %dma_wait3A_475] : memref<32x128xf32, #tpu.memory_space<vmem>> -> memref<32x128xf32, #tpu.memory_space<vmem>>
      %dma_wait3A_477 = arith.constant 0 : i32
      %dma_wait3A_478 = tpu.memref_slice %arg14[%add3A_280, %dma_wait3A_477] : memref<10240x128xf32, #tpu.memory_space<vmem_shared>> -> memref<32x128xf32, #tpu.memory_space<vmem_shared>>
      %dma_wait3A_479 = arith.constant 0 : i32
      %dma_wait3A_480 = arith.constant 0 : i32
      %dma_wait3A_481 = tpu.memref_slice %arg11[%dma_wait3A_479, %dma_wait3A_480] : memref<32x128xf32, #tpu.memory_space<vmem>> -> memref<32x128xf32, #tpu.memory_space<vmem>>
      %dma_wait3A_482 = arith.constant 0 : i32
      %dma_wait3A_483 = tpu.memref_slice %arg14[%add3A_280, %dma_wait3A_482] : memref<10240x128xf32, #tpu.memory_space<vmem_shared>> -> memref<32x128xf32, #tpu.memory_space<vmem_shared>>
      tpu.wait_dma2 semaphore(%run_scoped3A_464 : memref<!tpu.dma_semaphore, #tpu.memory_space<semaphore_mem>>) src(%dma_wait3A_483 : memref<32x128xf32, #tpu.memory_space<vmem_shared>>) dst(%dma_wait3A_481 : memref<32x128xf32, #tpu.memory_space<vmem>>)
      tpu.yield
    }) : () -> ()
    %mul3A_281 = arith.constant 10240 : i32
    %mul3A_282 = arith.muli %arg0, %mul3A_281 : i32
    %mul3A_283 = arith.constant 640 : i32
    %mul3A_284 = arith.muli %arg1, %mul3A_283 : i32
    %add3A_285 = arith.addi %mul3A_282, %mul3A_284 : i32
    %add3A_286 = arith.constant 96 : i32
    %add3A_287 = arith.addi %add3A_285, %add3A_286 : i32
    "tpu.region"() ({
      %run_scoped3A_464 = tpu.sem_alloc : memref<!tpu.dma_semaphore, #tpu.memory_space<semaphore_mem>>
      %dma_start3A_465 = arith.constant 0 : i32
      %dma_start3A_466 = arith.constant 0 : i32
      %dma_start3A_467 = tpu.memref_slice %arg11[%dma_start3A_465, %dma_start3A_466] : memref<32x128xf32, #tpu.memory_space<vmem>> -> memref<32x128xf32, #tpu.memory_space<vmem>>
      %dma_start3A_468 = arith.constant 0 : i32
      %dma_start3A_469 = tpu.memref_slice %arg4[%add3A_287, %dma_start3A_468] : memref<20480x128xf32, #tpu.memory_space<hbm>> -> memref<32x128xf32, #tpu.memory_space<hbm>>
      %dma_start3A_470 = arith.constant 0 : i32
      %dma_start3A_471 = tpu.memref_slice %arg4[%add3A_287, %dma_start3A_470] : memref<20480x128xf32, #tpu.memory_space<hbm>> -> memref<32x128xf32, #tpu.memory_space<hbm>>
      %dma_start3A_472 = arith.constant 0 : i32
      %dma_start3A_473 = arith.constant 0 : i32
      %dma_start3A_474 = tpu.memref_slice %arg11[%dma_start3A_472, %dma_start3A_473] : memref<32x128xf32, #tpu.memory_space<vmem>> -> memref<32x128xf32, #tpu.memory_space<vmem>>
      tpu.enqueue_dma source(%dma_start3A_474 : memref<32x128xf32, #tpu.memory_space<vmem>>) target(%dma_start3A_471 : memref<32x128xf32, #tpu.memory_space<hbm>>) target_semaphore(%run_scoped3A_464 : memref<!tpu.dma_semaphore, #tpu.memory_space<semaphore_mem>>)
      %dma_wait3A = arith.constant 0 : i32
      %dma_wait3A_475 = arith.constant 0 : i32
      %dma_wait3A_476 = tpu.memref_slice %arg11[%dma_wait3A, %dma_wait3A_475] : memref<32x128xf32, #tpu.memory_space<vmem>> -> memref<32x128xf32, #tpu.memory_space<vmem>>
      %dma_wait3A_477 = arith.constant 0 : i32
      %dma_wait3A_478 = tpu.memref_slice %arg4[%add3A_287, %dma_wait3A_477] : memref<20480x128xf32, #tpu.memory_space<hbm>> -> memref<32x128xf32, #tpu.memory_space<hbm>>
      %dma_wait3A_479 = arith.constant 0 : i32
      %dma_wait3A_480 = tpu.memref_slice %arg4[%add3A_287, %dma_wait3A_479] : memref<20480x128xf32, #tpu.memory_space<hbm>> -> memref<32x128xf32, #tpu.memory_space<hbm>>
      %dma_wait3A_481 = arith.constant 0 : i32
      %dma_wait3A_482 = arith.constant 0 : i32
      %dma_wait3A_483 = tpu.memref_slice %arg11[%dma_wait3A_481, %dma_wait3A_482] : memref<32x128xf32, #tpu.memory_space<vmem>> -> memref<32x128xf32, #tpu.memory_space<vmem>>
      tpu.wait_dma2 semaphore(%run_scoped3A_464 : memref<!tpu.dma_semaphore, #tpu.memory_space<semaphore_mem>>) src(%dma_wait3A_483 : memref<32x128xf32, #tpu.memory_space<vmem>>) dst(%dma_wait3A_480 : memref<32x128xf32, #tpu.memory_space<hbm>>)
      tpu.yield
    }) : () -> ()
    %mul3A_288 = arith.constant 640 : i32
    %mul3A_289 = arith.muli %arg1, %mul3A_288 : i32
    %add3A_290 = arith.constant 128 : i32
    %add3A_291 = arith.addi %mul3A_289, %add3A_290 : i32
    "tpu.region"() ({
      %run_scoped3A_464 = tpu.sem_alloc : memref<!tpu.dma_semaphore, #tpu.memory_space<semaphore_mem>>
      %dma_start3A_465 = arith.constant 0 : i32
      %dma_start3A_466 = arith.constant 0 : i32
      %dma_start3A_467 = tpu.memref_slice %arg11[%dma_start3A_465, %dma_start3A_466] : memref<32x128xf32, #tpu.memory_space<vmem>> -> memref<32x128xf32, #tpu.memory_space<vmem>>
      %dma_start3A_468 = arith.constant 0 : i32
      %dma_start3A_469 = tpu.memref_slice %arg14[%add3A_291, %dma_start3A_468] : memref<10240x128xf32, #tpu.memory_space<vmem_shared>> -> memref<32x128xf32, #tpu.memory_space<vmem_shared>>
      %dma_start3A_470 = arith.constant 0 : i32
      %dma_start3A_471 = arith.constant 0 : i32
      %dma_start3A_472 = tpu.memref_slice %arg11[%dma_start3A_470, %dma_start3A_471] : memref<32x128xf32, #tpu.memory_space<vmem>> -> memref<32x128xf32, #tpu.memory_space<vmem>>
      %dma_start3A_473 = arith.constant 0 : i32
      %dma_start3A_474 = tpu.memref_slice %arg14[%add3A_291, %dma_start3A_473] : memref<10240x128xf32, #tpu.memory_space<vmem_shared>> -> memref<32x128xf32, #tpu.memory_space<vmem_shared>>
      tpu.enqueue_dma source(%dma_start3A_474 : memref<32x128xf32, #tpu.memory_space<vmem_shared>>) target(%dma_start3A_472 : memref<32x128xf32, #tpu.memory_space<vmem>>) target_semaphore(%run_scoped3A_464 : memref<!tpu.dma_semaphore, #tpu.memory_space<semaphore_mem>>)
      %dma_wait3A = arith.constant 0 : i32
      %dma_wait3A_475 = arith.constant 0 : i32
      %dma_wait3A_476 = tpu.memref_slice %arg11[%dma_wait3A, %dma_wait3A_475] : memref<32x128xf32, #tpu.memory_space<vmem>> -> memref<32x128xf32, #tpu.memory_space<vmem>>
      %dma_wait3A_477 = arith.constant 0 : i32
      %dma_wait3A_478 = tpu.memref_slice %arg14[%add3A_291, %dma_wait3A_477] : memref<10240x128xf32, #tpu.memory_space<vmem_shared>> -> memref<32x128xf32, #tpu.memory_space<vmem_shared>>
      %dma_wait3A_479 = arith.constant 0 : i32
      %dma_wait3A_480 = arith.constant 0 : i32
      %dma_wait3A_481 = tpu.memref_slice %arg11[%dma_wait3A_479, %dma_wait3A_480] : memref<32x128xf32, #tpu.memory_space<vmem>> -> memref<32x128xf32, #tpu.memory_space<vmem>>
      %dma_wait3A_482 = arith.constant 0 : i32
      %dma_wait3A_483 = tpu.memref_slice %arg14[%add3A_291, %dma_wait3A_482] : memref<10240x128xf32, #tpu.memory_space<vmem_shared>> -> memref<32x128xf32, #tpu.memory_space<vmem_shared>>
      tpu.wait_dma2 semaphore(%run_scoped3A_464 : memref<!tpu.dma_semaphore, #tpu.memory_space<semaphore_mem>>) src(%dma_wait3A_483 : memref<32x128xf32, #tpu.memory_space<vmem_shared>>) dst(%dma_wait3A_481 : memref<32x128xf32, #tpu.memory_space<vmem>>)
      tpu.yield
    }) : () -> ()
    %mul3A_292 = arith.constant 10240 : i32
    %mul3A_293 = arith.muli %arg0, %mul3A_292 : i32
    %mul3A_294 = arith.constant 640 : i32
    %mul3A_295 = arith.muli %arg1, %mul3A_294 : i32
    %add3A_296 = arith.addi %mul3A_293, %mul3A_295 : i32
    %add3A_297 = arith.constant 128 : i32
    %add3A_298 = arith.addi %add3A_296, %add3A_297 : i32
    "tpu.region"() ({
      %run_scoped3A_464 = tpu.sem_alloc : memref<!tpu.dma_semaphore, #tpu.memory_space<semaphore_mem>>
      %dma_start3A_465 = arith.constant 0 : i32
      %dma_start3A_466 = arith.constant 0 : i32
      %dma_start3A_467 = tpu.memref_slice %arg11[%dma_start3A_465, %dma_start3A_466] : memref<32x128xf32, #tpu.memory_space<vmem>> -> memref<32x128xf32, #tpu.memory_space<vmem>>
      %dma_start3A_468 = arith.constant 0 : i32
      %dma_start3A_469 = tpu.memref_slice %arg4[%add3A_298, %dma_start3A_468] : memref<20480x128xf32, #tpu.memory_space<hbm>> -> memref<32x128xf32, #tpu.memory_space<hbm>>
      %dma_start3A_470 = arith.constant 0 : i32
      %dma_start3A_471 = tpu.memref_slice %arg4[%add3A_298, %dma_start3A_470] : memref<20480x128xf32, #tpu.memory_space<hbm>> -> memref<32x128xf32, #tpu.memory_space<hbm>>
      %dma_start3A_472 = arith.constant 0 : i32
      %dma_start3A_473 = arith.constant 0 : i32
      %dma_start3A_474 = tpu.memref_slice %arg11[%dma_start3A_472, %dma_start3A_473] : memref<32x128xf32, #tpu.memory_space<vmem>> -> memref<32x128xf32, #tpu.memory_space<vmem>>
      tpu.enqueue_dma source(%dma_start3A_474 : memref<32x128xf32, #tpu.memory_space<vmem>>) target(%dma_start3A_471 : memref<32x128xf32, #tpu.memory_space<hbm>>) target_semaphore(%run_scoped3A_464 : memref<!tpu.dma_semaphore, #tpu.memory_space<semaphore_mem>>)
      %dma_wait3A = arith.constant 0 : i32
      %dma_wait3A_475 = arith.constant 0 : i32
      %dma_wait3A_476 = tpu.memref_slice %arg11[%dma_wait3A, %dma_wait3A_475] : memref<32x128xf32, #tpu.memory_space<vmem>> -> memref<32x128xf32, #tpu.memory_space<vmem>>
      %dma_wait3A_477 = arith.constant 0 : i32
      %dma_wait3A_478 = tpu.memref_slice %arg4[%add3A_298, %dma_wait3A_477] : memref<20480x128xf32, #tpu.memory_space<hbm>> -> memref<32x128xf32, #tpu.memory_space<hbm>>
      %dma_wait3A_479 = arith.constant 0 : i32
      %dma_wait3A_480 = tpu.memref_slice %arg4[%add3A_298, %dma_wait3A_479] : memref<20480x128xf32, #tpu.memory_space<hbm>> -> memref<32x128xf32, #tpu.memory_space<hbm>>
      %dma_wait3A_481 = arith.constant 0 : i32
      %dma_wait3A_482 = arith.constant 0 : i32
      %dma_wait3A_483 = tpu.memref_slice %arg11[%dma_wait3A_481, %dma_wait3A_482] : memref<32x128xf32, #tpu.memory_space<vmem>> -> memref<32x128xf32, #tpu.memory_space<vmem>>
      tpu.wait_dma2 semaphore(%run_scoped3A_464 : memref<!tpu.dma_semaphore, #tpu.memory_space<semaphore_mem>>) src(%dma_wait3A_483 : memref<32x128xf32, #tpu.memory_space<vmem>>) dst(%dma_wait3A_480 : memref<32x128xf32, #tpu.memory_space<hbm>>)
      tpu.yield
    }) : () -> ()
    %mul3A_299 = arith.constant 640 : i32
    %mul3A_300 = arith.muli %arg1, %mul3A_299 : i32
    %add3A_301 = arith.constant 160 : i32
    %add3A_302 = arith.addi %mul3A_300, %add3A_301 : i32
    "tpu.region"() ({
      %run_scoped3A_464 = tpu.sem_alloc : memref<!tpu.dma_semaphore, #tpu.memory_space<semaphore_mem>>
      %dma_start3A_465 = arith.constant 0 : i32
      %dma_start3A_466 = arith.constant 0 : i32
      %dma_start3A_467 = tpu.memref_slice %arg11[%dma_start3A_465, %dma_start3A_466] : memref<32x128xf32, #tpu.memory_space<vmem>> -> memref<32x128xf32, #tpu.memory_space<vmem>>
      %dma_start3A_468 = arith.constant 0 : i32
      %dma_start3A_469 = tpu.memref_slice %arg14[%add3A_302, %dma_start3A_468] : memref<10240x128xf32, #tpu.memory_space<vmem_shared>> -> memref<32x128xf32, #tpu.memory_space<vmem_shared>>
      %dma_start3A_470 = arith.constant 0 : i32
      %dma_start3A_471 = arith.constant 0 : i32
      %dma_start3A_472 = tpu.memref_slice %arg11[%dma_start3A_470, %dma_start3A_471] : memref<32x128xf32, #tpu.memory_space<vmem>> -> memref<32x128xf32, #tpu.memory_space<vmem>>
      %dma_start3A_473 = arith.constant 0 : i32
      %dma_start3A_474 = tpu.memref_slice %arg14[%add3A_302, %dma_start3A_473] : memref<10240x128xf32, #tpu.memory_space<vmem_shared>> -> memref<32x128xf32, #tpu.memory_space<vmem_shared>>
      tpu.enqueue_dma source(%dma_start3A_474 : memref<32x128xf32, #tpu.memory_space<vmem_shared>>) target(%dma_start3A_472 : memref<32x128xf32, #tpu.memory_space<vmem>>) target_semaphore(%run_scoped3A_464 : memref<!tpu.dma_semaphore, #tpu.memory_space<semaphore_mem>>)
      %dma_wait3A = arith.constant 0 : i32
      %dma_wait3A_475 = arith.constant 0 : i32
      %dma_wait3A_476 = tpu.memref_slice %arg11[%dma_wait3A, %dma_wait3A_475] : memref<32x128xf32, #tpu.memory_space<vmem>> -> memref<32x128xf32, #tpu.memory_space<vmem>>
      %dma_wait3A_477 = arith.constant 0 : i32
      %dma_wait3A_478 = tpu.memref_slice %arg14[%add3A_302, %dma_wait3A_477] : memref<10240x128xf32, #tpu.memory_space<vmem_shared>> -> memref<32x128xf32, #tpu.memory_space<vmem_shared>>
      %dma_wait3A_479 = arith.constant 0 : i32
      %dma_wait3A_480 = arith.constant 0 : i32
      %dma_wait3A_481 = tpu.memref_slice %arg11[%dma_wait3A_479, %dma_wait3A_480] : memref<32x128xf32, #tpu.memory_space<vmem>> -> memref<32x128xf32, #tpu.memory_space<vmem>>
      %dma_wait3A_482 = arith.constant 0 : i32
      %dma_wait3A_483 = tpu.memref_slice %arg14[%add3A_302, %dma_wait3A_482] : memref<10240x128xf32, #tpu.memory_space<vmem_shared>> -> memref<32x128xf32, #tpu.memory_space<vmem_shared>>
      tpu.wait_dma2 semaphore(%run_scoped3A_464 : memref<!tpu.dma_semaphore, #tpu.memory_space<semaphore_mem>>) src(%dma_wait3A_483 : memref<32x128xf32, #tpu.memory_space<vmem_shared>>) dst(%dma_wait3A_481 : memref<32x128xf32, #tpu.memory_space<vmem>>)
      tpu.yield
    }) : () -> ()
    %mul3A_303 = arith.constant 10240 : i32
    %mul3A_304 = arith.muli %arg0, %mul3A_303 : i32
    %mul3A_305 = arith.constant 640 : i32
    %mul3A_306 = arith.muli %arg1, %mul3A_305 : i32
    %add3A_307 = arith.addi %mul3A_304, %mul3A_306 : i32
    %add3A_308 = arith.constant 160 : i32
    %add3A_309 = arith.addi %add3A_307, %add3A_308 : i32
    "tpu.region"() ({
      %run_scoped3A_464 = tpu.sem_alloc : memref<!tpu.dma_semaphore, #tpu.memory_space<semaphore_mem>>
      %dma_start3A_465 = arith.constant 0 : i32
      %dma_start3A_466 = arith.constant 0 : i32
      %dma_start3A_467 = tpu.memref_slice %arg11[%dma_start3A_465, %dma_start3A_466] : memref<32x128xf32, #tpu.memory_space<vmem>> -> memref<32x128xf32, #tpu.memory_space<vmem>>
      %dma_start3A_468 = arith.constant 0 : i32
      %dma_start3A_469 = tpu.memref_slice %arg4[%add3A_309, %dma_start3A_468] : memref<20480x128xf32, #tpu.memory_space<hbm>> -> memref<32x128xf32, #tpu.memory_space<hbm>>
      %dma_start3A_470 = arith.constant 0 : i32
      %dma_start3A_471 = tpu.memref_slice %arg4[%add3A_309, %dma_start3A_470] : memref<20480x128xf32, #tpu.memory_space<hbm>> -> memref<32x128xf32, #tpu.memory_space<hbm>>
      %dma_start3A_472 = arith.constant 0 : i32
      %dma_start3A_473 = arith.constant 0 : i32
      %dma_start3A_474 = tpu.memref_slice %arg11[%dma_start3A_472, %dma_start3A_473] : memref<32x128xf32, #tpu.memory_space<vmem>> -> memref<32x128xf32, #tpu.memory_space<vmem>>
      tpu.enqueue_dma source(%dma_start3A_474 : memref<32x128xf32, #tpu.memory_space<vmem>>) target(%dma_start3A_471 : memref<32x128xf32, #tpu.memory_space<hbm>>) target_semaphore(%run_scoped3A_464 : memref<!tpu.dma_semaphore, #tpu.memory_space<semaphore_mem>>)
      %dma_wait3A = arith.constant 0 : i32
      %dma_wait3A_475 = arith.constant 0 : i32
      %dma_wait3A_476 = tpu.memref_slice %arg11[%dma_wait3A, %dma_wait3A_475] : memref<32x128xf32, #tpu.memory_space<vmem>> -> memref<32x128xf32, #tpu.memory_space<vmem>>
      %dma_wait3A_477 = arith.constant 0 : i32
      %dma_wait3A_478 = tpu.memref_slice %arg4[%add3A_309, %dma_wait3A_477] : memref<20480x128xf32, #tpu.memory_space<hbm>> -> memref<32x128xf32, #tpu.memory_space<hbm>>
      %dma_wait3A_479 = arith.constant 0 : i32
      %dma_wait3A_480 = tpu.memref_slice %arg4[%add3A_309, %dma_wait3A_479] : memref<20480x128xf32, #tpu.memory_space<hbm>> -> memref<32x128xf32, #tpu.memory_space<hbm>>
      %dma_wait3A_481 = arith.constant 0 : i32
      %dma_wait3A_482 = arith.constant 0 : i32
      %dma_wait3A_483 = tpu.memref_slice %arg11[%dma_wait3A_481, %dma_wait3A_482] : memref<32x128xf32, #tpu.memory_space<vmem>> -> memref<32x128xf32, #tpu.memory_space<vmem>>
      tpu.wait_dma2 semaphore(%run_scoped3A_464 : memref<!tpu.dma_semaphore, #tpu.memory_space<semaphore_mem>>) src(%dma_wait3A_483 : memref<32x128xf32, #tpu.memory_space<vmem>>) dst(%dma_wait3A_480 : memref<32x128xf32, #tpu.memory_space<hbm>>)
      tpu.yield
    }) : () -> ()
    %mul3A_310 = arith.constant 640 : i32
    %mul3A_311 = arith.muli %arg1, %mul3A_310 : i32
    %add3A_312 = arith.constant 192 : i32
    %add3A_313 = arith.addi %mul3A_311, %add3A_312 : i32
    "tpu.region"() ({
      %run_scoped3A_464 = tpu.sem_alloc : memref<!tpu.dma_semaphore, #tpu.memory_space<semaphore_mem>>
      %dma_start3A_465 = arith.constant 0 : i32
      %dma_start3A_466 = arith.constant 0 : i32
      %dma_start3A_467 = tpu.memref_slice %arg11[%dma_start3A_465, %dma_start3A_466] : memref<32x128xf32, #tpu.memory_space<vmem>> -> memref<32x128xf32, #tpu.memory_space<vmem>>
      %dma_start3A_468 = arith.constant 0 : i32
      %dma_start3A_469 = tpu.memref_slice %arg14[%add3A_313, %dma_start3A_468] : memref<10240x128xf32, #tpu.memory_space<vmem_shared>> -> memref<32x128xf32, #tpu.memory_space<vmem_shared>>
      %dma_start3A_470 = arith.constant 0 : i32
      %dma_start3A_471 = arith.constant 0 : i32
      %dma_start3A_472 = tpu.memref_slice %arg11[%dma_start3A_470, %dma_start3A_471] : memref<32x128xf32, #tpu.memory_space<vmem>> -> memref<32x128xf32, #tpu.memory_space<vmem>>
      %dma_start3A_473 = arith.constant 0 : i32
      %dma_start3A_474 = tpu.memref_slice %arg14[%add3A_313, %dma_start3A_473] : memref<10240x128xf32, #tpu.memory_space<vmem_shared>> -> memref<32x128xf32, #tpu.memory_space<vmem_shared>>
      tpu.enqueue_dma source(%dma_start3A_474 : memref<32x128xf32, #tpu.memory_space<vmem_shared>>) target(%dma_start3A_472 : memref<32x128xf32, #tpu.memory_space<vmem>>) target_semaphore(%run_scoped3A_464 : memref<!tpu.dma_semaphore, #tpu.memory_space<semaphore_mem>>)
      %dma_wait3A = arith.constant 0 : i32
      %dma_wait3A_475 = arith.constant 0 : i32
      %dma_wait3A_476 = tpu.memref_slice %arg11[%dma_wait3A, %dma_wait3A_475] : memref<32x128xf32, #tpu.memory_space<vmem>> -> memref<32x128xf32, #tpu.memory_space<vmem>>
      %dma_wait3A_477 = arith.constant 0 : i32
      %dma_wait3A_478 = tpu.memref_slice %arg14[%add3A_313, %dma_wait3A_477] : memref<10240x128xf32, #tpu.memory_space<vmem_shared>> -> memref<32x128xf32, #tpu.memory_space<vmem_shared>>
      %dma_wait3A_479 = arith.constant 0 : i32
      %dma_wait3A_480 = arith.constant 0 : i32
      %dma_wait3A_481 = tpu.memref_slice %arg11[%dma_wait3A_479, %dma_wait3A_480] : memref<32x128xf32, #tpu.memory_space<vmem>> -> memref<32x128xf32, #tpu.memory_space<vmem>>
      %dma_wait3A_482 = arith.constant 0 : i32
      %dma_wait3A_483 = tpu.memref_slice %arg14[%add3A_313, %dma_wait3A_482] : memref<10240x128xf32, #tpu.memory_space<vmem_shared>> -> memref<32x128xf32, #tpu.memory_space<vmem_shared>>
      tpu.wait_dma2 semaphore(%run_scoped3A_464 : memref<!tpu.dma_semaphore, #tpu.memory_space<semaphore_mem>>) src(%dma_wait3A_483 : memref<32x128xf32, #tpu.memory_space<vmem_shared>>) dst(%dma_wait3A_481 : memref<32x128xf32, #tpu.memory_space<vmem>>)
      tpu.yield
    }) : () -> ()
    %mul3A_314 = arith.constant 10240 : i32
    %mul3A_315 = arith.muli %arg0, %mul3A_314 : i32
    %mul3A_316 = arith.constant 640 : i32
    %mul3A_317 = arith.muli %arg1, %mul3A_316 : i32
    %add3A_318 = arith.addi %mul3A_315, %mul3A_317 : i32
    %add3A_319 = arith.constant 192 : i32
    %add3A_320 = arith.addi %add3A_318, %add3A_319 : i32
    "tpu.region"() ({
      %run_scoped3A_464 = tpu.sem_alloc : memref<!tpu.dma_semaphore, #tpu.memory_space<semaphore_mem>>
      %dma_start3A_465 = arith.constant 0 : i32
      %dma_start3A_466 = arith.constant 0 : i32
      %dma_start3A_467 = tpu.memref_slice %arg11[%dma_start3A_465, %dma_start3A_466] : memref<32x128xf32, #tpu.memory_space<vmem>> -> memref<32x128xf32, #tpu.memory_space<vmem>>
      %dma_start3A_468 = arith.constant 0 : i32
      %dma_start3A_469 = tpu.memref_slice %arg4[%add3A_320, %dma_start3A_468] : memref<20480x128xf32, #tpu.memory_space<hbm>> -> memref<32x128xf32, #tpu.memory_space<hbm>>
      %dma_start3A_470 = arith.constant 0 : i32
      %dma_start3A_471 = tpu.memref_slice %arg4[%add3A_320, %dma_start3A_470] : memref<20480x128xf32, #tpu.memory_space<hbm>> -> memref<32x128xf32, #tpu.memory_space<hbm>>
      %dma_start3A_472 = arith.constant 0 : i32
      %dma_start3A_473 = arith.constant 0 : i32
      %dma_start3A_474 = tpu.memref_slice %arg11[%dma_start3A_472, %dma_start3A_473] : memref<32x128xf32, #tpu.memory_space<vmem>> -> memref<32x128xf32, #tpu.memory_space<vmem>>
      tpu.enqueue_dma source(%dma_start3A_474 : memref<32x128xf32, #tpu.memory_space<vmem>>) target(%dma_start3A_471 : memref<32x128xf32, #tpu.memory_space<hbm>>) target_semaphore(%run_scoped3A_464 : memref<!tpu.dma_semaphore, #tpu.memory_space<semaphore_mem>>)
      %dma_wait3A = arith.constant 0 : i32
      %dma_wait3A_475 = arith.constant 0 : i32
      %dma_wait3A_476 = tpu.memref_slice %arg11[%dma_wait3A, %dma_wait3A_475] : memref<32x128xf32, #tpu.memory_space<vmem>> -> memref<32x128xf32, #tpu.memory_space<vmem>>
      %dma_wait3A_477 = arith.constant 0 : i32
      %dma_wait3A_478 = tpu.memref_slice %arg4[%add3A_320, %dma_wait3A_477] : memref<20480x128xf32, #tpu.memory_space<hbm>> -> memref<32x128xf32, #tpu.memory_space<hbm>>
      %dma_wait3A_479 = arith.constant 0 : i32
      %dma_wait3A_480 = tpu.memref_slice %arg4[%add3A_320, %dma_wait3A_479] : memref<20480x128xf32, #tpu.memory_space<hbm>> -> memref<32x128xf32, #tpu.memory_space<hbm>>
      %dma_wait3A_481 = arith.constant 0 : i32
      %dma_wait3A_482 = arith.constant 0 : i32
      %dma_wait3A_483 = tpu.memref_slice %arg11[%dma_wait3A_481, %dma_wait3A_482] : memref<32x128xf32, #tpu.memory_space<vmem>> -> memref<32x128xf32, #tpu.memory_space<vmem>>
      tpu.wait_dma2 semaphore(%run_scoped3A_464 : memref<!tpu.dma_semaphore, #tpu.memory_space<semaphore_mem>>) src(%dma_wait3A_483 : memref<32x128xf32, #tpu.memory_space<vmem>>) dst(%dma_wait3A_480 : memref<32x128xf32, #tpu.memory_space<hbm>>)
      tpu.yield
    }) : () -> ()
    %mul3A_321 = arith.constant 640 : i32
    %mul3A_322 = arith.muli %arg1, %mul3A_321 : i32
    %add3A_323 = arith.constant 224 : i32
    %add3A_324 = arith.addi %mul3A_322, %add3A_323 : i32
    "tpu.region"() ({
      %run_scoped3A_464 = tpu.sem_alloc : memref<!tpu.dma_semaphore, #tpu.memory_space<semaphore_mem>>
      %dma_start3A_465 = arith.constant 0 : i32
      %dma_start3A_466 = arith.constant 0 : i32
      %dma_start3A_467 = tpu.memref_slice %arg11[%dma_start3A_465, %dma_start3A_466] : memref<32x128xf32, #tpu.memory_space<vmem>> -> memref<32x128xf32, #tpu.memory_space<vmem>>
      %dma_start3A_468 = arith.constant 0 : i32
      %dma_start3A_469 = tpu.memref_slice %arg14[%add3A_324, %dma_start3A_468] : memref<10240x128xf32, #tpu.memory_space<vmem_shared>> -> memref<32x128xf32, #tpu.memory_space<vmem_shared>>
      %dma_start3A_470 = arith.constant 0 : i32
      %dma_start3A_471 = arith.constant 0 : i32
      %dma_start3A_472 = tpu.memref_slice %arg11[%dma_start3A_470, %dma_start3A_471] : memref<32x128xf32, #tpu.memory_space<vmem>> -> memref<32x128xf32, #tpu.memory_space<vmem>>
      %dma_start3A_473 = arith.constant 0 : i32
      %dma_start3A_474 = tpu.memref_slice %arg14[%add3A_324, %dma_start3A_473] : memref<10240x128xf32, #tpu.memory_space<vmem_shared>> -> memref<32x128xf32, #tpu.memory_space<vmem_shared>>
      tpu.enqueue_dma source(%dma_start3A_474 : memref<32x128xf32, #tpu.memory_space<vmem_shared>>) target(%dma_start3A_472 : memref<32x128xf32, #tpu.memory_space<vmem>>) target_semaphore(%run_scoped3A_464 : memref<!tpu.dma_semaphore, #tpu.memory_space<semaphore_mem>>)
      %dma_wait3A = arith.constant 0 : i32
      %dma_wait3A_475 = arith.constant 0 : i32
      %dma_wait3A_476 = tpu.memref_slice %arg11[%dma_wait3A, %dma_wait3A_475] : memref<32x128xf32, #tpu.memory_space<vmem>> -> memref<32x128xf32, #tpu.memory_space<vmem>>
      %dma_wait3A_477 = arith.constant 0 : i32
      %dma_wait3A_478 = tpu.memref_slice %arg14[%add3A_324, %dma_wait3A_477] : memref<10240x128xf32, #tpu.memory_space<vmem_shared>> -> memref<32x128xf32, #tpu.memory_space<vmem_shared>>
      %dma_wait3A_479 = arith.constant 0 : i32
      %dma_wait3A_480 = arith.constant 0 : i32
      %dma_wait3A_481 = tpu.memref_slice %arg11[%dma_wait3A_479, %dma_wait3A_480] : memref<32x128xf32, #tpu.memory_space<vmem>> -> memref<32x128xf32, #tpu.memory_space<vmem>>
      %dma_wait3A_482 = arith.constant 0 : i32
      %dma_wait3A_483 = tpu.memref_slice %arg14[%add3A_324, %dma_wait3A_482] : memref<10240x128xf32, #tpu.memory_space<vmem_shared>> -> memref<32x128xf32, #tpu.memory_space<vmem_shared>>
      tpu.wait_dma2 semaphore(%run_scoped3A_464 : memref<!tpu.dma_semaphore, #tpu.memory_space<semaphore_mem>>) src(%dma_wait3A_483 : memref<32x128xf32, #tpu.memory_space<vmem_shared>>) dst(%dma_wait3A_481 : memref<32x128xf32, #tpu.memory_space<vmem>>)
      tpu.yield
    }) : () -> ()
    %mul3A_325 = arith.constant 10240 : i32
    %mul3A_326 = arith.muli %arg0, %mul3A_325 : i32
    %mul3A_327 = arith.constant 640 : i32
    %mul3A_328 = arith.muli %arg1, %mul3A_327 : i32
    %add3A_329 = arith.addi %mul3A_326, %mul3A_328 : i32
    %add3A_330 = arith.constant 224 : i32
    %add3A_331 = arith.addi %add3A_329, %add3A_330 : i32
    "tpu.region"() ({
      %run_scoped3A_464 = tpu.sem_alloc : memref<!tpu.dma_semaphore, #tpu.memory_space<semaphore_mem>>
      %dma_start3A_465 = arith.constant 0 : i32
      %dma_start3A_466 = arith.constant 0 : i32
      %dma_start3A_467 = tpu.memref_slice %arg11[%dma_start3A_465, %dma_start3A_466] : memref<32x128xf32, #tpu.memory_space<vmem>> -> memref<32x128xf32, #tpu.memory_space<vmem>>
      %dma_start3A_468 = arith.constant 0 : i32
      %dma_start3A_469 = tpu.memref_slice %arg4[%add3A_331, %dma_start3A_468] : memref<20480x128xf32, #tpu.memory_space<hbm>> -> memref<32x128xf32, #tpu.memory_space<hbm>>
      %dma_start3A_470 = arith.constant 0 : i32
      %dma_start3A_471 = tpu.memref_slice %arg4[%add3A_331, %dma_start3A_470] : memref<20480x128xf32, #tpu.memory_space<hbm>> -> memref<32x128xf32, #tpu.memory_space<hbm>>
      %dma_start3A_472 = arith.constant 0 : i32
      %dma_start3A_473 = arith.constant 0 : i32
      %dma_start3A_474 = tpu.memref_slice %arg11[%dma_start3A_472, %dma_start3A_473] : memref<32x128xf32, #tpu.memory_space<vmem>> -> memref<32x128xf32, #tpu.memory_space<vmem>>
      tpu.enqueue_dma source(%dma_start3A_474 : memref<32x128xf32, #tpu.memory_space<vmem>>) target(%dma_start3A_471 : memref<32x128xf32, #tpu.memory_space<hbm>>) target_semaphore(%run_scoped3A_464 : memref<!tpu.dma_semaphore, #tpu.memory_space<semaphore_mem>>)
      %dma_wait3A = arith.constant 0 : i32
      %dma_wait3A_475 = arith.constant 0 : i32
      %dma_wait3A_476 = tpu.memref_slice %arg11[%dma_wait3A, %dma_wait3A_475] : memref<32x128xf32, #tpu.memory_space<vmem>> -> memref<32x128xf32, #tpu.memory_space<vmem>>
      %dma_wait3A_477 = arith.constant 0 : i32
      %dma_wait3A_478 = tpu.memref_slice %arg4[%add3A_331, %dma_wait3A_477] : memref<20480x128xf32, #tpu.memory_space<hbm>> -> memref<32x128xf32, #tpu.memory_space<hbm>>
      %dma_wait3A_479 = arith.constant 0 : i32
      %dma_wait3A_480 = tpu.memref_slice %arg4[%add3A_331, %dma_wait3A_479] : memref<20480x128xf32, #tpu.memory_space<hbm>> -> memref<32x128xf32, #tpu.memory_space<hbm>>
      %dma_wait3A_481 = arith.constant 0 : i32
      %dma_wait3A_482 = arith.constant 0 : i32
      %dma_wait3A_483 = tpu.memref_slice %arg11[%dma_wait3A_481, %dma_wait3A_482] : memref<32x128xf32, #tpu.memory_space<vmem>> -> memref<32x128xf32, #tpu.memory_space<vmem>>
      tpu.wait_dma2 semaphore(%run_scoped3A_464 : memref<!tpu.dma_semaphore, #tpu.memory_space<semaphore_mem>>) src(%dma_wait3A_483 : memref<32x128xf32, #tpu.memory_space<vmem>>) dst(%dma_wait3A_480 : memref<32x128xf32, #tpu.memory_space<hbm>>)
      tpu.yield
    }) : () -> ()
    %mul3A_332 = arith.constant 640 : i32
    %mul3A_333 = arith.muli %arg1, %mul3A_332 : i32
    %add3A_334 = arith.constant 256 : i32
    %add3A_335 = arith.addi %mul3A_333, %add3A_334 : i32
    "tpu.region"() ({
      %run_scoped3A_464 = tpu.sem_alloc : memref<!tpu.dma_semaphore, #tpu.memory_space<semaphore_mem>>
      %dma_start3A_465 = arith.constant 0 : i32
      %dma_start3A_466 = arith.constant 0 : i32
      %dma_start3A_467 = tpu.memref_slice %arg11[%dma_start3A_465, %dma_start3A_466] : memref<32x128xf32, #tpu.memory_space<vmem>> -> memref<32x128xf32, #tpu.memory_space<vmem>>
      %dma_start3A_468 = arith.constant 0 : i32
      %dma_start3A_469 = tpu.memref_slice %arg14[%add3A_335, %dma_start3A_468] : memref<10240x128xf32, #tpu.memory_space<vmem_shared>> -> memref<32x128xf32, #tpu.memory_space<vmem_shared>>
      %dma_start3A_470 = arith.constant 0 : i32
      %dma_start3A_471 = arith.constant 0 : i32
      %dma_start3A_472 = tpu.memref_slice %arg11[%dma_start3A_470, %dma_start3A_471] : memref<32x128xf32, #tpu.memory_space<vmem>> -> memref<32x128xf32, #tpu.memory_space<vmem>>
      %dma_start3A_473 = arith.constant 0 : i32
      %dma_start3A_474 = tpu.memref_slice %arg14[%add3A_335, %dma_start3A_473] : memref<10240x128xf32, #tpu.memory_space<vmem_shared>> -> memref<32x128xf32, #tpu.memory_space<vmem_shared>>
      tpu.enqueue_dma source(%dma_start3A_474 : memref<32x128xf32, #tpu.memory_space<vmem_shared>>) target(%dma_start3A_472 : memref<32x128xf32, #tpu.memory_space<vmem>>) target_semaphore(%run_scoped3A_464 : memref<!tpu.dma_semaphore, #tpu.memory_space<semaphore_mem>>)
      %dma_wait3A = arith.constant 0 : i32
      %dma_wait3A_475 = arith.constant 0 : i32
      %dma_wait3A_476 = tpu.memref_slice %arg11[%dma_wait3A, %dma_wait3A_475] : memref<32x128xf32, #tpu.memory_space<vmem>> -> memref<32x128xf32, #tpu.memory_space<vmem>>
      %dma_wait3A_477 = arith.constant 0 : i32
      %dma_wait3A_478 = tpu.memref_slice %arg14[%add3A_335, %dma_wait3A_477] : memref<10240x128xf32, #tpu.memory_space<vmem_shared>> -> memref<32x128xf32, #tpu.memory_space<vmem_shared>>
      %dma_wait3A_479 = arith.constant 0 : i32
      %dma_wait3A_480 = arith.constant 0 : i32
      %dma_wait3A_481 = tpu.memref_slice %arg11[%dma_wait3A_479, %dma_wait3A_480] : memref<32x128xf32, #tpu.memory_space<vmem>> -> memref<32x128xf32, #tpu.memory_space<vmem>>
      %dma_wait3A_482 = arith.constant 0 : i32
      %dma_wait3A_483 = tpu.memref_slice %arg14[%add3A_335, %dma_wait3A_482] : memref<10240x128xf32, #tpu.memory_space<vmem_shared>> -> memref<32x128xf32, #tpu.memory_space<vmem_shared>>
      tpu.wait_dma2 semaphore(%run_scoped3A_464 : memref<!tpu.dma_semaphore, #tpu.memory_space<semaphore_mem>>) src(%dma_wait3A_483 : memref<32x128xf32, #tpu.memory_space<vmem_shared>>) dst(%dma_wait3A_481 : memref<32x128xf32, #tpu.memory_space<vmem>>)
      tpu.yield
    }) : () -> ()
    %mul3A_336 = arith.constant 10240 : i32
    %mul3A_337 = arith.muli %arg0, %mul3A_336 : i32
    %mul3A_338 = arith.constant 640 : i32
    %mul3A_339 = arith.muli %arg1, %mul3A_338 : i32
    %add3A_340 = arith.addi %mul3A_337, %mul3A_339 : i32
    %add3A_341 = arith.constant 256 : i32
    %add3A_342 = arith.addi %add3A_340, %add3A_341 : i32
    "tpu.region"() ({
      %run_scoped3A_464 = tpu.sem_alloc : memref<!tpu.dma_semaphore, #tpu.memory_space<semaphore_mem>>
      %dma_start3A_465 = arith.constant 0 : i32
      %dma_start3A_466 = arith.constant 0 : i32
      %dma_start3A_467 = tpu.memref_slice %arg11[%dma_start3A_465, %dma_start3A_466] : memref<32x128xf32, #tpu.memory_space<vmem>> -> memref<32x128xf32, #tpu.memory_space<vmem>>
      %dma_start3A_468 = arith.constant 0 : i32
      %dma_start3A_469 = tpu.memref_slice %arg4[%add3A_342, %dma_start3A_468] : memref<20480x128xf32, #tpu.memory_space<hbm>> -> memref<32x128xf32, #tpu.memory_space<hbm>>
      %dma_start3A_470 = arith.constant 0 : i32
      %dma_start3A_471 = tpu.memref_slice %arg4[%add3A_342, %dma_start3A_470] : memref<20480x128xf32, #tpu.memory_space<hbm>> -> memref<32x128xf32, #tpu.memory_space<hbm>>
      %dma_start3A_472 = arith.constant 0 : i32
      %dma_start3A_473 = arith.constant 0 : i32
      %dma_start3A_474 = tpu.memref_slice %arg11[%dma_start3A_472, %dma_start3A_473] : memref<32x128xf32, #tpu.memory_space<vmem>> -> memref<32x128xf32, #tpu.memory_space<vmem>>
      tpu.enqueue_dma source(%dma_start3A_474 : memref<32x128xf32, #tpu.memory_space<vmem>>) target(%dma_start3A_471 : memref<32x128xf32, #tpu.memory_space<hbm>>) target_semaphore(%run_scoped3A_464 : memref<!tpu.dma_semaphore, #tpu.memory_space<semaphore_mem>>)
      %dma_wait3A = arith.constant 0 : i32
      %dma_wait3A_475 = arith.constant 0 : i32
      %dma_wait3A_476 = tpu.memref_slice %arg11[%dma_wait3A, %dma_wait3A_475] : memref<32x128xf32, #tpu.memory_space<vmem>> -> memref<32x128xf32, #tpu.memory_space<vmem>>
      %dma_wait3A_477 = arith.constant 0 : i32
      %dma_wait3A_478 = tpu.memref_slice %arg4[%add3A_342, %dma_wait3A_477] : memref<20480x128xf32, #tpu.memory_space<hbm>> -> memref<32x128xf32, #tpu.memory_space<hbm>>
      %dma_wait3A_479 = arith.constant 0 : i32
      %dma_wait3A_480 = tpu.memref_slice %arg4[%add3A_342, %dma_wait3A_479] : memref<20480x128xf32, #tpu.memory_space<hbm>> -> memref<32x128xf32, #tpu.memory_space<hbm>>
      %dma_wait3A_481 = arith.constant 0 : i32
      %dma_wait3A_482 = arith.constant 0 : i32
      %dma_wait3A_483 = tpu.memref_slice %arg11[%dma_wait3A_481, %dma_wait3A_482] : memref<32x128xf32, #tpu.memory_space<vmem>> -> memref<32x128xf32, #tpu.memory_space<vmem>>
      tpu.wait_dma2 semaphore(%run_scoped3A_464 : memref<!tpu.dma_semaphore, #tpu.memory_space<semaphore_mem>>) src(%dma_wait3A_483 : memref<32x128xf32, #tpu.memory_space<vmem>>) dst(%dma_wait3A_480 : memref<32x128xf32, #tpu.memory_space<hbm>>)
      tpu.yield
    }) : () -> ()
    %mul3A_343 = arith.constant 640 : i32
    %mul3A_344 = arith.muli %arg1, %mul3A_343 : i32
    %add3A_345 = arith.constant 288 : i32
    %add3A_346 = arith.addi %mul3A_344, %add3A_345 : i32
    "tpu.region"() ({
      %run_scoped3A_464 = tpu.sem_alloc : memref<!tpu.dma_semaphore, #tpu.memory_space<semaphore_mem>>
      %dma_start3A_465 = arith.constant 0 : i32
      %dma_start3A_466 = arith.constant 0 : i32
      %dma_start3A_467 = tpu.memref_slice %arg11[%dma_start3A_465, %dma_start3A_466] : memref<32x128xf32, #tpu.memory_space<vmem>> -> memref<32x128xf32, #tpu.memory_space<vmem>>
      %dma_start3A_468 = arith.constant 0 : i32
      %dma_start3A_469 = tpu.memref_slice %arg14[%add3A_346, %dma_start3A_468] : memref<10240x128xf32, #tpu.memory_space<vmem_shared>> -> memref<32x128xf32, #tpu.memory_space<vmem_shared>>
      %dma_start3A_470 = arith.constant 0 : i32
      %dma_start3A_471 = arith.constant 0 : i32
      %dma_start3A_472 = tpu.memref_slice %arg11[%dma_start3A_470, %dma_start3A_471] : memref<32x128xf32, #tpu.memory_space<vmem>> -> memref<32x128xf32, #tpu.memory_space<vmem>>
      %dma_start3A_473 = arith.constant 0 : i32
      %dma_start3A_474 = tpu.memref_slice %arg14[%add3A_346, %dma_start3A_473] : memref<10240x128xf32, #tpu.memory_space<vmem_shared>> -> memref<32x128xf32, #tpu.memory_space<vmem_shared>>
      tpu.enqueue_dma source(%dma_start3A_474 : memref<32x128xf32, #tpu.memory_space<vmem_shared>>) target(%dma_start3A_472 : memref<32x128xf32, #tpu.memory_space<vmem>>) target_semaphore(%run_scoped3A_464 : memref<!tpu.dma_semaphore, #tpu.memory_space<semaphore_mem>>)
      %dma_wait3A = arith.constant 0 : i32
      %dma_wait3A_475 = arith.constant 0 : i32
      %dma_wait3A_476 = tpu.memref_slice %arg11[%dma_wait3A, %dma_wait3A_475] : memref<32x128xf32, #tpu.memory_space<vmem>> -> memref<32x128xf32, #tpu.memory_space<vmem>>
      %dma_wait3A_477 = arith.constant 0 : i32
      %dma_wait3A_478 = tpu.memref_slice %arg14[%add3A_346, %dma_wait3A_477] : memref<10240x128xf32, #tpu.memory_space<vmem_shared>> -> memref<32x128xf32, #tpu.memory_space<vmem_shared>>
      %dma_wait3A_479 = arith.constant 0 : i32
      %dma_wait3A_480 = arith.constant 0 : i32
      %dma_wait3A_481 = tpu.memref_slice %arg11[%dma_wait3A_479, %dma_wait3A_480] : memref<32x128xf32, #tpu.memory_space<vmem>> -> memref<32x128xf32, #tpu.memory_space<vmem>>
      %dma_wait3A_482 = arith.constant 0 : i32
      %dma_wait3A_483 = tpu.memref_slice %arg14[%add3A_346, %dma_wait3A_482] : memref<10240x128xf32, #tpu.memory_space<vmem_shared>> -> memref<32x128xf32, #tpu.memory_space<vmem_shared>>
      tpu.wait_dma2 semaphore(%run_scoped3A_464 : memref<!tpu.dma_semaphore, #tpu.memory_space<semaphore_mem>>) src(%dma_wait3A_483 : memref<32x128xf32, #tpu.memory_space<vmem_shared>>) dst(%dma_wait3A_481 : memref<32x128xf32, #tpu.memory_space<vmem>>)
      tpu.yield
    }) : () -> ()
    %mul3A_347 = arith.constant 10240 : i32
    %mul3A_348 = arith.muli %arg0, %mul3A_347 : i32
    %mul3A_349 = arith.constant 640 : i32
    %mul3A_350 = arith.muli %arg1, %mul3A_349 : i32
    %add3A_351 = arith.addi %mul3A_348, %mul3A_350 : i32
    %add3A_352 = arith.constant 288 : i32
    %add3A_353 = arith.addi %add3A_351, %add3A_352 : i32
    "tpu.region"() ({
      %run_scoped3A_464 = tpu.sem_alloc : memref<!tpu.dma_semaphore, #tpu.memory_space<semaphore_mem>>
      %dma_start3A_465 = arith.constant 0 : i32
      %dma_start3A_466 = arith.constant 0 : i32
      %dma_start3A_467 = tpu.memref_slice %arg11[%dma_start3A_465, %dma_start3A_466] : memref<32x128xf32, #tpu.memory_space<vmem>> -> memref<32x128xf32, #tpu.memory_space<vmem>>
      %dma_start3A_468 = arith.constant 0 : i32
      %dma_start3A_469 = tpu.memref_slice %arg4[%add3A_353, %dma_start3A_468] : memref<20480x128xf32, #tpu.memory_space<hbm>> -> memref<32x128xf32, #tpu.memory_space<hbm>>
      %dma_start3A_470 = arith.constant 0 : i32
      %dma_start3A_471 = tpu.memref_slice %arg4[%add3A_353, %dma_start3A_470] : memref<20480x128xf32, #tpu.memory_space<hbm>> -> memref<32x128xf32, #tpu.memory_space<hbm>>
      %dma_start3A_472 = arith.constant 0 : i32
      %dma_start3A_473 = arith.constant 0 : i32
      %dma_start3A_474 = tpu.memref_slice %arg11[%dma_start3A_472, %dma_start3A_473] : memref<32x128xf32, #tpu.memory_space<vmem>> -> memref<32x128xf32, #tpu.memory_space<vmem>>
      tpu.enqueue_dma source(%dma_start3A_474 : memref<32x128xf32, #tpu.memory_space<vmem>>) target(%dma_start3A_471 : memref<32x128xf32, #tpu.memory_space<hbm>>) target_semaphore(%run_scoped3A_464 : memref<!tpu.dma_semaphore, #tpu.memory_space<semaphore_mem>>)
      %dma_wait3A = arith.constant 0 : i32
      %dma_wait3A_475 = arith.constant 0 : i32
      %dma_wait3A_476 = tpu.memref_slice %arg11[%dma_wait3A, %dma_wait3A_475] : memref<32x128xf32, #tpu.memory_space<vmem>> -> memref<32x128xf32, #tpu.memory_space<vmem>>
      %dma_wait3A_477 = arith.constant 0 : i32
      %dma_wait3A_478 = tpu.memref_slice %arg4[%add3A_353, %dma_wait3A_477] : memref<20480x128xf32, #tpu.memory_space<hbm>> -> memref<32x128xf32, #tpu.memory_space<hbm>>
      %dma_wait3A_479 = arith.constant 0 : i32
      %dma_wait3A_480 = tpu.memref_slice %arg4[%add3A_353, %dma_wait3A_479] : memref<20480x128xf32, #tpu.memory_space<hbm>> -> memref<32x128xf32, #tpu.memory_space<hbm>>
      %dma_wait3A_481 = arith.constant 0 : i32
      %dma_wait3A_482 = arith.constant 0 : i32
      %dma_wait3A_483 = tpu.memref_slice %arg11[%dma_wait3A_481, %dma_wait3A_482] : memref<32x128xf32, #tpu.memory_space<vmem>> -> memref<32x128xf32, #tpu.memory_space<vmem>>
      tpu.wait_dma2 semaphore(%run_scoped3A_464 : memref<!tpu.dma_semaphore, #tpu.memory_space<semaphore_mem>>) src(%dma_wait3A_483 : memref<32x128xf32, #tpu.memory_space<vmem>>) dst(%dma_wait3A_480 : memref<32x128xf32, #tpu.memory_space<hbm>>)
      tpu.yield
    }) : () -> ()
    %mul3A_354 = arith.constant 640 : i32
    %mul3A_355 = arith.muli %arg1, %mul3A_354 : i32
    %add3A_356 = arith.constant 320 : i32
    %add3A_357 = arith.addi %mul3A_355, %add3A_356 : i32
    "tpu.region"() ({
      %run_scoped3A_464 = tpu.sem_alloc : memref<!tpu.dma_semaphore, #tpu.memory_space<semaphore_mem>>
      %dma_start3A_465 = arith.constant 0 : i32
      %dma_start3A_466 = arith.constant 0 : i32
      %dma_start3A_467 = tpu.memref_slice %arg11[%dma_start3A_465, %dma_start3A_466] : memref<32x128xf32, #tpu.memory_space<vmem>> -> memref<32x128xf32, #tpu.memory_space<vmem>>
      %dma_start3A_468 = arith.constant 0 : i32
      %dma_start3A_469 = tpu.memref_slice %arg14[%add3A_357, %dma_start3A_468] : memref<10240x128xf32, #tpu.memory_space<vmem_shared>> -> memref<32x128xf32, #tpu.memory_space<vmem_shared>>
      %dma_start3A_470 = arith.constant 0 : i32
      %dma_start3A_471 = arith.constant 0 : i32
      %dma_start3A_472 = tpu.memref_slice %arg11[%dma_start3A_470, %dma_start3A_471] : memref<32x128xf32, #tpu.memory_space<vmem>> -> memref<32x128xf32, #tpu.memory_space<vmem>>
      %dma_start3A_473 = arith.constant 0 : i32
      %dma_start3A_474 = tpu.memref_slice %arg14[%add3A_357, %dma_start3A_473] : memref<10240x128xf32, #tpu.memory_space<vmem_shared>> -> memref<32x128xf32, #tpu.memory_space<vmem_shared>>
      tpu.enqueue_dma source(%dma_start3A_474 : memref<32x128xf32, #tpu.memory_space<vmem_shared>>) target(%dma_start3A_472 : memref<32x128xf32, #tpu.memory_space<vmem>>) target_semaphore(%run_scoped3A_464 : memref<!tpu.dma_semaphore, #tpu.memory_space<semaphore_mem>>)
      %dma_wait3A = arith.constant 0 : i32
      %dma_wait3A_475 = arith.constant 0 : i32
      %dma_wait3A_476 = tpu.memref_slice %arg11[%dma_wait3A, %dma_wait3A_475] : memref<32x128xf32, #tpu.memory_space<vmem>> -> memref<32x128xf32, #tpu.memory_space<vmem>>
      %dma_wait3A_477 = arith.constant 0 : i32
      %dma_wait3A_478 = tpu.memref_slice %arg14[%add3A_357, %dma_wait3A_477] : memref<10240x128xf32, #tpu.memory_space<vmem_shared>> -> memref<32x128xf32, #tpu.memory_space<vmem_shared>>
      %dma_wait3A_479 = arith.constant 0 : i32
      %dma_wait3A_480 = arith.constant 0 : i32
      %dma_wait3A_481 = tpu.memref_slice %arg11[%dma_wait3A_479, %dma_wait3A_480] : memref<32x128xf32, #tpu.memory_space<vmem>> -> memref<32x128xf32, #tpu.memory_space<vmem>>
      %dma_wait3A_482 = arith.constant 0 : i32
      %dma_wait3A_483 = tpu.memref_slice %arg14[%add3A_357, %dma_wait3A_482] : memref<10240x128xf32, #tpu.memory_space<vmem_shared>> -> memref<32x128xf32, #tpu.memory_space<vmem_shared>>
      tpu.wait_dma2 semaphore(%run_scoped3A_464 : memref<!tpu.dma_semaphore, #tpu.memory_space<semaphore_mem>>) src(%dma_wait3A_483 : memref<32x128xf32, #tpu.memory_space<vmem_shared>>) dst(%dma_wait3A_481 : memref<32x128xf32, #tpu.memory_space<vmem>>)
      tpu.yield
    }) : () -> ()
    %mul3A_358 = arith.constant 10240 : i32
    %mul3A_359 = arith.muli %arg0, %mul3A_358 : i32
    %mul3A_360 = arith.constant 640 : i32
    %mul3A_361 = arith.muli %arg1, %mul3A_360 : i32
    %add3A_362 = arith.addi %mul3A_359, %mul3A_361 : i32
    %add3A_363 = arith.constant 320 : i32
    %add3A_364 = arith.addi %add3A_362, %add3A_363 : i32
    "tpu.region"() ({
      %run_scoped3A_464 = tpu.sem_alloc : memref<!tpu.dma_semaphore, #tpu.memory_space<semaphore_mem>>
      %dma_start3A_465 = arith.constant 0 : i32
      %dma_start3A_466 = arith.constant 0 : i32
      %dma_start3A_467 = tpu.memref_slice %arg11[%dma_start3A_465, %dma_start3A_466] : memref<32x128xf32, #tpu.memory_space<vmem>> -> memref<32x128xf32, #tpu.memory_space<vmem>>
      %dma_start3A_468 = arith.constant 0 : i32
      %dma_start3A_469 = tpu.memref_slice %arg4[%add3A_364, %dma_start3A_468] : memref<20480x128xf32, #tpu.memory_space<hbm>> -> memref<32x128xf32, #tpu.memory_space<hbm>>
      %dma_start3A_470 = arith.constant 0 : i32
      %dma_start3A_471 = tpu.memref_slice %arg4[%add3A_364, %dma_start3A_470] : memref<20480x128xf32, #tpu.memory_space<hbm>> -> memref<32x128xf32, #tpu.memory_space<hbm>>
      %dma_start3A_472 = arith.constant 0 : i32
      %dma_start3A_473 = arith.constant 0 : i32
      %dma_start3A_474 = tpu.memref_slice %arg11[%dma_start3A_472, %dma_start3A_473] : memref<32x128xf32, #tpu.memory_space<vmem>> -> memref<32x128xf32, #tpu.memory_space<vmem>>
      tpu.enqueue_dma source(%dma_start3A_474 : memref<32x128xf32, #tpu.memory_space<vmem>>) target(%dma_start3A_471 : memref<32x128xf32, #tpu.memory_space<hbm>>) target_semaphore(%run_scoped3A_464 : memref<!tpu.dma_semaphore, #tpu.memory_space<semaphore_mem>>)
      %dma_wait3A = arith.constant 0 : i32
      %dma_wait3A_475 = arith.constant 0 : i32
      %dma_wait3A_476 = tpu.memref_slice %arg11[%dma_wait3A, %dma_wait3A_475] : memref<32x128xf32, #tpu.memory_space<vmem>> -> memref<32x128xf32, #tpu.memory_space<vmem>>
      %dma_wait3A_477 = arith.constant 0 : i32
      %dma_wait3A_478 = tpu.memref_slice %arg4[%add3A_364, %dma_wait3A_477] : memref<20480x128xf32, #tpu.memory_space<hbm>> -> memref<32x128xf32, #tpu.memory_space<hbm>>
      %dma_wait3A_479 = arith.constant 0 : i32
      %dma_wait3A_480 = tpu.memref_slice %arg4[%add3A_364, %dma_wait3A_479] : memref<20480x128xf32, #tpu.memory_space<hbm>> -> memref<32x128xf32, #tpu.memory_space<hbm>>
      %dma_wait3A_481 = arith.constant 0 : i32
      %dma_wait3A_482 = arith.constant 0 : i32
      %dma_wait3A_483 = tpu.memref_slice %arg11[%dma_wait3A_481, %dma_wait3A_482] : memref<32x128xf32, #tpu.memory_space<vmem>> -> memref<32x128xf32, #tpu.memory_space<vmem>>
      tpu.wait_dma2 semaphore(%run_scoped3A_464 : memref<!tpu.dma_semaphore, #tpu.memory_space<semaphore_mem>>) src(%dma_wait3A_483 : memref<32x128xf32, #tpu.memory_space<vmem>>) dst(%dma_wait3A_480 : memref<32x128xf32, #tpu.memory_space<hbm>>)
      tpu.yield
    }) : () -> ()
    %mul3A_365 = arith.constant 640 : i32
    %mul3A_366 = arith.muli %arg1, %mul3A_365 : i32
    %add3A_367 = arith.constant 352 : i32
    %add3A_368 = arith.addi %mul3A_366, %add3A_367 : i32
    "tpu.region"() ({
      %run_scoped3A_464 = tpu.sem_alloc : memref<!tpu.dma_semaphore, #tpu.memory_space<semaphore_mem>>
      %dma_start3A_465 = arith.constant 0 : i32
      %dma_start3A_466 = arith.constant 0 : i32
      %dma_start3A_467 = tpu.memref_slice %arg11[%dma_start3A_465, %dma_start3A_466] : memref<32x128xf32, #tpu.memory_space<vmem>> -> memref<32x128xf32, #tpu.memory_space<vmem>>
      %dma_start3A_468 = arith.constant 0 : i32
      %dma_start3A_469 = tpu.memref_slice %arg14[%add3A_368, %dma_start3A_468] : memref<10240x128xf32, #tpu.memory_space<vmem_shared>> -> memref<32x128xf32, #tpu.memory_space<vmem_shared>>
      %dma_start3A_470 = arith.constant 0 : i32
      %dma_start3A_471 = arith.constant 0 : i32
      %dma_start3A_472 = tpu.memref_slice %arg11[%dma_start3A_470, %dma_start3A_471] : memref<32x128xf32, #tpu.memory_space<vmem>> -> memref<32x128xf32, #tpu.memory_space<vmem>>
      %dma_start3A_473 = arith.constant 0 : i32
      %dma_start3A_474 = tpu.memref_slice %arg14[%add3A_368, %dma_start3A_473] : memref<10240x128xf32, #tpu.memory_space<vmem_shared>> -> memref<32x128xf32, #tpu.memory_space<vmem_shared>>
      tpu.enqueue_dma source(%dma_start3A_474 : memref<32x128xf32, #tpu.memory_space<vmem_shared>>) target(%dma_start3A_472 : memref<32x128xf32, #tpu.memory_space<vmem>>) target_semaphore(%run_scoped3A_464 : memref<!tpu.dma_semaphore, #tpu.memory_space<semaphore_mem>>)
      %dma_wait3A = arith.constant 0 : i32
      %dma_wait3A_475 = arith.constant 0 : i32
      %dma_wait3A_476 = tpu.memref_slice %arg11[%dma_wait3A, %dma_wait3A_475] : memref<32x128xf32, #tpu.memory_space<vmem>> -> memref<32x128xf32, #tpu.memory_space<vmem>>
      %dma_wait3A_477 = arith.constant 0 : i32
      %dma_wait3A_478 = tpu.memref_slice %arg14[%add3A_368, %dma_wait3A_477] : memref<10240x128xf32, #tpu.memory_space<vmem_shared>> -> memref<32x128xf32, #tpu.memory_space<vmem_shared>>
      %dma_wait3A_479 = arith.constant 0 : i32
      %dma_wait3A_480 = arith.constant 0 : i32
      %dma_wait3A_481 = tpu.memref_slice %arg11[%dma_wait3A_479, %dma_wait3A_480] : memref<32x128xf32, #tpu.memory_space<vmem>> -> memref<32x128xf32, #tpu.memory_space<vmem>>
      %dma_wait3A_482 = arith.constant 0 : i32
      %dma_wait3A_483 = tpu.memref_slice %arg14[%add3A_368, %dma_wait3A_482] : memref<10240x128xf32, #tpu.memory_space<vmem_shared>> -> memref<32x128xf32, #tpu.memory_space<vmem_shared>>
      tpu.wait_dma2 semaphore(%run_scoped3A_464 : memref<!tpu.dma_semaphore, #tpu.memory_space<semaphore_mem>>) src(%dma_wait3A_483 : memref<32x128xf32, #tpu.memory_space<vmem_shared>>) dst(%dma_wait3A_481 : memref<32x128xf32, #tpu.memory_space<vmem>>)
      tpu.yield
    }) : () -> ()
    %mul3A_369 = arith.constant 10240 : i32
    %mul3A_370 = arith.muli %arg0, %mul3A_369 : i32
    %mul3A_371 = arith.constant 640 : i32
    %mul3A_372 = arith.muli %arg1, %mul3A_371 : i32
    %add3A_373 = arith.addi %mul3A_370, %mul3A_372 : i32
    %add3A_374 = arith.constant 352 : i32
    %add3A_375 = arith.addi %add3A_373, %add3A_374 : i32
    "tpu.region"() ({
      %run_scoped3A_464 = tpu.sem_alloc : memref<!tpu.dma_semaphore, #tpu.memory_space<semaphore_mem>>
      %dma_start3A_465 = arith.constant 0 : i32
      %dma_start3A_466 = arith.constant 0 : i32
      %dma_start3A_467 = tpu.memref_slice %arg11[%dma_start3A_465, %dma_start3A_466] : memref<32x128xf32, #tpu.memory_space<vmem>> -> memref<32x128xf32, #tpu.memory_space<vmem>>
      %dma_start3A_468 = arith.constant 0 : i32
      %dma_start3A_469 = tpu.memref_slice %arg4[%add3A_375, %dma_start3A_468] : memref<20480x128xf32, #tpu.memory_space<hbm>> -> memref<32x128xf32, #tpu.memory_space<hbm>>
      %dma_start3A_470 = arith.constant 0 : i32
      %dma_start3A_471 = tpu.memref_slice %arg4[%add3A_375, %dma_start3A_470] : memref<20480x128xf32, #tpu.memory_space<hbm>> -> memref<32x128xf32, #tpu.memory_space<hbm>>
      %dma_start3A_472 = arith.constant 0 : i32
      %dma_start3A_473 = arith.constant 0 : i32
      %dma_start3A_474 = tpu.memref_slice %arg11[%dma_start3A_472, %dma_start3A_473] : memref<32x128xf32, #tpu.memory_space<vmem>> -> memref<32x128xf32, #tpu.memory_space<vmem>>
      tpu.enqueue_dma source(%dma_start3A_474 : memref<32x128xf32, #tpu.memory_space<vmem>>) target(%dma_start3A_471 : memref<32x128xf32, #tpu.memory_space<hbm>>) target_semaphore(%run_scoped3A_464 : memref<!tpu.dma_semaphore, #tpu.memory_space<semaphore_mem>>)
      %dma_wait3A = arith.constant 0 : i32
      %dma_wait3A_475 = arith.constant 0 : i32
      %dma_wait3A_476 = tpu.memref_slice %arg11[%dma_wait3A, %dma_wait3A_475] : memref<32x128xf32, #tpu.memory_space<vmem>> -> memref<32x128xf32, #tpu.memory_space<vmem>>
      %dma_wait3A_477 = arith.constant 0 : i32
      %dma_wait3A_478 = tpu.memref_slice %arg4[%add3A_375, %dma_wait3A_477] : memref<20480x128xf32, #tpu.memory_space<hbm>> -> memref<32x128xf32, #tpu.memory_space<hbm>>
      %dma_wait3A_479 = arith.constant 0 : i32
      %dma_wait3A_480 = tpu.memref_slice %arg4[%add3A_375, %dma_wait3A_479] : memref<20480x128xf32, #tpu.memory_space<hbm>> -> memref<32x128xf32, #tpu.memory_space<hbm>>
      %dma_wait3A_481 = arith.constant 0 : i32
      %dma_wait3A_482 = arith.constant 0 : i32
      %dma_wait3A_483 = tpu.memref_slice %arg11[%dma_wait3A_481, %dma_wait3A_482] : memref<32x128xf32, #tpu.memory_space<vmem>> -> memref<32x128xf32, #tpu.memory_space<vmem>>
      tpu.wait_dma2 semaphore(%run_scoped3A_464 : memref<!tpu.dma_semaphore, #tpu.memory_space<semaphore_mem>>) src(%dma_wait3A_483 : memref<32x128xf32, #tpu.memory_space<vmem>>) dst(%dma_wait3A_480 : memref<32x128xf32, #tpu.memory_space<hbm>>)
      tpu.yield
    }) : () -> ()
    %mul3A_376 = arith.constant 640 : i32
    %mul3A_377 = arith.muli %arg1, %mul3A_376 : i32
    %add3A_378 = arith.constant 384 : i32
    %add3A_379 = arith.addi %mul3A_377, %add3A_378 : i32
    "tpu.region"() ({
      %run_scoped3A_464 = tpu.sem_alloc : memref<!tpu.dma_semaphore, #tpu.memory_space<semaphore_mem>>
      %dma_start3A_465 = arith.constant 0 : i32
      %dma_start3A_466 = arith.constant 0 : i32
      %dma_start3A_467 = tpu.memref_slice %arg11[%dma_start3A_465, %dma_start3A_466] : memref<32x128xf32, #tpu.memory_space<vmem>> -> memref<32x128xf32, #tpu.memory_space<vmem>>
      %dma_start3A_468 = arith.constant 0 : i32
      %dma_start3A_469 = tpu.memref_slice %arg14[%add3A_379, %dma_start3A_468] : memref<10240x128xf32, #tpu.memory_space<vmem_shared>> -> memref<32x128xf32, #tpu.memory_space<vmem_shared>>
      %dma_start3A_470 = arith.constant 0 : i32
      %dma_start3A_471 = arith.constant 0 : i32
      %dma_start3A_472 = tpu.memref_slice %arg11[%dma_start3A_470, %dma_start3A_471] : memref<32x128xf32, #tpu.memory_space<vmem>> -> memref<32x128xf32, #tpu.memory_space<vmem>>
      %dma_start3A_473 = arith.constant 0 : i32
      %dma_start3A_474 = tpu.memref_slice %arg14[%add3A_379, %dma_start3A_473] : memref<10240x128xf32, #tpu.memory_space<vmem_shared>> -> memref<32x128xf32, #tpu.memory_space<vmem_shared>>
      tpu.enqueue_dma source(%dma_start3A_474 : memref<32x128xf32, #tpu.memory_space<vmem_shared>>) target(%dma_start3A_472 : memref<32x128xf32, #tpu.memory_space<vmem>>) target_semaphore(%run_scoped3A_464 : memref<!tpu.dma_semaphore, #tpu.memory_space<semaphore_mem>>)
      %dma_wait3A = arith.constant 0 : i32
      %dma_wait3A_475 = arith.constant 0 : i32
      %dma_wait3A_476 = tpu.memref_slice %arg11[%dma_wait3A, %dma_wait3A_475] : memref<32x128xf32, #tpu.memory_space<vmem>> -> memref<32x128xf32, #tpu.memory_space<vmem>>
      %dma_wait3A_477 = arith.constant 0 : i32
      %dma_wait3A_478 = tpu.memref_slice %arg14[%add3A_379, %dma_wait3A_477] : memref<10240x128xf32, #tpu.memory_space<vmem_shared>> -> memref<32x128xf32, #tpu.memory_space<vmem_shared>>
      %dma_wait3A_479 = arith.constant 0 : i32
      %dma_wait3A_480 = arith.constant 0 : i32
      %dma_wait3A_481 = tpu.memref_slice %arg11[%dma_wait3A_479, %dma_wait3A_480] : memref<32x128xf32, #tpu.memory_space<vmem>> -> memref<32x128xf32, #tpu.memory_space<vmem>>
      %dma_wait3A_482 = arith.constant 0 : i32
      %dma_wait3A_483 = tpu.memref_slice %arg14[%add3A_379, %dma_wait3A_482] : memref<10240x128xf32, #tpu.memory_space<vmem_shared>> -> memref<32x128xf32, #tpu.memory_space<vmem_shared>>
      tpu.wait_dma2 semaphore(%run_scoped3A_464 : memref<!tpu.dma_semaphore, #tpu.memory_space<semaphore_mem>>) src(%dma_wait3A_483 : memref<32x128xf32, #tpu.memory_space<vmem_shared>>) dst(%dma_wait3A_481 : memref<32x128xf32, #tpu.memory_space<vmem>>)
      tpu.yield
    }) : () -> ()
    %mul3A_380 = arith.constant 10240 : i32
    %mul3A_381 = arith.muli %arg0, %mul3A_380 : i32
    %mul3A_382 = arith.constant 640 : i32
    %mul3A_383 = arith.muli %arg1, %mul3A_382 : i32
    %add3A_384 = arith.addi %mul3A_381, %mul3A_383 : i32
    %add3A_385 = arith.constant 384 : i32
    %add3A_386 = arith.addi %add3A_384, %add3A_385 : i32
    "tpu.region"() ({
      %run_scoped3A_464 = tpu.sem_alloc : memref<!tpu.dma_semaphore, #tpu.memory_space<semaphore_mem>>
      %dma_start3A_465 = arith.constant 0 : i32
      %dma_start3A_466 = arith.constant 0 : i32
      %dma_start3A_467 = tpu.memref_slice %arg11[%dma_start3A_465, %dma_start3A_466] : memref<32x128xf32, #tpu.memory_space<vmem>> -> memref<32x128xf32, #tpu.memory_space<vmem>>
      %dma_start3A_468 = arith.constant 0 : i32
      %dma_start3A_469 = tpu.memref_slice %arg4[%add3A_386, %dma_start3A_468] : memref<20480x128xf32, #tpu.memory_space<hbm>> -> memref<32x128xf32, #tpu.memory_space<hbm>>
      %dma_start3A_470 = arith.constant 0 : i32
      %dma_start3A_471 = tpu.memref_slice %arg4[%add3A_386, %dma_start3A_470] : memref<20480x128xf32, #tpu.memory_space<hbm>> -> memref<32x128xf32, #tpu.memory_space<hbm>>
      %dma_start3A_472 = arith.constant 0 : i32
      %dma_start3A_473 = arith.constant 0 : i32
      %dma_start3A_474 = tpu.memref_slice %arg11[%dma_start3A_472, %dma_start3A_473] : memref<32x128xf32, #tpu.memory_space<vmem>> -> memref<32x128xf32, #tpu.memory_space<vmem>>
      tpu.enqueue_dma source(%dma_start3A_474 : memref<32x128xf32, #tpu.memory_space<vmem>>) target(%dma_start3A_471 : memref<32x128xf32, #tpu.memory_space<hbm>>) target_semaphore(%run_scoped3A_464 : memref<!tpu.dma_semaphore, #tpu.memory_space<semaphore_mem>>)
      %dma_wait3A = arith.constant 0 : i32
      %dma_wait3A_475 = arith.constant 0 : i32
      %dma_wait3A_476 = tpu.memref_slice %arg11[%dma_wait3A, %dma_wait3A_475] : memref<32x128xf32, #tpu.memory_space<vmem>> -> memref<32x128xf32, #tpu.memory_space<vmem>>
      %dma_wait3A_477 = arith.constant 0 : i32
      %dma_wait3A_478 = tpu.memref_slice %arg4[%add3A_386, %dma_wait3A_477] : memref<20480x128xf32, #tpu.memory_space<hbm>> -> memref<32x128xf32, #tpu.memory_space<hbm>>
      %dma_wait3A_479 = arith.constant 0 : i32
      %dma_wait3A_480 = tpu.memref_slice %arg4[%add3A_386, %dma_wait3A_479] : memref<20480x128xf32, #tpu.memory_space<hbm>> -> memref<32x128xf32, #tpu.memory_space<hbm>>
      %dma_wait3A_481 = arith.constant 0 : i32
      %dma_wait3A_482 = arith.constant 0 : i32
      %dma_wait3A_483 = tpu.memref_slice %arg11[%dma_wait3A_481, %dma_wait3A_482] : memref<32x128xf32, #tpu.memory_space<vmem>> -> memref<32x128xf32, #tpu.memory_space<vmem>>
      tpu.wait_dma2 semaphore(%run_scoped3A_464 : memref<!tpu.dma_semaphore, #tpu.memory_space<semaphore_mem>>) src(%dma_wait3A_483 : memref<32x128xf32, #tpu.memory_space<vmem>>) dst(%dma_wait3A_480 : memref<32x128xf32, #tpu.memory_space<hbm>>)
      tpu.yield
    }) : () -> ()
    %mul3A_387 = arith.constant 640 : i32
    %mul3A_388 = arith.muli %arg1, %mul3A_387 : i32
    %add3A_389 = arith.constant 416 : i32
    %add3A_390 = arith.addi %mul3A_388, %add3A_389 : i32
    "tpu.region"() ({
      %run_scoped3A_464 = tpu.sem_alloc : memref<!tpu.dma_semaphore, #tpu.memory_space<semaphore_mem>>
      %dma_start3A_465 = arith.constant 0 : i32
      %dma_start3A_466 = arith.constant 0 : i32
      %dma_start3A_467 = tpu.memref_slice %arg11[%dma_start3A_465, %dma_start3A_466] : memref<32x128xf32, #tpu.memory_space<vmem>> -> memref<32x128xf32, #tpu.memory_space<vmem>>
      %dma_start3A_468 = arith.constant 0 : i32
      %dma_start3A_469 = tpu.memref_slice %arg14[%add3A_390, %dma_start3A_468] : memref<10240x128xf32, #tpu.memory_space<vmem_shared>> -> memref<32x128xf32, #tpu.memory_space<vmem_shared>>
      %dma_start3A_470 = arith.constant 0 : i32
      %dma_start3A_471 = arith.constant 0 : i32
      %dma_start3A_472 = tpu.memref_slice %arg11[%dma_start3A_470, %dma_start3A_471] : memref<32x128xf32, #tpu.memory_space<vmem>> -> memref<32x128xf32, #tpu.memory_space<vmem>>
      %dma_start3A_473 = arith.constant 0 : i32
      %dma_start3A_474 = tpu.memref_slice %arg14[%add3A_390, %dma_start3A_473] : memref<10240x128xf32, #tpu.memory_space<vmem_shared>> -> memref<32x128xf32, #tpu.memory_space<vmem_shared>>
      tpu.enqueue_dma source(%dma_start3A_474 : memref<32x128xf32, #tpu.memory_space<vmem_shared>>) target(%dma_start3A_472 : memref<32x128xf32, #tpu.memory_space<vmem>>) target_semaphore(%run_scoped3A_464 : memref<!tpu.dma_semaphore, #tpu.memory_space<semaphore_mem>>)
      %dma_wait3A = arith.constant 0 : i32
      %dma_wait3A_475 = arith.constant 0 : i32
      %dma_wait3A_476 = tpu.memref_slice %arg11[%dma_wait3A, %dma_wait3A_475] : memref<32x128xf32, #tpu.memory_space<vmem>> -> memref<32x128xf32, #tpu.memory_space<vmem>>
      %dma_wait3A_477 = arith.constant 0 : i32
      %dma_wait3A_478 = tpu.memref_slice %arg14[%add3A_390, %dma_wait3A_477] : memref<10240x128xf32, #tpu.memory_space<vmem_shared>> -> memref<32x128xf32, #tpu.memory_space<vmem_shared>>
      %dma_wait3A_479 = arith.constant 0 : i32
      %dma_wait3A_480 = arith.constant 0 : i32
      %dma_wait3A_481 = tpu.memref_slice %arg11[%dma_wait3A_479, %dma_wait3A_480] : memref<32x128xf32, #tpu.memory_space<vmem>> -> memref<32x128xf32, #tpu.memory_space<vmem>>
      %dma_wait3A_482 = arith.constant 0 : i32
      %dma_wait3A_483 = tpu.memref_slice %arg14[%add3A_390, %dma_wait3A_482] : memref<10240x128xf32, #tpu.memory_space<vmem_shared>> -> memref<32x128xf32, #tpu.memory_space<vmem_shared>>
      tpu.wait_dma2 semaphore(%run_scoped3A_464 : memref<!tpu.dma_semaphore, #tpu.memory_space<semaphore_mem>>) src(%dma_wait3A_483 : memref<32x128xf32, #tpu.memory_space<vmem_shared>>) dst(%dma_wait3A_481 : memref<32x128xf32, #tpu.memory_space<vmem>>)
      tpu.yield
    }) : () -> ()
    %mul3A_391 = arith.constant 10240 : i32
    %mul3A_392 = arith.muli %arg0, %mul3A_391 : i32
    %mul3A_393 = arith.constant 640 : i32
    %mul3A_394 = arith.muli %arg1, %mul3A_393 : i32
    %add3A_395 = arith.addi %mul3A_392, %mul3A_394 : i32
    %add3A_396 = arith.constant 416 : i32
    %add3A_397 = arith.addi %add3A_395, %add3A_396 : i32
    "tpu.region"() ({
      %run_scoped3A_464 = tpu.sem_alloc : memref<!tpu.dma_semaphore, #tpu.memory_space<semaphore_mem>>
      %dma_start3A_465 = arith.constant 0 : i32
      %dma_start3A_466 = arith.constant 0 : i32
      %dma_start3A_467 = tpu.memref_slice %arg11[%dma_start3A_465, %dma_start3A_466] : memref<32x128xf32, #tpu.memory_space<vmem>> -> memref<32x128xf32, #tpu.memory_space<vmem>>
      %dma_start3A_468 = arith.constant 0 : i32
      %dma_start3A_469 = tpu.memref_slice %arg4[%add3A_397, %dma_start3A_468] : memref<20480x128xf32, #tpu.memory_space<hbm>> -> memref<32x128xf32, #tpu.memory_space<hbm>>
      %dma_start3A_470 = arith.constant 0 : i32
      %dma_start3A_471 = tpu.memref_slice %arg4[%add3A_397, %dma_start3A_470] : memref<20480x128xf32, #tpu.memory_space<hbm>> -> memref<32x128xf32, #tpu.memory_space<hbm>>
      %dma_start3A_472 = arith.constant 0 : i32
      %dma_start3A_473 = arith.constant 0 : i32
      %dma_start3A_474 = tpu.memref_slice %arg11[%dma_start3A_472, %dma_start3A_473] : memref<32x128xf32, #tpu.memory_space<vmem>> -> memref<32x128xf32, #tpu.memory_space<vmem>>
      tpu.enqueue_dma source(%dma_start3A_474 : memref<32x128xf32, #tpu.memory_space<vmem>>) target(%dma_start3A_471 : memref<32x128xf32, #tpu.memory_space<hbm>>) target_semaphore(%run_scoped3A_464 : memref<!tpu.dma_semaphore, #tpu.memory_space<semaphore_mem>>)
      %dma_wait3A = arith.constant 0 : i32
      %dma_wait3A_475 = arith.constant 0 : i32
      %dma_wait3A_476 = tpu.memref_slice %arg11[%dma_wait3A, %dma_wait3A_475] : memref<32x128xf32, #tpu.memory_space<vmem>> -> memref<32x128xf32, #tpu.memory_space<vmem>>
      %dma_wait3A_477 = arith.constant 0 : i32
      %dma_wait3A_478 = tpu.memref_slice %arg4[%add3A_397, %dma_wait3A_477] : memref<20480x128xf32, #tpu.memory_space<hbm>> -> memref<32x128xf32, #tpu.memory_space<hbm>>
      %dma_wait3A_479 = arith.constant 0 : i32
      %dma_wait3A_480 = tpu.memref_slice %arg4[%add3A_397, %dma_wait3A_479] : memref<20480x128xf32, #tpu.memory_space<hbm>> -> memref<32x128xf32, #tpu.memory_space<hbm>>
      %dma_wait3A_481 = arith.constant 0 : i32
      %dma_wait3A_482 = arith.constant 0 : i32
      %dma_wait3A_483 = tpu.memref_slice %arg11[%dma_wait3A_481, %dma_wait3A_482] : memref<32x128xf32, #tpu.memory_space<vmem>> -> memref<32x128xf32, #tpu.memory_space<vmem>>
      tpu.wait_dma2 semaphore(%run_scoped3A_464 : memref<!tpu.dma_semaphore, #tpu.memory_space<semaphore_mem>>) src(%dma_wait3A_483 : memref<32x128xf32, #tpu.memory_space<vmem>>) dst(%dma_wait3A_480 : memref<32x128xf32, #tpu.memory_space<hbm>>)
      tpu.yield
    }) : () -> ()
    %mul3A_398 = arith.constant 640 : i32
    %mul3A_399 = arith.muli %arg1, %mul3A_398 : i32
    %add3A_400 = arith.constant 448 : i32
    %add3A_401 = arith.addi %mul3A_399, %add3A_400 : i32
    "tpu.region"() ({
      %run_scoped3A_464 = tpu.sem_alloc : memref<!tpu.dma_semaphore, #tpu.memory_space<semaphore_mem>>
      %dma_start3A_465 = arith.constant 0 : i32
      %dma_start3A_466 = arith.constant 0 : i32
      %dma_start3A_467 = tpu.memref_slice %arg11[%dma_start3A_465, %dma_start3A_466] : memref<32x128xf32, #tpu.memory_space<vmem>> -> memref<32x128xf32, #tpu.memory_space<vmem>>
      %dma_start3A_468 = arith.constant 0 : i32
      %dma_start3A_469 = tpu.memref_slice %arg14[%add3A_401, %dma_start3A_468] : memref<10240x128xf32, #tpu.memory_space<vmem_shared>> -> memref<32x128xf32, #tpu.memory_space<vmem_shared>>
      %dma_start3A_470 = arith.constant 0 : i32
      %dma_start3A_471 = arith.constant 0 : i32
      %dma_start3A_472 = tpu.memref_slice %arg11[%dma_start3A_470, %dma_start3A_471] : memref<32x128xf32, #tpu.memory_space<vmem>> -> memref<32x128xf32, #tpu.memory_space<vmem>>
      %dma_start3A_473 = arith.constant 0 : i32
      %dma_start3A_474 = tpu.memref_slice %arg14[%add3A_401, %dma_start3A_473] : memref<10240x128xf32, #tpu.memory_space<vmem_shared>> -> memref<32x128xf32, #tpu.memory_space<vmem_shared>>
      tpu.enqueue_dma source(%dma_start3A_474 : memref<32x128xf32, #tpu.memory_space<vmem_shared>>) target(%dma_start3A_472 : memref<32x128xf32, #tpu.memory_space<vmem>>) target_semaphore(%run_scoped3A_464 : memref<!tpu.dma_semaphore, #tpu.memory_space<semaphore_mem>>)
      %dma_wait3A = arith.constant 0 : i32
      %dma_wait3A_475 = arith.constant 0 : i32
      %dma_wait3A_476 = tpu.memref_slice %arg11[%dma_wait3A, %dma_wait3A_475] : memref<32x128xf32, #tpu.memory_space<vmem>> -> memref<32x128xf32, #tpu.memory_space<vmem>>
      %dma_wait3A_477 = arith.constant 0 : i32
      %dma_wait3A_478 = tpu.memref_slice %arg14[%add3A_401, %dma_wait3A_477] : memref<10240x128xf32, #tpu.memory_space<vmem_shared>> -> memref<32x128xf32, #tpu.memory_space<vmem_shared>>
      %dma_wait3A_479 = arith.constant 0 : i32
      %dma_wait3A_480 = arith.constant 0 : i32
      %dma_wait3A_481 = tpu.memref_slice %arg11[%dma_wait3A_479, %dma_wait3A_480] : memref<32x128xf32, #tpu.memory_space<vmem>> -> memref<32x128xf32, #tpu.memory_space<vmem>>
      %dma_wait3A_482 = arith.constant 0 : i32
      %dma_wait3A_483 = tpu.memref_slice %arg14[%add3A_401, %dma_wait3A_482] : memref<10240x128xf32, #tpu.memory_space<vmem_shared>> -> memref<32x128xf32, #tpu.memory_space<vmem_shared>>
      tpu.wait_dma2 semaphore(%run_scoped3A_464 : memref<!tpu.dma_semaphore, #tpu.memory_space<semaphore_mem>>) src(%dma_wait3A_483 : memref<32x128xf32, #tpu.memory_space<vmem_shared>>) dst(%dma_wait3A_481 : memref<32x128xf32, #tpu.memory_space<vmem>>)
      tpu.yield
    }) : () -> ()
    %mul3A_402 = arith.constant 10240 : i32
    %mul3A_403 = arith.muli %arg0, %mul3A_402 : i32
    %mul3A_404 = arith.constant 640 : i32
    %mul3A_405 = arith.muli %arg1, %mul3A_404 : i32
    %add3A_406 = arith.addi %mul3A_403, %mul3A_405 : i32
    %add3A_407 = arith.constant 448 : i32
    %add3A_408 = arith.addi %add3A_406, %add3A_407 : i32
    "tpu.region"() ({
      %run_scoped3A_464 = tpu.sem_alloc : memref<!tpu.dma_semaphore, #tpu.memory_space<semaphore_mem>>
      %dma_start3A_465 = arith.constant 0 : i32
      %dma_start3A_466 = arith.constant 0 : i32
      %dma_start3A_467 = tpu.memref_slice %arg11[%dma_start3A_465, %dma_start3A_466] : memref<32x128xf32, #tpu.memory_space<vmem>> -> memref<32x128xf32, #tpu.memory_space<vmem>>
      %dma_start3A_468 = arith.constant 0 : i32
      %dma_start3A_469 = tpu.memref_slice %arg4[%add3A_408, %dma_start3A_468] : memref<20480x128xf32, #tpu.memory_space<hbm>> -> memref<32x128xf32, #tpu.memory_space<hbm>>
      %dma_start3A_470 = arith.constant 0 : i32
      %dma_start3A_471 = tpu.memref_slice %arg4[%add3A_408, %dma_start3A_470] : memref<20480x128xf32, #tpu.memory_space<hbm>> -> memref<32x128xf32, #tpu.memory_space<hbm>>
      %dma_start3A_472 = arith.constant 0 : i32
      %dma_start3A_473 = arith.constant 0 : i32
      %dma_start3A_474 = tpu.memref_slice %arg11[%dma_start3A_472, %dma_start3A_473] : memref<32x128xf32, #tpu.memory_space<vmem>> -> memref<32x128xf32, #tpu.memory_space<vmem>>
      tpu.enqueue_dma source(%dma_start3A_474 : memref<32x128xf32, #tpu.memory_space<vmem>>) target(%dma_start3A_471 : memref<32x128xf32, #tpu.memory_space<hbm>>) target_semaphore(%run_scoped3A_464 : memref<!tpu.dma_semaphore, #tpu.memory_space<semaphore_mem>>)
      %dma_wait3A = arith.constant 0 : i32
      %dma_wait3A_475 = arith.constant 0 : i32
      %dma_wait3A_476 = tpu.memref_slice %arg11[%dma_wait3A, %dma_wait3A_475] : memref<32x128xf32, #tpu.memory_space<vmem>> -> memref<32x128xf32, #tpu.memory_space<vmem>>
      %dma_wait3A_477 = arith.constant 0 : i32
      %dma_wait3A_478 = tpu.memref_slice %arg4[%add3A_408, %dma_wait3A_477] : memref<20480x128xf32, #tpu.memory_space<hbm>> -> memref<32x128xf32, #tpu.memory_space<hbm>>
      %dma_wait3A_479 = arith.constant 0 : i32
      %dma_wait3A_480 = tpu.memref_slice %arg4[%add3A_408, %dma_wait3A_479] : memref<20480x128xf32, #tpu.memory_space<hbm>> -> memref<32x128xf32, #tpu.memory_space<hbm>>
      %dma_wait3A_481 = arith.constant 0 : i32
      %dma_wait3A_482 = arith.constant 0 : i32
      %dma_wait3A_483 = tpu.memref_slice %arg11[%dma_wait3A_481, %dma_wait3A_482] : memref<32x128xf32, #tpu.memory_space<vmem>> -> memref<32x128xf32, #tpu.memory_space<vmem>>
      tpu.wait_dma2 semaphore(%run_scoped3A_464 : memref<!tpu.dma_semaphore, #tpu.memory_space<semaphore_mem>>) src(%dma_wait3A_483 : memref<32x128xf32, #tpu.memory_space<vmem>>) dst(%dma_wait3A_480 : memref<32x128xf32, #tpu.memory_space<hbm>>)
      tpu.yield
    }) : () -> ()
    %mul3A_409 = arith.constant 640 : i32
    %mul3A_410 = arith.muli %arg1, %mul3A_409 : i32
    %add3A_411 = arith.constant 480 : i32
    %add3A_412 = arith.addi %mul3A_410, %add3A_411 : i32
    "tpu.region"() ({
      %run_scoped3A_464 = tpu.sem_alloc : memref<!tpu.dma_semaphore, #tpu.memory_space<semaphore_mem>>
      %dma_start3A_465 = arith.constant 0 : i32
      %dma_start3A_466 = arith.constant 0 : i32
      %dma_start3A_467 = tpu.memref_slice %arg11[%dma_start3A_465, %dma_start3A_466] : memref<32x128xf32, #tpu.memory_space<vmem>> -> memref<32x128xf32, #tpu.memory_space<vmem>>
      %dma_start3A_468 = arith.constant 0 : i32
      %dma_start3A_469 = tpu.memref_slice %arg14[%add3A_412, %dma_start3A_468] : memref<10240x128xf32, #tpu.memory_space<vmem_shared>> -> memref<32x128xf32, #tpu.memory_space<vmem_shared>>
      %dma_start3A_470 = arith.constant 0 : i32
      %dma_start3A_471 = arith.constant 0 : i32
      %dma_start3A_472 = tpu.memref_slice %arg11[%dma_start3A_470, %dma_start3A_471] : memref<32x128xf32, #tpu.memory_space<vmem>> -> memref<32x128xf32, #tpu.memory_space<vmem>>
      %dma_start3A_473 = arith.constant 0 : i32
      %dma_start3A_474 = tpu.memref_slice %arg14[%add3A_412, %dma_start3A_473] : memref<10240x128xf32, #tpu.memory_space<vmem_shared>> -> memref<32x128xf32, #tpu.memory_space<vmem_shared>>
      tpu.enqueue_dma source(%dma_start3A_474 : memref<32x128xf32, #tpu.memory_space<vmem_shared>>) target(%dma_start3A_472 : memref<32x128xf32, #tpu.memory_space<vmem>>) target_semaphore(%run_scoped3A_464 : memref<!tpu.dma_semaphore, #tpu.memory_space<semaphore_mem>>)
      %dma_wait3A = arith.constant 0 : i32
      %dma_wait3A_475 = arith.constant 0 : i32
      %dma_wait3A_476 = tpu.memref_slice %arg11[%dma_wait3A, %dma_wait3A_475] : memref<32x128xf32, #tpu.memory_space<vmem>> -> memref<32x128xf32, #tpu.memory_space<vmem>>
      %dma_wait3A_477 = arith.constant 0 : i32
      %dma_wait3A_478 = tpu.memref_slice %arg14[%add3A_412, %dma_wait3A_477] : memref<10240x128xf32, #tpu.memory_space<vmem_shared>> -> memref<32x128xf32, #tpu.memory_space<vmem_shared>>
      %dma_wait3A_479 = arith.constant 0 : i32
      %dma_wait3A_480 = arith.constant 0 : i32
      %dma_wait3A_481 = tpu.memref_slice %arg11[%dma_wait3A_479, %dma_wait3A_480] : memref<32x128xf32, #tpu.memory_space<vmem>> -> memref<32x128xf32, #tpu.memory_space<vmem>>
      %dma_wait3A_482 = arith.constant 0 : i32
      %dma_wait3A_483 = tpu.memref_slice %arg14[%add3A_412, %dma_wait3A_482] : memref<10240x128xf32, #tpu.memory_space<vmem_shared>> -> memref<32x128xf32, #tpu.memory_space<vmem_shared>>
      tpu.wait_dma2 semaphore(%run_scoped3A_464 : memref<!tpu.dma_semaphore, #tpu.memory_space<semaphore_mem>>) src(%dma_wait3A_483 : memref<32x128xf32, #tpu.memory_space<vmem_shared>>) dst(%dma_wait3A_481 : memref<32x128xf32, #tpu.memory_space<vmem>>)
      tpu.yield
    }) : () -> ()
    %mul3A_413 = arith.constant 10240 : i32
    %mul3A_414 = arith.muli %arg0, %mul3A_413 : i32
    %mul3A_415 = arith.constant 640 : i32
    %mul3A_416 = arith.muli %arg1, %mul3A_415 : i32
    %add3A_417 = arith.addi %mul3A_414, %mul3A_416 : i32
    %add3A_418 = arith.constant 480 : i32
    %add3A_419 = arith.addi %add3A_417, %add3A_418 : i32
    "tpu.region"() ({
      %run_scoped3A_464 = tpu.sem_alloc : memref<!tpu.dma_semaphore, #tpu.memory_space<semaphore_mem>>
      %dma_start3A_465 = arith.constant 0 : i32
      %dma_start3A_466 = arith.constant 0 : i32
      %dma_start3A_467 = tpu.memref_slice %arg11[%dma_start3A_465, %dma_start3A_466] : memref<32x128xf32, #tpu.memory_space<vmem>> -> memref<32x128xf32, #tpu.memory_space<vmem>>
      %dma_start3A_468 = arith.constant 0 : i32
      %dma_start3A_469 = tpu.memref_slice %arg4[%add3A_419, %dma_start3A_468] : memref<20480x128xf32, #tpu.memory_space<hbm>> -> memref<32x128xf32, #tpu.memory_space<hbm>>
      %dma_start3A_470 = arith.constant 0 : i32
      %dma_start3A_471 = tpu.memref_slice %arg4[%add3A_419, %dma_start3A_470] : memref<20480x128xf32, #tpu.memory_space<hbm>> -> memref<32x128xf32, #tpu.memory_space<hbm>>
      %dma_start3A_472 = arith.constant 0 : i32
      %dma_start3A_473 = arith.constant 0 : i32
      %dma_start3A_474 = tpu.memref_slice %arg11[%dma_start3A_472, %dma_start3A_473] : memref<32x128xf32, #tpu.memory_space<vmem>> -> memref<32x128xf32, #tpu.memory_space<vmem>>
      tpu.enqueue_dma source(%dma_start3A_474 : memref<32x128xf32, #tpu.memory_space<vmem>>) target(%dma_start3A_471 : memref<32x128xf32, #tpu.memory_space<hbm>>) target_semaphore(%run_scoped3A_464 : memref<!tpu.dma_semaphore, #tpu.memory_space<semaphore_mem>>)
      %dma_wait3A = arith.constant 0 : i32
      %dma_wait3A_475 = arith.constant 0 : i32
      %dma_wait3A_476 = tpu.memref_slice %arg11[%dma_wait3A, %dma_wait3A_475] : memref<32x128xf32, #tpu.memory_space<vmem>> -> memref<32x128xf32, #tpu.memory_space<vmem>>
      %dma_wait3A_477 = arith.constant 0 : i32
      %dma_wait3A_478 = tpu.memref_slice %arg4[%add3A_419, %dma_wait3A_477] : memref<20480x128xf32, #tpu.memory_space<hbm>> -> memref<32x128xf32, #tpu.memory_space<hbm>>
      %dma_wait3A_479 = arith.constant 0 : i32
      %dma_wait3A_480 = tpu.memref_slice %arg4[%add3A_419, %dma_wait3A_479] : memref<20480x128xf32, #tpu.memory_space<hbm>> -> memref<32x128xf32, #tpu.memory_space<hbm>>
      %dma_wait3A_481 = arith.constant 0 : i32
      %dma_wait3A_482 = arith.constant 0 : i32
      %dma_wait3A_483 = tpu.memref_slice %arg11[%dma_wait3A_481, %dma_wait3A_482] : memref<32x128xf32, #tpu.memory_space<vmem>> -> memref<32x128xf32, #tpu.memory_space<vmem>>
      tpu.wait_dma2 semaphore(%run_scoped3A_464 : memref<!tpu.dma_semaphore, #tpu.memory_space<semaphore_mem>>) src(%dma_wait3A_483 : memref<32x128xf32, #tpu.memory_space<vmem>>) dst(%dma_wait3A_480 : memref<32x128xf32, #tpu.memory_space<hbm>>)
      tpu.yield
    }) : () -> ()
    %mul3A_420 = arith.constant 640 : i32
    %mul3A_421 = arith.muli %arg1, %mul3A_420 : i32
    %add3A_422 = arith.constant 512 : i32
    %add3A_423 = arith.addi %mul3A_421, %add3A_422 : i32
    "tpu.region"() ({
      %run_scoped3A_464 = tpu.sem_alloc : memref<!tpu.dma_semaphore, #tpu.memory_space<semaphore_mem>>
      %dma_start3A_465 = arith.constant 0 : i32
      %dma_start3A_466 = arith.constant 0 : i32
      %dma_start3A_467 = tpu.memref_slice %arg11[%dma_start3A_465, %dma_start3A_466] : memref<32x128xf32, #tpu.memory_space<vmem>> -> memref<32x128xf32, #tpu.memory_space<vmem>>
      %dma_start3A_468 = arith.constant 0 : i32
      %dma_start3A_469 = tpu.memref_slice %arg14[%add3A_423, %dma_start3A_468] : memref<10240x128xf32, #tpu.memory_space<vmem_shared>> -> memref<32x128xf32, #tpu.memory_space<vmem_shared>>
      %dma_start3A_470 = arith.constant 0 : i32
      %dma_start3A_471 = arith.constant 0 : i32
      %dma_start3A_472 = tpu.memref_slice %arg11[%dma_start3A_470, %dma_start3A_471] : memref<32x128xf32, #tpu.memory_space<vmem>> -> memref<32x128xf32, #tpu.memory_space<vmem>>
      %dma_start3A_473 = arith.constant 0 : i32
      %dma_start3A_474 = tpu.memref_slice %arg14[%add3A_423, %dma_start3A_473] : memref<10240x128xf32, #tpu.memory_space<vmem_shared>> -> memref<32x128xf32, #tpu.memory_space<vmem_shared>>
      tpu.enqueue_dma source(%dma_start3A_474 : memref<32x128xf32, #tpu.memory_space<vmem_shared>>) target(%dma_start3A_472 : memref<32x128xf32, #tpu.memory_space<vmem>>) target_semaphore(%run_scoped3A_464 : memref<!tpu.dma_semaphore, #tpu.memory_space<semaphore_mem>>)
      %dma_wait3A = arith.constant 0 : i32
      %dma_wait3A_475 = arith.constant 0 : i32
      %dma_wait3A_476 = tpu.memref_slice %arg11[%dma_wait3A, %dma_wait3A_475] : memref<32x128xf32, #tpu.memory_space<vmem>> -> memref<32x128xf32, #tpu.memory_space<vmem>>
      %dma_wait3A_477 = arith.constant 0 : i32
      %dma_wait3A_478 = tpu.memref_slice %arg14[%add3A_423, %dma_wait3A_477] : memref<10240x128xf32, #tpu.memory_space<vmem_shared>> -> memref<32x128xf32, #tpu.memory_space<vmem_shared>>
      %dma_wait3A_479 = arith.constant 0 : i32
      %dma_wait3A_480 = arith.constant 0 : i32
      %dma_wait3A_481 = tpu.memref_slice %arg11[%dma_wait3A_479, %dma_wait3A_480] : memref<32x128xf32, #tpu.memory_space<vmem>> -> memref<32x128xf32, #tpu.memory_space<vmem>>
      %dma_wait3A_482 = arith.constant 0 : i32
      %dma_wait3A_483 = tpu.memref_slice %arg14[%add3A_423, %dma_wait3A_482] : memref<10240x128xf32, #tpu.memory_space<vmem_shared>> -> memref<32x128xf32, #tpu.memory_space<vmem_shared>>
      tpu.wait_dma2 semaphore(%run_scoped3A_464 : memref<!tpu.dma_semaphore, #tpu.memory_space<semaphore_mem>>) src(%dma_wait3A_483 : memref<32x128xf32, #tpu.memory_space<vmem_shared>>) dst(%dma_wait3A_481 : memref<32x128xf32, #tpu.memory_space<vmem>>)
      tpu.yield
    }) : () -> ()
    %mul3A_424 = arith.constant 10240 : i32
    %mul3A_425 = arith.muli %arg0, %mul3A_424 : i32
    %mul3A_426 = arith.constant 640 : i32
    %mul3A_427 = arith.muli %arg1, %mul3A_426 : i32
    %add3A_428 = arith.addi %mul3A_425, %mul3A_427 : i32
    %add3A_429 = arith.constant 512 : i32
    %add3A_430 = arith.addi %add3A_428, %add3A_429 : i32
    "tpu.region"() ({
      %run_scoped3A_464 = tpu.sem_alloc : memref<!tpu.dma_semaphore, #tpu.memory_space<semaphore_mem>>
      %dma_start3A_465 = arith.constant 0 : i32
      %dma_start3A_466 = arith.constant 0 : i32
      %dma_start3A_467 = tpu.memref_slice %arg11[%dma_start3A_465, %dma_start3A_466] : memref<32x128xf32, #tpu.memory_space<vmem>> -> memref<32x128xf32, #tpu.memory_space<vmem>>
      %dma_start3A_468 = arith.constant 0 : i32
      %dma_start3A_469 = tpu.memref_slice %arg4[%add3A_430, %dma_start3A_468] : memref<20480x128xf32, #tpu.memory_space<hbm>> -> memref<32x128xf32, #tpu.memory_space<hbm>>
      %dma_start3A_470 = arith.constant 0 : i32
      %dma_start3A_471 = tpu.memref_slice %arg4[%add3A_430, %dma_start3A_470] : memref<20480x128xf32, #tpu.memory_space<hbm>> -> memref<32x128xf32, #tpu.memory_space<hbm>>
      %dma_start3A_472 = arith.constant 0 : i32
      %dma_start3A_473 = arith.constant 0 : i32
      %dma_start3A_474 = tpu.memref_slice %arg11[%dma_start3A_472, %dma_start3A_473] : memref<32x128xf32, #tpu.memory_space<vmem>> -> memref<32x128xf32, #tpu.memory_space<vmem>>
      tpu.enqueue_dma source(%dma_start3A_474 : memref<32x128xf32, #tpu.memory_space<vmem>>) target(%dma_start3A_471 : memref<32x128xf32, #tpu.memory_space<hbm>>) target_semaphore(%run_scoped3A_464 : memref<!tpu.dma_semaphore, #tpu.memory_space<semaphore_mem>>)
      %dma_wait3A = arith.constant 0 : i32
      %dma_wait3A_475 = arith.constant 0 : i32
      %dma_wait3A_476 = tpu.memref_slice %arg11[%dma_wait3A, %dma_wait3A_475] : memref<32x128xf32, #tpu.memory_space<vmem>> -> memref<32x128xf32, #tpu.memory_space<vmem>>
      %dma_wait3A_477 = arith.constant 0 : i32
      %dma_wait3A_478 = tpu.memref_slice %arg4[%add3A_430, %dma_wait3A_477] : memref<20480x128xf32, #tpu.memory_space<hbm>> -> memref<32x128xf32, #tpu.memory_space<hbm>>
      %dma_wait3A_479 = arith.constant 0 : i32
      %dma_wait3A_480 = tpu.memref_slice %arg4[%add3A_430, %dma_wait3A_479] : memref<20480x128xf32, #tpu.memory_space<hbm>> -> memref<32x128xf32, #tpu.memory_space<hbm>>
      %dma_wait3A_481 = arith.constant 0 : i32
      %dma_wait3A_482 = arith.constant 0 : i32
      %dma_wait3A_483 = tpu.memref_slice %arg11[%dma_wait3A_481, %dma_wait3A_482] : memref<32x128xf32, #tpu.memory_space<vmem>> -> memref<32x128xf32, #tpu.memory_space<vmem>>
      tpu.wait_dma2 semaphore(%run_scoped3A_464 : memref<!tpu.dma_semaphore, #tpu.memory_space<semaphore_mem>>) src(%dma_wait3A_483 : memref<32x128xf32, #tpu.memory_space<vmem>>) dst(%dma_wait3A_480 : memref<32x128xf32, #tpu.memory_space<hbm>>)
      tpu.yield
    }) : () -> ()
    %mul3A_431 = arith.constant 640 : i32
    %mul3A_432 = arith.muli %arg1, %mul3A_431 : i32
    %add3A_433 = arith.constant 544 : i32
    %add3A_434 = arith.addi %mul3A_432, %add3A_433 : i32
    "tpu.region"() ({
      %run_scoped3A_464 = tpu.sem_alloc : memref<!tpu.dma_semaphore, #tpu.memory_space<semaphore_mem>>
      %dma_start3A_465 = arith.constant 0 : i32
      %dma_start3A_466 = arith.constant 0 : i32
      %dma_start3A_467 = tpu.memref_slice %arg11[%dma_start3A_465, %dma_start3A_466] : memref<32x128xf32, #tpu.memory_space<vmem>> -> memref<32x128xf32, #tpu.memory_space<vmem>>
      %dma_start3A_468 = arith.constant 0 : i32
      %dma_start3A_469 = tpu.memref_slice %arg14[%add3A_434, %dma_start3A_468] : memref<10240x128xf32, #tpu.memory_space<vmem_shared>> -> memref<32x128xf32, #tpu.memory_space<vmem_shared>>
      %dma_start3A_470 = arith.constant 0 : i32
      %dma_start3A_471 = arith.constant 0 : i32
      %dma_start3A_472 = tpu.memref_slice %arg11[%dma_start3A_470, %dma_start3A_471] : memref<32x128xf32, #tpu.memory_space<vmem>> -> memref<32x128xf32, #tpu.memory_space<vmem>>
      %dma_start3A_473 = arith.constant 0 : i32
      %dma_start3A_474 = tpu.memref_slice %arg14[%add3A_434, %dma_start3A_473] : memref<10240x128xf32, #tpu.memory_space<vmem_shared>> -> memref<32x128xf32, #tpu.memory_space<vmem_shared>>
      tpu.enqueue_dma source(%dma_start3A_474 : memref<32x128xf32, #tpu.memory_space<vmem_shared>>) target(%dma_start3A_472 : memref<32x128xf32, #tpu.memory_space<vmem>>) target_semaphore(%run_scoped3A_464 : memref<!tpu.dma_semaphore, #tpu.memory_space<semaphore_mem>>)
      %dma_wait3A = arith.constant 0 : i32
      %dma_wait3A_475 = arith.constant 0 : i32
      %dma_wait3A_476 = tpu.memref_slice %arg11[%dma_wait3A, %dma_wait3A_475] : memref<32x128xf32, #tpu.memory_space<vmem>> -> memref<32x128xf32, #tpu.memory_space<vmem>>
      %dma_wait3A_477 = arith.constant 0 : i32
      %dma_wait3A_478 = tpu.memref_slice %arg14[%add3A_434, %dma_wait3A_477] : memref<10240x128xf32, #tpu.memory_space<vmem_shared>> -> memref<32x128xf32, #tpu.memory_space<vmem_shared>>
      %dma_wait3A_479 = arith.constant 0 : i32
      %dma_wait3A_480 = arith.constant 0 : i32
      %dma_wait3A_481 = tpu.memref_slice %arg11[%dma_wait3A_479, %dma_wait3A_480] : memref<32x128xf32, #tpu.memory_space<vmem>> -> memref<32x128xf32, #tpu.memory_space<vmem>>
      %dma_wait3A_482 = arith.constant 0 : i32
      %dma_wait3A_483 = tpu.memref_slice %arg14[%add3A_434, %dma_wait3A_482] : memref<10240x128xf32, #tpu.memory_space<vmem_shared>> -> memref<32x128xf32, #tpu.memory_space<vmem_shared>>
      tpu.wait_dma2 semaphore(%run_scoped3A_464 : memref<!tpu.dma_semaphore, #tpu.memory_space<semaphore_mem>>) src(%dma_wait3A_483 : memref<32x128xf32, #tpu.memory_space<vmem_shared>>) dst(%dma_wait3A_481 : memref<32x128xf32, #tpu.memory_space<vmem>>)
      tpu.yield
    }) : () -> ()
    %mul3A_435 = arith.constant 10240 : i32
    %mul3A_436 = arith.muli %arg0, %mul3A_435 : i32
    %mul3A_437 = arith.constant 640 : i32
    %mul3A_438 = arith.muli %arg1, %mul3A_437 : i32
    %add3A_439 = arith.addi %mul3A_436, %mul3A_438 : i32
    %add3A_440 = arith.constant 544 : i32
    %add3A_441 = arith.addi %add3A_439, %add3A_440 : i32
    "tpu.region"() ({
      %run_scoped3A_464 = tpu.sem_alloc : memref<!tpu.dma_semaphore, #tpu.memory_space<semaphore_mem>>
      %dma_start3A_465 = arith.constant 0 : i32
      %dma_start3A_466 = arith.constant 0 : i32
      %dma_start3A_467 = tpu.memref_slice %arg11[%dma_start3A_465, %dma_start3A_466] : memref<32x128xf32, #tpu.memory_space<vmem>> -> memref<32x128xf32, #tpu.memory_space<vmem>>
      %dma_start3A_468 = arith.constant 0 : i32
      %dma_start3A_469 = tpu.memref_slice %arg4[%add3A_441, %dma_start3A_468] : memref<20480x128xf32, #tpu.memory_space<hbm>> -> memref<32x128xf32, #tpu.memory_space<hbm>>
      %dma_start3A_470 = arith.constant 0 : i32
      %dma_start3A_471 = tpu.memref_slice %arg4[%add3A_441, %dma_start3A_470] : memref<20480x128xf32, #tpu.memory_space<hbm>> -> memref<32x128xf32, #tpu.memory_space<hbm>>
      %dma_start3A_472 = arith.constant 0 : i32
      %dma_start3A_473 = arith.constant 0 : i32
      %dma_start3A_474 = tpu.memref_slice %arg11[%dma_start3A_472, %dma_start3A_473] : memref<32x128xf32, #tpu.memory_space<vmem>> -> memref<32x128xf32, #tpu.memory_space<vmem>>
      tpu.enqueue_dma source(%dma_start3A_474 : memref<32x128xf32, #tpu.memory_space<vmem>>) target(%dma_start3A_471 : memref<32x128xf32, #tpu.memory_space<hbm>>) target_semaphore(%run_scoped3A_464 : memref<!tpu.dma_semaphore, #tpu.memory_space<semaphore_mem>>)
      %dma_wait3A = arith.constant 0 : i32
      %dma_wait3A_475 = arith.constant 0 : i32
      %dma_wait3A_476 = tpu.memref_slice %arg11[%dma_wait3A, %dma_wait3A_475] : memref<32x128xf32, #tpu.memory_space<vmem>> -> memref<32x128xf32, #tpu.memory_space<vmem>>
      %dma_wait3A_477 = arith.constant 0 : i32
      %dma_wait3A_478 = tpu.memref_slice %arg4[%add3A_441, %dma_wait3A_477] : memref<20480x128xf32, #tpu.memory_space<hbm>> -> memref<32x128xf32, #tpu.memory_space<hbm>>
      %dma_wait3A_479 = arith.constant 0 : i32
      %dma_wait3A_480 = tpu.memref_slice %arg4[%add3A_441, %dma_wait3A_479] : memref<20480x128xf32, #tpu.memory_space<hbm>> -> memref<32x128xf32, #tpu.memory_space<hbm>>
      %dma_wait3A_481 = arith.constant 0 : i32
      %dma_wait3A_482 = arith.constant 0 : i32
      %dma_wait3A_483 = tpu.memref_slice %arg11[%dma_wait3A_481, %dma_wait3A_482] : memref<32x128xf32, #tpu.memory_space<vmem>> -> memref<32x128xf32, #tpu.memory_space<vmem>>
      tpu.wait_dma2 semaphore(%run_scoped3A_464 : memref<!tpu.dma_semaphore, #tpu.memory_space<semaphore_mem>>) src(%dma_wait3A_483 : memref<32x128xf32, #tpu.memory_space<vmem>>) dst(%dma_wait3A_480 : memref<32x128xf32, #tpu.memory_space<hbm>>)
      tpu.yield
    }) : () -> ()
    %mul3A_442 = arith.constant 640 : i32
    %mul3A_443 = arith.muli %arg1, %mul3A_442 : i32
    %add3A_444 = arith.constant 576 : i32
    %add3A_445 = arith.addi %mul3A_443, %add3A_444 : i32
    "tpu.region"() ({
      %run_scoped3A_464 = tpu.sem_alloc : memref<!tpu.dma_semaphore, #tpu.memory_space<semaphore_mem>>
      %dma_start3A_465 = arith.constant 0 : i32
      %dma_start3A_466 = arith.constant 0 : i32
      %dma_start3A_467 = tpu.memref_slice %arg11[%dma_start3A_465, %dma_start3A_466] : memref<32x128xf32, #tpu.memory_space<vmem>> -> memref<32x128xf32, #tpu.memory_space<vmem>>
      %dma_start3A_468 = arith.constant 0 : i32
      %dma_start3A_469 = tpu.memref_slice %arg14[%add3A_445, %dma_start3A_468] : memref<10240x128xf32, #tpu.memory_space<vmem_shared>> -> memref<32x128xf32, #tpu.memory_space<vmem_shared>>
      %dma_start3A_470 = arith.constant 0 : i32
      %dma_start3A_471 = arith.constant 0 : i32
      %dma_start3A_472 = tpu.memref_slice %arg11[%dma_start3A_470, %dma_start3A_471] : memref<32x128xf32, #tpu.memory_space<vmem>> -> memref<32x128xf32, #tpu.memory_space<vmem>>
      %dma_start3A_473 = arith.constant 0 : i32
      %dma_start3A_474 = tpu.memref_slice %arg14[%add3A_445, %dma_start3A_473] : memref<10240x128xf32, #tpu.memory_space<vmem_shared>> -> memref<32x128xf32, #tpu.memory_space<vmem_shared>>
      tpu.enqueue_dma source(%dma_start3A_474 : memref<32x128xf32, #tpu.memory_space<vmem_shared>>) target(%dma_start3A_472 : memref<32x128xf32, #tpu.memory_space<vmem>>) target_semaphore(%run_scoped3A_464 : memref<!tpu.dma_semaphore, #tpu.memory_space<semaphore_mem>>)
      %dma_wait3A = arith.constant 0 : i32
      %dma_wait3A_475 = arith.constant 0 : i32
      %dma_wait3A_476 = tpu.memref_slice %arg11[%dma_wait3A, %dma_wait3A_475] : memref<32x128xf32, #tpu.memory_space<vmem>> -> memref<32x128xf32, #tpu.memory_space<vmem>>
      %dma_wait3A_477 = arith.constant 0 : i32
      %dma_wait3A_478 = tpu.memref_slice %arg14[%add3A_445, %dma_wait3A_477] : memref<10240x128xf32, #tpu.memory_space<vmem_shared>> -> memref<32x128xf32, #tpu.memory_space<vmem_shared>>
      %dma_wait3A_479 = arith.constant 0 : i32
      %dma_wait3A_480 = arith.constant 0 : i32
      %dma_wait3A_481 = tpu.memref_slice %arg11[%dma_wait3A_479, %dma_wait3A_480] : memref<32x128xf32, #tpu.memory_space<vmem>> -> memref<32x128xf32, #tpu.memory_space<vmem>>
      %dma_wait3A_482 = arith.constant 0 : i32
      %dma_wait3A_483 = tpu.memref_slice %arg14[%add3A_445, %dma_wait3A_482] : memref<10240x128xf32, #tpu.memory_space<vmem_shared>> -> memref<32x128xf32, #tpu.memory_space<vmem_shared>>
      tpu.wait_dma2 semaphore(%run_scoped3A_464 : memref<!tpu.dma_semaphore, #tpu.memory_space<semaphore_mem>>) src(%dma_wait3A_483 : memref<32x128xf32, #tpu.memory_space<vmem_shared>>) dst(%dma_wait3A_481 : memref<32x128xf32, #tpu.memory_space<vmem>>)
      tpu.yield
    }) : () -> ()
    %mul3A_446 = arith.constant 10240 : i32
    %mul3A_447 = arith.muli %arg0, %mul3A_446 : i32
    %mul3A_448 = arith.constant 640 : i32
    %mul3A_449 = arith.muli %arg1, %mul3A_448 : i32
    %add3A_450 = arith.addi %mul3A_447, %mul3A_449 : i32
    %add3A_451 = arith.constant 576 : i32
    %add3A_452 = arith.addi %add3A_450, %add3A_451 : i32
    "tpu.region"() ({
      %run_scoped3A_464 = tpu.sem_alloc : memref<!tpu.dma_semaphore, #tpu.memory_space<semaphore_mem>>
      %dma_start3A_465 = arith.constant 0 : i32
      %dma_start3A_466 = arith.constant 0 : i32
      %dma_start3A_467 = tpu.memref_slice %arg11[%dma_start3A_465, %dma_start3A_466] : memref<32x128xf32, #tpu.memory_space<vmem>> -> memref<32x128xf32, #tpu.memory_space<vmem>>
      %dma_start3A_468 = arith.constant 0 : i32
      %dma_start3A_469 = tpu.memref_slice %arg4[%add3A_452, %dma_start3A_468] : memref<20480x128xf32, #tpu.memory_space<hbm>> -> memref<32x128xf32, #tpu.memory_space<hbm>>
      %dma_start3A_470 = arith.constant 0 : i32
      %dma_start3A_471 = tpu.memref_slice %arg4[%add3A_452, %dma_start3A_470] : memref<20480x128xf32, #tpu.memory_space<hbm>> -> memref<32x128xf32, #tpu.memory_space<hbm>>
      %dma_start3A_472 = arith.constant 0 : i32
      %dma_start3A_473 = arith.constant 0 : i32
      %dma_start3A_474 = tpu.memref_slice %arg11[%dma_start3A_472, %dma_start3A_473] : memref<32x128xf32, #tpu.memory_space<vmem>> -> memref<32x128xf32, #tpu.memory_space<vmem>>
      tpu.enqueue_dma source(%dma_start3A_474 : memref<32x128xf32, #tpu.memory_space<vmem>>) target(%dma_start3A_471 : memref<32x128xf32, #tpu.memory_space<hbm>>) target_semaphore(%run_scoped3A_464 : memref<!tpu.dma_semaphore, #tpu.memory_space<semaphore_mem>>)
      %dma_wait3A = arith.constant 0 : i32
      %dma_wait3A_475 = arith.constant 0 : i32
      %dma_wait3A_476 = tpu.memref_slice %arg11[%dma_wait3A, %dma_wait3A_475] : memref<32x128xf32, #tpu.memory_space<vmem>> -> memref<32x128xf32, #tpu.memory_space<vmem>>
      %dma_wait3A_477 = arith.constant 0 : i32
      %dma_wait3A_478 = tpu.memref_slice %arg4[%add3A_452, %dma_wait3A_477] : memref<20480x128xf32, #tpu.memory_space<hbm>> -> memref<32x128xf32, #tpu.memory_space<hbm>>
      %dma_wait3A_479 = arith.constant 0 : i32
      %dma_wait3A_480 = tpu.memref_slice %arg4[%add3A_452, %dma_wait3A_479] : memref<20480x128xf32, #tpu.memory_space<hbm>> -> memref<32x128xf32, #tpu.memory_space<hbm>>
      %dma_wait3A_481 = arith.constant 0 : i32
      %dma_wait3A_482 = arith.constant 0 : i32
      %dma_wait3A_483 = tpu.memref_slice %arg11[%dma_wait3A_481, %dma_wait3A_482] : memref<32x128xf32, #tpu.memory_space<vmem>> -> memref<32x128xf32, #tpu.memory_space<vmem>>
      tpu.wait_dma2 semaphore(%run_scoped3A_464 : memref<!tpu.dma_semaphore, #tpu.memory_space<semaphore_mem>>) src(%dma_wait3A_483 : memref<32x128xf32, #tpu.memory_space<vmem>>) dst(%dma_wait3A_480 : memref<32x128xf32, #tpu.memory_space<hbm>>)
      tpu.yield
    }) : () -> ()
    %mul3A_453 = arith.constant 640 : i32
    %mul3A_454 = arith.muli %arg1, %mul3A_453 : i32
    %add3A_455 = arith.constant 608 : i32
    %add3A_456 = arith.addi %mul3A_454, %add3A_455 : i32
    "tpu.region"() ({
      %run_scoped3A_464 = tpu.sem_alloc : memref<!tpu.dma_semaphore, #tpu.memory_space<semaphore_mem>>
      %dma_start3A_465 = arith.constant 0 : i32
      %dma_start3A_466 = arith.constant 0 : i32
      %dma_start3A_467 = tpu.memref_slice %arg11[%dma_start3A_465, %dma_start3A_466] : memref<32x128xf32, #tpu.memory_space<vmem>> -> memref<32x128xf32, #tpu.memory_space<vmem>>
      %dma_start3A_468 = arith.constant 0 : i32
      %dma_start3A_469 = tpu.memref_slice %arg14[%add3A_456, %dma_start3A_468] : memref<10240x128xf32, #tpu.memory_space<vmem_shared>> -> memref<32x128xf32, #tpu.memory_space<vmem_shared>>
      %dma_start3A_470 = arith.constant 0 : i32
      %dma_start3A_471 = arith.constant 0 : i32
      %dma_start3A_472 = tpu.memref_slice %arg11[%dma_start3A_470, %dma_start3A_471] : memref<32x128xf32, #tpu.memory_space<vmem>> -> memref<32x128xf32, #tpu.memory_space<vmem>>
      %dma_start3A_473 = arith.constant 0 : i32
      %dma_start3A_474 = tpu.memref_slice %arg14[%add3A_456, %dma_start3A_473] : memref<10240x128xf32, #tpu.memory_space<vmem_shared>> -> memref<32x128xf32, #tpu.memory_space<vmem_shared>>
      tpu.enqueue_dma source(%dma_start3A_474 : memref<32x128xf32, #tpu.memory_space<vmem_shared>>) target(%dma_start3A_472 : memref<32x128xf32, #tpu.memory_space<vmem>>) target_semaphore(%run_scoped3A_464 : memref<!tpu.dma_semaphore, #tpu.memory_space<semaphore_mem>>)
      %dma_wait3A = arith.constant 0 : i32
      %dma_wait3A_475 = arith.constant 0 : i32
      %dma_wait3A_476 = tpu.memref_slice %arg11[%dma_wait3A, %dma_wait3A_475] : memref<32x128xf32, #tpu.memory_space<vmem>> -> memref<32x128xf32, #tpu.memory_space<vmem>>
      %dma_wait3A_477 = arith.constant 0 : i32
      %dma_wait3A_478 = tpu.memref_slice %arg14[%add3A_456, %dma_wait3A_477] : memref<10240x128xf32, #tpu.memory_space<vmem_shared>> -> memref<32x128xf32, #tpu.memory_space<vmem_shared>>
      %dma_wait3A_479 = arith.constant 0 : i32
      %dma_wait3A_480 = arith.constant 0 : i32
      %dma_wait3A_481 = tpu.memref_slice %arg11[%dma_wait3A_479, %dma_wait3A_480] : memref<32x128xf32, #tpu.memory_space<vmem>> -> memref<32x128xf32, #tpu.memory_space<vmem>>
      %dma_wait3A_482 = arith.constant 0 : i32
      %dma_wait3A_483 = tpu.memref_slice %arg14[%add3A_456, %dma_wait3A_482] : memref<10240x128xf32, #tpu.memory_space<vmem_shared>> -> memref<32x128xf32, #tpu.memory_space<vmem_shared>>
      tpu.wait_dma2 semaphore(%run_scoped3A_464 : memref<!tpu.dma_semaphore, #tpu.memory_space<semaphore_mem>>) src(%dma_wait3A_483 : memref<32x128xf32, #tpu.memory_space<vmem_shared>>) dst(%dma_wait3A_481 : memref<32x128xf32, #tpu.memory_space<vmem>>)
      tpu.yield
    }) : () -> ()
    %mul3A_457 = arith.constant 10240 : i32
    %mul3A_458 = arith.muli %arg0, %mul3A_457 : i32
    %mul3A_459 = arith.constant 640 : i32
    %mul3A_460 = arith.muli %arg1, %mul3A_459 : i32
    %add3A_461 = arith.addi %mul3A_458, %mul3A_460 : i32
    %add3A_462 = arith.constant 608 : i32
    %add3A_463 = arith.addi %add3A_461, %add3A_462 : i32
    "tpu.region"() ({
      %run_scoped3A_464 = tpu.sem_alloc : memref<!tpu.dma_semaphore, #tpu.memory_space<semaphore_mem>>
      %dma_start3A_465 = arith.constant 0 : i32
      %dma_start3A_466 = arith.constant 0 : i32
      %dma_start3A_467 = tpu.memref_slice %arg11[%dma_start3A_465, %dma_start3A_466] : memref<32x128xf32, #tpu.memory_space<vmem>> -> memref<32x128xf32, #tpu.memory_space<vmem>>
      %dma_start3A_468 = arith.constant 0 : i32
      %dma_start3A_469 = tpu.memref_slice %arg4[%add3A_463, %dma_start3A_468] : memref<20480x128xf32, #tpu.memory_space<hbm>> -> memref<32x128xf32, #tpu.memory_space<hbm>>
      %dma_start3A_470 = arith.constant 0 : i32
      %dma_start3A_471 = tpu.memref_slice %arg4[%add3A_463, %dma_start3A_470] : memref<20480x128xf32, #tpu.memory_space<hbm>> -> memref<32x128xf32, #tpu.memory_space<hbm>>
      %dma_start3A_472 = arith.constant 0 : i32
      %dma_start3A_473 = arith.constant 0 : i32
      %dma_start3A_474 = tpu.memref_slice %arg11[%dma_start3A_472, %dma_start3A_473] : memref<32x128xf32, #tpu.memory_space<vmem>> -> memref<32x128xf32, #tpu.memory_space<vmem>>
      tpu.enqueue_dma source(%dma_start3A_474 : memref<32x128xf32, #tpu.memory_space<vmem>>) target(%dma_start3A_471 : memref<32x128xf32, #tpu.memory_space<hbm>>) target_semaphore(%run_scoped3A_464 : memref<!tpu.dma_semaphore, #tpu.memory_space<semaphore_mem>>)
      %dma_wait3A = arith.constant 0 : i32
      %dma_wait3A_475 = arith.constant 0 : i32
      %dma_wait3A_476 = tpu.memref_slice %arg11[%dma_wait3A, %dma_wait3A_475] : memref<32x128xf32, #tpu.memory_space<vmem>> -> memref<32x128xf32, #tpu.memory_space<vmem>>
      %dma_wait3A_477 = arith.constant 0 : i32
      %dma_wait3A_478 = tpu.memref_slice %arg4[%add3A_463, %dma_wait3A_477] : memref<20480x128xf32, #tpu.memory_space<hbm>> -> memref<32x128xf32, #tpu.memory_space<hbm>>
      %dma_wait3A_479 = arith.constant 0 : i32
      %dma_wait3A_480 = tpu.memref_slice %arg4[%add3A_463, %dma_wait3A_479] : memref<20480x128xf32, #tpu.memory_space<hbm>> -> memref<32x128xf32, #tpu.memory_space<hbm>>
      %dma_wait3A_481 = arith.constant 0 : i32
      %dma_wait3A_482 = arith.constant 0 : i32
      %dma_wait3A_483 = tpu.memref_slice %arg11[%dma_wait3A_481, %dma_wait3A_482] : memref<32x128xf32, #tpu.memory_space<vmem>> -> memref<32x128xf32, #tpu.memory_space<vmem>>
      tpu.wait_dma2 semaphore(%run_scoped3A_464 : memref<!tpu.dma_semaphore, #tpu.memory_space<semaphore_mem>>) src(%dma_wait3A_483 : memref<32x128xf32, #tpu.memory_space<vmem>>) dst(%dma_wait3A_480 : memref<32x128xf32, #tpu.memory_space<hbm>>)
      tpu.yield
    }) : () -> ()
    return
  }
}

module attributes {stable_mosaic.version = 14 : i64} {
  func.func @body(%arg0: i32, %arg1: memref<128x128xf32, #tpu.memory_space<vmem>>, %arg2: memref<128x128xf32, #tpu.memory_space<vmem>>, %arg3: memref<128x128xf32, #tpu.memory_space<vmem>>, %arg4: memref<128x256xf32, #tpu.memory_space<vmem>>, %arg5: memref<256x256xf32, #tpu.memory_space<vmem>>, %arg6: memref<256x256xf32, #tpu.memory_space<vmem>>, %arg7: memref<256x256xf32, #tpu.memory_space<vmem>>, %arg8: memref<1x256xf32, #tpu.memory_space<vmem>>, %arg9: memref<1x256xf32, #tpu.memory_space<vmem>>, %arg10: memref<128x256xf32, #tpu.memory_space<vmem>>) attributes {dimension_semantics = [#tpu.dimension_semantics<arbitrary>], iteration_bounds = array<i64: 79>, scalar_prefetch = 0 : i64, scratch_operands = 0 : i64, tpu.core_type = #tpu.core_type<tc>, window_params = [{transform_indices = @transform_0, window_bounds = array<i64: 128, 128>}, {transform_indices = @transform_1, window_bounds = array<i64: 128, 128>}, {transform_indices = @transform_2, window_bounds = array<i64: 128, 128>}, {transform_indices = @transform_3, window_bounds = array<i64: 128, 256>}, {pipeline_mode = #tpu.pipeline_mode<synchronous>, transform_indices = @transform_4, window_bounds = array<i64: 256, 256>}, {pipeline_mode = #tpu.pipeline_mode<synchronous>, transform_indices = @transform_5, window_bounds = array<i64: 256, 256>}, {pipeline_mode = #tpu.pipeline_mode<synchronous>, transform_indices = @transform_6, window_bounds = array<i64: 256, 256>}, {pipeline_mode = #tpu.pipeline_mode<synchronous>, transform_indices = @transform_7, window_bounds = array<i64: 1, 256>}, {pipeline_mode = #tpu.pipeline_mode<synchronous>, transform_indices = @transform_8, window_bounds = array<i64: 1, 256>}, {transform_indices = @transform_9, window_bounds = array<i64: 128, 256>}]} {
    %iota3A = tpu.iota {dimensions = array<i32: 0>} : vector<128x1xi32>
    %eq3A = vector.broadcast %arg0 : i32 to vector<128x1xi32>
    %eq3A_0 = arith.cmpi eq, %iota3A, %eq3A : vector<128x1xi32>
    %convert_element_type3A = arith.extui %eq3A_0 : vector<128x1xi1> to vector<128x1xi32>
    %convert_element_type3A_1 = arith.sitofp %convert_element_type3A : vector<128x1xi32> to vector<128x1xf32>
    %get3A = arith.constant 0 : index
    %get3A_2 = arith.constant 0 : index
    %get3A_3 = vector.load %arg3[%get3A, %get3A_2] : memref<128x128xf32, #tpu.memory_space<vmem>>, vector<128x128xf32>
    %dot_general3A = arith.constant dense<0.000000e+00> : vector<128x1xf32>
    %dot_general3A_4 = tpu.matmul %get3A_3, %convert_element_type3A_1, %dot_general3A {dimension_numbers = #tpu.dot_dimension_numbers<[1], [0], [0], [1], [0, 0, 1, 1], [], []>, transpose_lhs_hint = false} : vector<128x128xf32>, vector<128x1xf32>, vector<128x1xf32> -> vector<128x1xf32>
    %max3A = arith.constant 1.000000e+00 : f32
    %max3A_5 = vector.broadcast %max3A : f32 to vector<128x1xf32>
    %max3A_6 = arith.maximumf %dot_general3A_4, %max3A_5 : vector<128x1xf32>
    %div3A = arith.constant 1.000000e+00 : f32
    %div3A_7 = vector.broadcast %div3A : f32 to vector<128x1xf32>
    %div3A_8 = arith.divf %div3A_7, %max3A_6 : vector<128x1xf32>
    %get3A_9 = arith.constant 0 : index
    %get3A_10 = arith.constant 0 : index
    %get3A_11 = vector.load %arg1[%get3A_9, %get3A_10] : memref<128x128xf32, #tpu.memory_space<vmem>>, vector<128x128xf32>
    %mul3A = vector.broadcast %div3A_8 : vector<128x1xf32> to vector<128x128xf32>
    %mul3A_12 = arith.mulf %get3A_11, %mul3A : vector<128x128xf32>
    %get3A_13 = arith.constant 0 : index
    %get3A_14 = arith.constant 0 : index
    %get3A_15 = vector.load %arg2[%get3A_13, %get3A_14] : memref<128x128xf32, #tpu.memory_space<vmem>>, vector<128x128xf32>
    %mul3A_16 = vector.broadcast %div3A_8 : vector<128x1xf32> to vector<128x128xf32>
    %mul3A_17 = arith.mulf %get3A_15, %mul3A_16 : vector<128x128xf32>
    %get3A_18 = arith.constant 0 : index
    %get3A_19 = arith.constant 0 : index
    %get3A_20 = vector.load %arg5[%get3A_18, %get3A_19] : memref<256x256xf32, #tpu.memory_space<vmem>>, vector<128x256xf32>
    %dot_general3A_21 = arith.constant dense<0.000000e+00> : vector<128x256xf32>
    %dot_general3A_22 = tpu.matmul %mul3A_12, %get3A_20, %dot_general3A_21 {dimension_numbers = #tpu.dot_dimension_numbers<[1], [0], [0], [1], [0, 0, 1, 1], [], []>, transpose_lhs_hint = false} : vector<128x128xf32>, vector<128x256xf32>, vector<128x256xf32> -> vector<128x256xf32>
    %get3A_23 = arith.constant 128 : index
    %get3A_24 = arith.constant 0 : index
    %get3A_25 = vector.load %arg5[%get3A_23, %get3A_24] : memref<256x256xf32, #tpu.memory_space<vmem>>, vector<128x256xf32>
    %dot_general3A_26 = arith.constant dense<0.000000e+00> : vector<128x256xf32>
    %dot_general3A_27 = tpu.matmul %mul3A_17, %get3A_25, %dot_general3A_26 {dimension_numbers = #tpu.dot_dimension_numbers<[1], [0], [0], [1], [0, 0, 1, 1], [], []>, transpose_lhs_hint = false} : vector<128x128xf32>, vector<128x256xf32>, vector<128x256xf32> -> vector<128x256xf32>
    %add3A = arith.addf %dot_general3A_22, %dot_general3A_27 : vector<128x256xf32>
    %get3A_28 = arith.constant 0 : index
    %get3A_29 = arith.constant 0 : index
    %get3A_30 = vector.load %arg4[%get3A_28, %get3A_29] : memref<128x256xf32, #tpu.memory_space<vmem>>, vector<128x256xf32>
    %get3A_31 = arith.constant 0 : index
    %get3A_32 = arith.constant 0 : index
    %get3A_33 = vector.load %arg6[%get3A_31, %get3A_32] : memref<256x256xf32, #tpu.memory_space<vmem>>, vector<256x256xf32>
    %dot_general3A_34 = arith.constant dense<0.000000e+00> : vector<128x256xf32>
    %dot_general3A_35 = tpu.matmul %get3A_30, %get3A_33, %dot_general3A_34 {dimension_numbers = #tpu.dot_dimension_numbers<[1], [0], [0], [1], [0, 0, 1, 1], [], []>, transpose_lhs_hint = false} : vector<128x256xf32>, vector<256x256xf32>, vector<128x256xf32> -> vector<128x256xf32>
    %add3A_36 = arith.addf %add3A, %dot_general3A_35 : vector<128x256xf32>
    %get3A_37 = arith.constant 0 : index
    %get3A_38 = arith.constant 0 : index
    %get3A_39 = vector.load %arg8[%get3A_37, %get3A_38] : memref<1x256xf32, #tpu.memory_space<vmem>>, vector<1x256xf32>
    %add3A_40 = vector.broadcast %get3A_39 : vector<1x256xf32> to vector<128x256xf32>
    %add3A_41 = arith.addf %add3A_36, %add3A_40 : vector<128x256xf32>
    %mul3A_42 = arith.constant 5.000000e-01 : f32
    %mul3A_43 = vector.broadcast %mul3A_42 : f32 to vector<128x256xf32>
    %mul3A_44 = arith.mulf %mul3A_43, %add3A_41 : vector<128x256xf32>
    %mul3A_45 = arith.constant 0.707106769 : f32
    %mul3A_46 = vector.broadcast %mul3A_45 : f32 to vector<128x256xf32>
    %mul3A_47 = arith.mulf %add3A_41, %mul3A_46 : vector<128x256xf32>
    %erf3A = math.erf %mul3A_47 : vector<128x256xf32>
    %add3A_48 = arith.constant 1.000000e+00 : f32
    %add3A_49 = vector.broadcast %add3A_48 : f32 to vector<128x256xf32>
    %add3A_50 = arith.addf %add3A_49, %erf3A : vector<128x256xf32>
    %mul3A_51 = arith.mulf %mul3A_44, %add3A_50 : vector<128x256xf32>
    %get3A_52 = arith.constant 0 : index
    %get3A_53 = arith.constant 0 : index
    %get3A_54 = vector.load %arg7[%get3A_52, %get3A_53] : memref<256x256xf32, #tpu.memory_space<vmem>>, vector<256x256xf32>
    %dot_general3A_55 = arith.constant dense<0.000000e+00> : vector<128x256xf32>
    %dot_general3A_56 = tpu.matmul %mul3A_51, %get3A_54, %dot_general3A_55 {dimension_numbers = #tpu.dot_dimension_numbers<[1], [0], [0], [1], [0, 0, 1, 1], [], []>, transpose_lhs_hint = false} : vector<128x256xf32>, vector<256x256xf32>, vector<128x256xf32> -> vector<128x256xf32>
    %get3A_57 = arith.constant 0 : index
    %get3A_58 = arith.constant 0 : index
    %get3A_59 = vector.load %arg9[%get3A_57, %get3A_58] : memref<1x256xf32, #tpu.memory_space<vmem>>, vector<1x256xf32>
    %add3A_60 = vector.broadcast %get3A_59 : vector<1x256xf32> to vector<128x256xf32>
    %add3A_61 = arith.addf %dot_general3A_56, %add3A_60 : vector<128x256xf32>
    %mul3A_62 = arith.constant 5.000000e-01 : f32
    %mul3A_63 = vector.broadcast %mul3A_62 : f32 to vector<128x256xf32>
    %mul3A_64 = arith.mulf %mul3A_63, %add3A_61 : vector<128x256xf32>
    %mul3A_65 = arith.constant 0.707106769 : f32
    %mul3A_66 = vector.broadcast %mul3A_65 : f32 to vector<128x256xf32>
    %mul3A_67 = arith.mulf %add3A_61, %mul3A_66 : vector<128x256xf32>
    %erf3A_68 = math.erf %mul3A_67 : vector<128x256xf32>
    %add3A_69 = arith.constant 1.000000e+00 : f32
    %add3A_70 = vector.broadcast %add3A_69 : f32 to vector<128x256xf32>
    %add3A_71 = arith.addf %add3A_70, %erf3A_68 : vector<128x256xf32>
    %mul3A_72 = arith.mulf %mul3A_64, %add3A_71 : vector<128x256xf32>
    %swap3A = arith.constant 0 : index
    %swap3A_73 = arith.constant 0 : index
    %swap3A_74 = vector.load %arg10[%swap3A, %swap3A_73] : memref<128x256xf32, #tpu.memory_space<vmem>>, vector<128x256xf32>
    tpu.vector_store %arg10[%swap3A, %swap3A_73], %mul3A_72 {strides = array<i32>} : memref<128x256xf32, #tpu.memory_space<vmem>>, vector<128x256xf32>,
    return
  }
  func.func @transform_0(%arg0: i32) -> (i32, i32) {
    %c0_i32 = arith.constant 0 : i32
    %c0_i32_0 = arith.constant 0 : i32
    return %arg0, %c0_i32 : i32, i32
  }
  func.func @transform_1(%arg0: i32) -> (i32, i32) {
    %add3A = arith.constant 80 : i32
    %add3A_0 = arith.addi %arg0, %add3A : i32
    %c0_i32 = arith.constant 0 : i32
    %c0_i32_1 = arith.constant 0 : i32
    return %add3A_0, %c0_i32 : i32, i32
  }
  func.func @transform_2(%arg0: i32) -> (i32, i32) {
    %c79_i32 = arith.constant 79 : i32
    %c0_i32 = arith.constant 0 : i32
    %c0_i32_0 = arith.constant 0 : i32
    return %c79_i32, %c0_i32 : i32, i32
  }
  func.func @transform_3(%arg0: i32) -> (i32, i32) {
    %c0_i32 = arith.constant 0 : i32
    %c0_i32_0 = arith.constant 0 : i32
    return %arg0, %c0_i32 : i32, i32
  }
  func.func @transform_4(%arg0: i32) -> (i32, i32) {
    %c0_i32 = arith.constant 0 : i32
    %c0_i32_0 = arith.constant 0 : i32
    %c0_i32_1 = arith.constant 0 : i32
    return %c0_i32, %c0_i32_0 : i32, i32
  }
  func.func @transform_5(%arg0: i32) -> (i32, i32) {
    %c0_i32 = arith.constant 0 : i32
    %c0_i32_0 = arith.constant 0 : i32
    %c0_i32_1 = arith.constant 0 : i32
    return %c0_i32, %c0_i32_0 : i32, i32
  }
  func.func @transform_6(%arg0: i32) -> (i32, i32) {
    %c0_i32 = arith.constant 0 : i32
    %c0_i32_0 = arith.constant 0 : i32
    %c0_i32_1 = arith.constant 0 : i32
    return %c0_i32, %c0_i32_0 : i32, i32
  }
  func.func @transform_7(%arg0: i32) -> (i32, i32) {
    %c0_i32 = arith.constant 0 : i32
    %c0_i32_0 = arith.constant 0 : i32
    %c0_i32_1 = arith.constant 0 : i32
    return %c0_i32, %c0_i32_0 : i32, i32
  }
  func.func @transform_8(%arg0: i32) -> (i32, i32) {
    %c0_i32 = arith.constant 0 : i32
    %c0_i32_0 = arith.constant 0 : i32
    %c0_i32_1 = arith.constant 0 : i32
    return %c0_i32, %c0_i32_0 : i32, i32
  }
  func.func @transform_9(%arg0: i32) -> (i32, i32) {
    %c0_i32 = arith.constant 0 : i32
    %c0_i32_0 = arith.constant 0 : i32
    return %arg0, %c0_i32 : i32, i32
  }
}

</mosaic_0001>

<sc_bundles>
// kernel: kernel.4.cloned.1.call-start
scs
__scs_entry_jumppad:
0x0: {  	(pc) =	sbr.rel $0x88, $3  }
0x1: {  	(tag) =	ssettag $0x0;
	lr =	simm.s32 $0x1  }
0x2: {  	[smem:$0x3F9A] =	sst lr;
	_ =	strace $0xD0000000  }
0x3: {  	_ = 	snop  }
0x4: {  	_ = 	snop  }
0x5: {  	_ = 	snop  }
0x6: {  	_ = 	snop  }
0x7: {  	_ = 	snop  }
__scs_overlays_trampoline_lowered:
0x8: {  	[smem:$0x3FA9] =	sst s0  }
0x9: {  	[smem:$0x3FAA] =	sst s1  }
0xa: {  	[smem:$0x3FAB] =	sst s2  }
0xb: {  	[smem:$0x3FAC] =	sst s3  }
0xc: {  	[smem:$0x3FAD] =	sst s4  }
0xd: {  	[smem:$0x3FAE] =	sst s5  }
0xe: {  	[smem:$0x3FAF] =	sst s6  }
0xf: {  	[smem:$0x3FB0] =	sst s7  }
0x10: {  	[smem:$0x3FB1] =	sst s8  }
0x11: {  	[smem:$0x3FB2] =	sst s9;
	s0 =	simm.s32 @!p0 $0x0  }
0x12: {  	s1 =	sld [smem:$0x3F98];
	s0 =	simm.s32 @p0 $0x1  }
0x13: {  	[smem:$0x3FB3] =	sst s0;
	s0 =	simm.s32 @!p1 $0x0  }
0x14: {  	s2 =	sld [smem:$0x3F97];
	s0 =	simm.s32 @p1 $0x1  }
0x15: {  	[smem:$0x3FB4] =	sst s0;
	s0 =	simm.s32 @!p2 $0x0  }
0x16: {  	s3 =	sld [smem:$0x3FDB];
	s0 =	simm.s32 @p2 $0x1  }
0x17: {  	s4 =	simm.s32 $0x1BF5;
	[smem:$0x3FB6] =	sst s0  }
0x18: {  	s0 =	sld [smem:$0x3F99];
	_ =	swait.ge [sflag:s4], $0x0  }
0x19: {  	s7 =	sld [smem:$0x3F9A]  }
0x1a: {  	s8 =	sadd.s32 $0xFFFFE003, lr  }
0x1b: {  	s9 =	sadd.s32 $0xFFFFFEF7, lr;
	s5 =	simm.s32 $0xFFFFFFFF;
	p2 =	slt.u32 s8, $0xFFFFF086  }
0x1c: {  	p1 =	slt.u32 s9, $0xF7A;
	s5 =	simm.s32 @!p2 $0x0  }
0x1d: {  	s5 =	simm.s32 @p1 $0x1;
	p0 =	seq.s32 s7, s2  }
0x1e: {  	s7 =	smul.u32 @!p0 $0xF7A, s2;
	p2 =	seq.s32 @!p0 s5, $0x0  }
0x1f: {  	s9 =	smul.u32 $0xF7A, s1;
	s8 =	simm.s32 @!p0 $0x1BF5;
	p2 =	por !p2, p0  }
0x20: {  	[sflag:s8] =	ssyncset.s32 @!p0 $0xFFFFF086;
	s6 =	sadd.s32 @!p0 s3, s7;
	s7 =	simm.s32 @!p0 $0x108  }
0x21: {  	s3 =	sadd.s32 s3, s9;
	s6 =	sadd.s32 @!p0 $0x88, s6;
	s7 =	simm.s32 @p2 $0x1082  }
0x22: {  	[simem:s7], [sflag:s8] =	dma.local @!p0 [hbm:s6], $0xF7A  }
0x23: {  	s9 =	sor.u32 $0xD0000000, s2;
	s6 =	simm.s32 $0x108;
	_ =	swait.ge @!p0 [sflag:s8], $0x0  }
0x24: {  	s3 =	sadd.s32 $0x88, s3;
	s6 =	simm.s32 @!p1 $0x1082;
	[sflag:s4] =	ssyncset.s32 $0xFFFFF086  }
0x25: {  	[simem:s6], [sflag:s4] =	dma.local [hbm:s3], $0xF7A  }
0x26: {  	[smem:$0x3F9A] =	sst s1;
	(tag) =	ssettag s2;
	_ =	strace s9  }
0x27: {  	s1 =	sld [smem:$0x3FAA]  }
0x28: {  	s2 =	sld [smem:$0x3FAB]  }
0x29: {  	s4 =	sld [smem:$0x3FAD]  }
0x2a: {  	p0 =	seq.s32 s5, $0x0;
	s5 =	sld [smem:$0x3FAE]  }
0x2b: {  	s6 =	sld [smem:$0x3FAF]  }
0x2c: {  	s7 =	sld [smem:$0x3FB0]  }
0x2d: {  	s3 =	simm.s32 $0x108;
	s8 =	sld [smem:$0x3FB1]  }
0x2e: {  	s3 =	simm.s32 @!p0 $0x1082;
	s9 =	sld [smem:$0x3FB2]  }
0x2f: {  	lr =	sadd.s32 s0, s3;
	s0 =	sld [smem:$0x3FA9]  }
0x30: {  	s3 =	sld [smem:$0x3FAC]  }
0x31: {  	[smem:$0x3FB5] =	sst s10  }
0x32: {  	s10 =	sld [smem:$0x3FB3];
	_ =	sdelay $0x3  }
0x33: {  	p0 =	seq.s32 s10, $0x1;
	s10 =	sld [smem:$0x3FB5];
	_ =	sdelay $0x3  }
0x34: {  	[smem:$0x3FB5] =	sst s10  }
0x35: {  	s10 =	sld [smem:$0x3FB4];
	_ =	sdelay $0x3  }
0x36: {  	p1 =	seq.s32 s10, $0x1;
	s10 =	sld [smem:$0x3FB5];
	_ =	sdelay $0x3  }
0x37: {  	[smem:$0x3FB5] =	sst s10  }
0x38: {  	s10 =	sld [smem:$0x3FB6]  }
0x39: {  	_ = 	snop;
	(pc) =	sbr.ind lr, $3  }
0x3a: {  	_ = 	snop  }
0x3b: {  	_ = 	snop  }
0x3c: {  	p2 =	seq.s32 s10, $0x1;
	s10 =	sld [smem:$0x3FB5]  }
0x3d: {  	_ =	shalt  }
0x3e: {  	_ =	shalt  }
0x3f: {  	_ =	shalt  }
0x40: {  	_ =	shalt  }
0x41: {  	_ =	shalt  }
0x42: {  	_ =	shalt  }
0x43: {  	_ =	shalt  }
0x44: {  	_ =	shalt  }
0x45: {  	_ =	shalt  }
0x46: {  	_ =	shalt  }
0x47: {  	_ =	shalt  }
0x48: {  	_ =	shalt  }
0x49: {  	_ =	shalt  }
0x4a: {  	_ =	shalt  }
0x4b: {  	_ =	shalt  }
0x4c: {  	_ =	shalt  }
0x4d: {  	_ =	shalt  }
0x4e: {  	_ =	shalt  }
0x4f: {  	_ =	shalt  }
0x50: {  	_ =	shalt  }
0x51: {  	_ =	shalt  }
0x52: {  	_ =	shalt  }
0x53: {  	_ =	shalt  }
0x54: {  	_ =	shalt  }
0x55: {  	_ =	shalt  }
0x56: {  	_ =	shalt  }
0x57: {  	_ =	shalt  }
0x58: {  	_ =	shalt  }
0x59: {  	_ =	shalt  }
0x5a: {  	_ =	shalt  }
0x5b: {  	_ =	shalt  }
0x5c: {  	_ =	shalt  }
0x5d: {  	_ =	shalt  }
0x5e: {  	_ =	shalt  }
0x5f: {  	_ =	shalt  }
0x60: {  	_ =	shalt  }
0x61: {  	_ =	shalt  }
0x62: {  	_ =	shalt  }
0x63: {  	_ =	shalt  }
0x64: {  	_ =	shalt  }
0x65: {  	_ =	shalt  }
0x66: {  	_ =	shalt  }
0x67: {  	_ =	shalt  }
0x68: {  	_ =	shalt  }
0x69: {  	_ =	shalt  }
0x6a: {  	_ =	shalt  }
0x6b: {  	_ =	shalt  }
0x6c: {  	_ =	shalt  }
0x6d: {  	_ =	shalt  }
0x6e: {  	_ =	shalt  }
0x6f: {  	_ =	shalt  }
0x70: {  	_ =	shalt  }
0x71: {  	_ =	shalt  }
0x72: {  	_ =	shalt  }
0x73: {  	_ =	shalt  }
0x74: {  	_ =	shalt  }
0x75: {  	_ =	shalt  }
0x76: {  	_ =	shalt  }
0x77: {  	_ =	shalt  }
0x78: {  	_ =	shalt  }
0x79: {  	_ =	shalt  }
0x7a: {  	_ =	shalt  }
0x7b: {  	_ =	shalt  }
0x7c: {  	_ =	shalt  }
0x7d: {  	_ =	shalt  }
0x7e: {  	_ =	shalt  }
0x7f: {  	_ =	shalt  }
0x80: {  	_ =	shalt  }
0x81: {  	_ =	shalt  }
0x82: {  	_ =	shalt  }
0x83: {  	_ =	shalt  }
0x84: {  	_ =	shalt  }
0x85: {  	_ =	shalt  }
0x86: {  	_ =	shalt  }
0x87: {  	_ =	shalt  }
.Lfunc_end0:
.L_simem_size_0:
called_computation_lowered:
.L_overlay_start_0:
0x88: {  	s2 =	sld [smem:$0x3FD9]  }
0x89: {  	s3 =	sld [smem:$0x3FFE];
	_ =	sdelay $0x1  }
0x8a: {  	s1 =	srdreg.scid  }
0x8b: {  	s0 =	sand.u32 $0x1, s1  }
0x8c: {  	s17 =	sshll.u32 s0, $0xA;
	s2 =	sadd.s32 s3, s2  }
0x8d: {  	s2 =	sadd.s32 s2, s17  }
0x8e: {  	[smem:$0x3FC1] =	sst s2  }
0x8f: {  	_ = 	snop  }
0x90: {  	s2 =	sld [smem:$0x3FD0];
	(tm) =	ssettm $0x1  }
0x91: {  	s18 =	sld [smem:$0x3FFB];
	_ =	sdelay $0x3  }
0x92: {  	_ =	strace s18  }
0x93: {  	s3 =	sld [smem:$0x3FFC];
	_ =	sdelay $0x3  }
0x94: {  	_ =	strace s3  }
0x95: {  	s3 =	sld [smem:$0x3FFD];
	_ =	sdelay $0x3  }
0x96: {  	_ =	strace s3  }
0x97: {  	_ =	strace $0x8FFFFFFF  }
0x98: {  	s19 =	sld [smem:$0x3FDB];
	_ =	sdelay $0x1  }
0x99: {  	s4 =	simm.s32 $_scs_section_size  }
0x9a: {  	s5 =	simm.s32 $_size__tile_overlayer_lowered;
	s6 =	simm.s32 $_tile_overlayer_lowered  }
0x9b: {  	s22 =	simm.s32 $0x1BFF;
	s21 =	sshll.u32 s6, $0x1;
	s3 =	sadd.s32 s4, s19  }
0x9c: {  	s7 =	simm.s32 $0x0;
	s20 =	sshll.u32 s5, $0x1;
	s5 =	sadd.s32 s21, s3  }
0x9d: {  	[timem:s7], [sflag:s22] =	dma.local [hbm:s5], s20  }
0x9e: {  	_ =	swait.ge [sflag:s22], s20  }
0x9f: {  	s4 =	ssub.s32 $0x0, s20;
	[sflag:s22] =	ssyncset.done $0x0  }
0xa0: {  	[sflag:s22] =	ssyncadd.s32 s4;
	_ =	sdelay $0x1  }
0xa1: {  	s23 =	simm.s32 $0x1B8B  }
0xa2: {  	_ =	swait.ge [sflag:s23], $0x1  }
0xa3: {  	[sflag:s23] =	ssyncset.done $0x0  }
0xa4: {  	s25 =	simm.s32 $0x1B8E;
	s24 =	sld [smem:$0x3FFE];
	[sflag:s23] =	ssyncadd.s32 $0xFFFFFFFF  }
0xa5: {  	s26 =	simm.s32 $execute0_lowered;
	[smem:$0x3FD2] =	sst s25  }
0xa6: {  	s5 =	sshll.u32 s26, $0x1;
	_ =	strace $0x80000046;
	[dreg:$0x1] =	wrdreg $0xFFFFFFFF  }
0xa7: {  	s28 =	simm.s32 $_size_execute0_lowered;
	s3 =	sadd.s32 s3, s5;
	[dreg:$0x0] =	wrdreg $0x0  }
0xa8: {  	s5 =	sshll.u32 s28, $0x1;
	[dreg:$0x2] =	wrdreg s3  }
0xa9: {  	[dreg:$0x3] =	wrdreg s5  }
0xaa: {  	[dreg:$0x4] =	wrdreg $0xC0  }
0xab: {  	_ =	task [dreg:s7], $0x5FFFF  }
0xac: {  	[dreg:$0x1] =	wrdreg $0xFFFFFFFF  }
0xad: {  	[dreg:$0x0] =	wrdreg $0x60  }
0xae: {  	[dreg:$0x2] =	wrdreg s24  }
0xaf: {  	[dreg:$0x3] =	wrdreg s2  }
0xb0: {  	[dreg:$0x4] =	wrdreg $0x63000  }
0xb1: {  	[dreg:$0x5] =	wrdreg $0x9  }
0xb2: {  	_ =	task.clear_ibuf [dreg:s7], $0x6FFFF;
	_ =	strace $0x90000046  }
0xb3: {  	s29 =	simm.s32 $0x9;
	_ =	strace $0x80000048  }
0xb4: {  	_ =	swait.ge [sflag:s29], $0x1  }
0xb5: {  	[sflag:s29] =	ssyncadd.s32 $0xFFFFFFFF  }
0xb6: {  	_ =	strace $0x90000048  }
0xb7: {  	_ =	sfence  }
0xb8: {  	s30 =	sld [smem:$0x0];
	_ =	sdelay $0x2  }
0xb9: {  	s31 =	sshll.u32 s1, $0xD;
	s1 =	sshrl.u32 s1, $0x2  }
0xba: {  	s3 =	sand.u32 $0x4000, s31;
	s1 =	sadd.s32 s1, s30  }
0xbb: {  	s0 =	sor.u32 s3, s0;
	s1 =	sshll.u32 s1, $0x11  }
0xbc: {  	s0 =	sor.u32 s1, s0  }
0xbd: {  	s0 =	sadd.s32 $0x8F2B, s0  }
0xbe: {  	[sflag:s0] =	ssyncadd.remote.s32 $0x1  }
0xbf: {  	_ =	sfence.sel $0xFFFF  }
0xc0: {  	[dreg:$0x0] =	wrdreg $0xFFFFFFFF;
	(pc) =	sbr.abs _section_cstart, $3  }
0xc1: {  	[dreg:$0x1] =	wrdreg $0xFFFFFFFF  }
0xc2: {  	_ =	task.clear_ibuf [dreg:s7], $0x2FFFF;
	_ =	strace $0x9FFFFFFF  }
0xc3: {  	(tm) =	ssettm $0x7FFFFFFF  }
tec
execute0_lowered:
.L_overlay_start_1:
0x0: {  	(tag) =	ssettag $0x1  }
0x1: {  	s1 =	srdreg.scid;
	s10 =	stileid.u32  }
0x2: {  	s1 =	sand.u32 $0x1, s1;
	s5 =	smul.u32 $0x280, s10  }
0x3: {  	s6 =	smul.u32 $0x2800, s1  }
0x4: {  	s0 =	rddreg [dreg:$0x0]  }
0x5: {  	s2 =	rddreg [dreg:$0x1];
	s5 =	sadd.s32 s5, s6  }
0x6: {  	s3 =	rddreg [dreg:$0x2];
	s8 =	sshll.u32 s5, $0x4  }
0x7: {  	s4 =	simm.s32 $0x0;
	s6 =	sadd.s32 $0x1C00, s0;
	s0 =	sadd.s32 s8, s0  }
0x8: {  	[smem:$0x7FF] =	sst s4;
	s13 =	sadd.s32 $0x15C00, s0  }
0x9: {  	_ =	strace $0x80000047;
	s14 =	sadd.s32 $0x15E00, s0;
	[dreg:$0x5] =	wrdreg s13  }
0xa: {  	s15 =	sadd.s32 $0x16000, s0;
	[dreg:$0x6] =	wrdreg s14  }
0xb: {  	s16 =	sadd.s32 $0x16200, s0;
	[dreg:$0x7] =	wrdreg s15  }
0xc: {  	s17 =	sadd.s32 $0x16400, s0;
	[dreg:$0x8] =	wrdreg s16  }
0xd: {  	s18 =	sadd.s32 $0x16600, s0;
	[dreg:$0x9] =	wrdreg s17  }
0xe: {  	s19 =	sadd.s32 $0x16800, s0;
	[dreg:$0xa] =	wrdreg s18  }
0xf: {  	s20 =	sadd.s32 $0x16A00, s0;
	[dreg:$0xb] =	wrdreg s19  }
0x10: {  	s21 =	sadd.s32 $0x16C00, s0;
	[dreg:$0xc] =	wrdreg s20  }
0x11: {  	s22 =	sadd.s32 $0x16E00, s0;
	[dreg:$0xd] =	wrdreg s21  }
0x12: {  	s9 =	ssub.s32 $0x2, s1;
	s23 =	sadd.s32 $0x17000, s0;
	[dreg:$0xe] =	wrdreg s22  }
0x13: {  	s11 =	sshrl.u32 s9, $0x1;
	s24 =	sadd.s32 $0x17200, s0;
	[dreg:$0xf] =	wrdreg s23  }
0x14: {  	s5 =	smul.u32 $0xA000, s10;
	s25 =	sadd.s32 $0x17400, s0;
	[dreg:$0x10] =	wrdreg s24  }
0x15: {  	s8 =	ssub.s32 s9, s11;
	s26 =	sadd.s32 $0x17600, s0;
	[dreg:$0x11] =	wrdreg s25  }
0x16: {  	s12 =	sshrl.u32 s5, $0x3;
	s11 =	sadd.s32 $0x17800, s0;
	[dreg:$0x12] =	wrdreg s26  }
0x17: {  	s9 =	sadd.s32 s6, s12;
	[dreg:$0x13] =	wrdreg s11;
	s12 =	sadd.s32 $0x17A00, s0  }
0x18: {  	s13 =	sadd.s32 $0x17C00, s0;
	[dreg:$0x14] =	wrdreg s12  }
0x19: {  	s7 =	smul.u32 $0x50000, s10;
	s14 =	sadd.s32 $0x17E00, s0;
	[dreg:$0x15] =	wrdreg s13  }
0x1a: {  	s15 =	sadd.s32 $0x18000, s0;
	[dreg:$0x16] =	wrdreg s14  }
0x1b: {  	s7 =	sshrl.u32 s7, $0x2;
	s0 =	sadd.s32 $0x18200, s0;
	[dreg:$0x17] =	wrdreg s15  }
0x1c: {  	s7 =	sadd.s32 s7, s3;
	s16 =	smax.u32 s8, $0x1;
	[dreg:$0x18] =	wrdreg s0  }
0x1d: {  	s28 =	simm.s32 $0x2300;
	s17 =	sadd.s32 $0x2000, s7;
	[dreg:$0x19] =	wrdreg s16  }
0x1e: {  	s29 =	simm.s32 $0x20;
	s18 =	sadd.s32 $0x3000, s7;
	[dreg:$0x1a] =	wrdreg s17  }
0x1f: {  	s30 =	simm.s32 $0x80;
	s19 =	sadd.s32 $0x4000, s7;
	[dreg:$0x1b] =	wrdreg s18  }
0x20: {  	s1 =	smul.u32 $0x2710, s1;
	s20 =	sadd.s32 $0x5000, s7;
	[dreg:$0x1c] =	wrdreg s19  }
0x21: {  	s31 =	simm.s32 $0x1300;
	s21 =	sadd.s32 $0x6000, s7;
	[dreg:$0x1d] =	wrdreg s20  }
0x22: {  	v0 =	vmov s1;
	s1 =	simm.s32 $0x1;
	s22 =	sadd.s32 $0x7000, s7;
	[dreg:$0x1e] =	wrdreg s21  }
0x23: {  	s10 =	simm.s32 $0x180;
	s23 =	sadd.s32 $0x8000, s7;
	[dreg:$0x1f] =	wrdreg s22  }
0x24: {  	s24 =	sadd.s32 $0x9000, s7;
	s25 =	sadd.s32 $0xA000, s7;
	[smem:$0x7FA] =	sst s23  }
0x25: {  	s8 =	simm.s32 $0x300;
	s11 =	simm.s32 $0x0;
	[smem:$0x7FB] =	sst s24  }
0x26: {  	s14 =	sadd.s32 $0x1000, s7;
	[smem:$0x7FC] =	sst s25;
	s16 =	sadd.s32 $0xB000, s7  }
0x27: {  	s17 =	sadd.s32 $0xC000, s7;
	s18 =	sadd.s32 $0xD000, s7;
	s19 =	sadd.s32 $0xE000, s7  }
0x28: {  	v9 =	vlaneseq.u32;
	s20 =	sadd.s32 $0xF000, s7;
	s21 =	sadd.s32 $0x10000, s7;
	s22 =	sadd.s32 $0x11000, s7  }
0x29: {  	v1 =	vimm.f32 $0.0e+00;
	v2 =	vor.u32 $0x2780, v9;
	v3 =	vor.u32 $0x2790, v9;
	s23 =	sadd.s32 $0x12000, s7;
	s24 =	sadd.s32 $0x13000, s7;
	[dreg:$0x4] =	wrdreg s9  }
0x2a: {  	v4 =	vor.u32 $0x27A0, v9;
	v5 =	vor.u32 $0x27B0, v9;
	v6 =	vor.u32 $0x27C0, v9;
	s26 =	sadd.s32 $0x10, s9;
	s25 =	simm.s32 $0x100;
	s0 =	simm.s32 $0x2  }
0x2b: {  	v7 =	vor.u32 $0x27D0, v9;
	v8 =	vor.u32 $0x27E0, v9;
	v9 =	vor.u32 $0x27F0, v9;
	s9 =	simm.s32 $0x200;
	[smem:$0x7FD] =	sst s26;
	s26 =	simm.s32 $0x3  }
.LBB2_1:
0x2c: {  	s12 =	simm.s32 $0x0;
	s13 =	simm.s32 $0x200  }
.LBB2_2:
0x2d: {  	p0 =	sne.s32 s13, $0xFE00;
	[tilespmem:s12+$0x2370] =	vst v1  }
0x2e: {  	[tilespmem:s12+$0x2300] =	vst v1  }
0x2f: {  	[tilespmem:s12+$0x2310] =	vst v1  }
.Ltmp0:
0x30: {  	[tilespmem:s12+$0x2320] =	vst v1;
	(pc) =	sbr.rel @p0 .LBB2_2-.Ltmp0, $4  }
0x31: {  	[tilespmem:s12+$0x2330] =	vst v1  }
0x32: {  	[tilespmem:s12+$0x2340] =	vst v1  }
0x33: {  	[tilespmem:s12+$0x2350] =	vst v1  }
0x34: {  	[tilespmem:s12+$0x2360] =	vst v1;
	s12 =	sshra.s32 s13, $0x2;
	s13 =	sadd.s32 $0x200, s13  }
0x35: {  	[tilespmem:s12+$0x2370] =	vst v1  }
0x36: {  	[tilespmem:s12+$0x2300] =	vst v1  }
0x37: {  	[tilespmem:s12+$0x2310] =	vst v1  }
0x38: {  	[tilespmem:s12+$0x2320] =	vst v1  }
0x39: {  	[tilespmem:s12+$0x2330] =	vst v1  }
0x3a: {  	[tilespmem:s12+$0x2340] =	vst v1  }
0x3b: {  	[tilespmem:s12+$0x2350] =	vst v1  }
0x3c: {  	[tilespmem:s12+$0x2360] =	vst v1;
	s12 =	simm.s32 $0x0;
	s13 =	simm.s32 $0x200  }
.LBB2_4:
0x3d: {  	p0 =	sne.s32 s13, $0x3E00;
	[tilespmem:s12+$0x370] =	vst v1  }
0x3e: {  	[tilespmem:s12+$0x300] =	vst v1  }
0x3f: {  	[tilespmem:s12+$0x310] =	vst v1  }
.Ltmp1:
0x40: {  	[tilespmem:s12+$0x320] =	vst v1;
	(pc) =	sbr.rel @p0 .LBB2_4-.Ltmp1, $4  }
0x41: {  	[tilespmem:s12+$0x330] =	vst v1  }
0x42: {  	[tilespmem:s12+$0x340] =	vst v1  }
0x43: {  	[tilespmem:s12+$0x350] =	vst v1  }
0x44: {  	[tilespmem:s12+$0x360] =	vst v1;
	s12 =	sshra.s32 s13, $0x2;
	s13 =	sadd.s32 $0x200, s13  }
0x45: {  	[tilespmem:s12+$0x370] =	vst v1  }
0x46: {  	[tilespmem:s12+$0x300] =	vst v1  }
0x47: {  	[tilespmem:s12+$0x310] =	vst v1  }
0x48: {  	[tilespmem:s12+$0x320] =	vst v1  }
0x49: {  	[tilespmem:s12+$0x330] =	vst v1  }
0x4a: {  	[tilespmem:s12+$0x340] =	vst v1  }
0x4b: {  	[tilespmem:s12+$0x350] =	vst v1  }
0x4c: {  	[tilespmem:s12+$0x360] =	vst v1  }
0x4d: {  	[tilespmem:$0x280] =	vst v2  }
0x4e: {  	[tilespmem:$0x290] =	vst v3  }
0x4f: {  	[tilespmem:$0x2A0] =	vst v4  }
0x50: {  	[tilespmem:$0x2B0] =	vst v5  }
0x51: {  	[tilespmem:$0x2C0] =	vst v6  }
0x52: {  	[tilespmem:$0x2D0] =	vst v7  }
0x53: {  	[tilespmem:$0x2E0] =	vst v8  }
0x54: {  	[tilespmem:$0x2F0] =	vst v9  }
0x55: {  	[spmem:s7] =	stream.linear.scatter [tilespmem:s8], [sflag:$0x3], $0x1000, $0x38;
	[tilespmem:$0x1A300] =	vst v63  }
0x56: {  	_ =	swait.ge [sflag:s26], $0x1000  }
0x57: {  	[sflag:s26] =	ssyncset.done $0x0  }
0x58: {  	[sflag:s26] =	ssyncadd.s32 $0xFFFFF000  }
0x59: {  	[spmem:s14] =	stream.linear.scatter [tilespmem:s8], [sflag:$0x3], $0x1000, $0x38;
	[tilespmem:$0x1A300] =	vst v63  }
0x5a: {  	_ =	swait.ge [sflag:s26], $0x1000  }
0x5b: {  	[sflag:s26] =	ssyncset.done $0x0  }
0x5c: {  	s15 =	smov.u32 s14;
	s14 =	rddreg [dreg:$0x1a];
	[sflag:s26] =	ssyncadd.s32 $0xFFFFF000  }
0x5d: {  	[spmem:s14] =	stream.linear.scatter [tilespmem:s8], [sflag:$0x3], $0x1000, $0x38;
	[tilespmem:$0x1A300] =	vst v63  }
0x5e: {  	_ =	swait.ge [sflag:s26], $0x1000  }
0x5f: {  	[sflag:s26] =	ssyncset.done $0x0  }
0x60: {  	s13 =	rddreg [dreg:$0x1b];
	[sflag:s26] =	ssyncadd.s32 $0xFFFFF000  }
0x61: {  	[spmem:s13] =	stream.linear.scatter [tilespmem:s8], [sflag:$0x3], $0x1000, $0x38;
	[tilespmem:$0x1A300] =	vst v63  }
0x62: {  	_ =	swait.ge [sflag:s26], $0x1000  }
0x63: {  	[sflag:s26] =	ssyncset.done $0x0  }
0x64: {  	s14 =	rddreg [dreg:$0x1c];
	[sflag:s26] =	ssyncadd.s32 $0xFFFFF000  }
0x65: {  	[spmem:s14] =	stream.linear.scatter [tilespmem:s8], [sflag:$0x3], $0x1000, $0x38;
	[tilespmem:$0x1A300] =	vst v63  }
0x66: {  	_ =	swait.ge [sflag:s26], $0x1000  }
0x67: {  	[sflag:s26] =	ssyncset.done $0x0  }
0x68: {  	s13 =	rddreg [dreg:$0x1d];
	[sflag:s26] =	ssyncadd.s32 $0xFFFFF000  }
0x69: {  	[spmem:s13] =	stream.linear.scatter [tilespmem:s8], [sflag:$0x3], $0x1000, $0x38;
	[tilespmem:$0x1A300] =	vst v63  }
0x6a: {  	_ =	swait.ge [sflag:s26], $0x1000  }
0x6b: {  	[sflag:s26] =	ssyncset.done $0x0  }
0x6c: {  	s14 =	rddreg [dreg:$0x1e];
	[sflag:s26] =	ssyncadd.s32 $0xFFFFF000  }
0x6d: {  	[spmem:s14] =	stream.linear.scatter [tilespmem:s8], [sflag:$0x3], $0x1000, $0x38;
	[tilespmem:$0x1A300] =	vst v63  }
0x6e: {  	_ =	swait.ge [sflag:s26], $0x1000  }
0x6f: {  	[sflag:s26] =	ssyncset.done $0x0  }
0x70: {  	s13 =	rddreg [dreg:$0x1f];
	[sflag:s26] =	ssyncadd.s32 $0xFFFFF000  }
0x71: {  	[spmem:s13] =	stream.linear.scatter [tilespmem:s8], [sflag:$0x3], $0x1000, $0x38;
	[tilespmem:$0x1A300] =	vst v63  }
0x72: {  	_ =	swait.ge [sflag:s26], $0x1000  }
0x73: {  	s14 =	sld [smem:$0x7FA]  }
0x74: {  	[sflag:s26] =	ssyncset.done $0x0  }
0x75: {  	[sflag:s26] =	ssyncadd.s32 $0xFFFFF000  }
0x76: {  	[spmem:s14] =	stream.linear.scatter [tilespmem:s8], [sflag:$0x3], $0x1000, $0x38;
	[tilespmem:$0x1A300] =	vst v63  }
0x77: {  	_ =	swait.ge [sflag:s26], $0x1000  }
0x78: {  	s13 =	sld [smem:$0x7FB]  }
0x79: {  	[sflag:s26] =	ssyncset.done $0x0  }
0x7a: {  	[sflag:s26] =	ssyncadd.s32 $0xFFFFF000  }
0x7b: {  	[spmem:s13] =	stream.linear.scatter [tilespmem:s8], [sflag:$0x3], $0x1000, $0x38;
	[tilespmem:$0x1A300] =	vst v63  }
0x7c: {  	_ =	swait.ge [sflag:s26], $0x1000  }
0x7d: {  	s14 =	sld [smem:$0x7FC]  }
0x7e: {  	[sflag:s26] =	ssyncset.done $0x0  }
0x7f: {  	[sflag:s26] =	ssyncadd.s32 $0xFFFFF000  }
0x80: {  	[spmem:s14] =	stream.linear.scatter [tilespmem:s8], [sflag:$0x3], $0x1000, $0x38;
	[tilespmem:$0x1A300] =	vst v63  }
0x81: {  	_ =	swait.ge [sflag:s26], $0x1000  }
0x82: {  	[sflag:s26] =	ssyncset.done $0x0  }
0x83: {  	[sflag:s26] =	ssyncadd.s32 $0xFFFFF000  }
0x84: {  	[spmem:s16] =	stream.linear.scatter [tilespmem:s8], [sflag:$0x3], $0x1000, $0x38;
	[tilespmem:$0x1A300] =	vst v63  }
0x85: {  	_ =	swait.ge [sflag:s26], $0x1000  }
0x86: {  	[sflag:s26] =	ssyncset.done $0x0  }
0x87: {  	[sflag:s26] =	ssyncadd.s32 $0xFFFFF000  }
0x88: {  	[spmem:s17] =	stream.linear.scatter [tilespmem:s8], [sflag:$0x3], $0x1000, $0x38;
	[tilespmem:$0x1A300] =	vst v63  }
0x89: {  	_ =	swait.ge [sflag:s26], $0x1000  }
0x8a: {  	[sflag:s26] =	ssyncset.done $0x0  }
0x8b: {  	[sflag:s26] =	ssyncadd.s32 $0xFFFFF000  }
0x8c: {  	[spmem:s18] =	stream.linear.scatter [tilespmem:s8], [sflag:$0x3], $0x1000, $0x38;
	[tilespmem:$0x1A300] =	vst v63  }
0x8d: {  	_ =	swait.ge [sflag:s26], $0x1000  }
0x8e: {  	[sflag:s26] =	ssyncset.done $0x0  }
0x8f: {  	[sflag:s26] =	ssyncadd.s32 $0xFFFFF000  }
0x90: {  	[spmem:s19] =	stream.linear.scatter [tilespmem:s8], [sflag:$0x3], $0x1000, $0x38;
	[tilespmem:$0x1A300] =	vst v63  }
0x91: {  	_ =	swait.ge [sflag:s26], $0x1000  }
0x92: {  	[sflag:s26] =	ssyncset.done $0x0  }
0x93: {  	[sflag:s26] =	ssyncadd.s32 $0xFFFFF000  }
0x94: {  	[spmem:s20] =	stream.linear.scatter [tilespmem:s8], [sflag:$0x3], $0x1000, $0x38;
	[tilespmem:$0x1A300] =	vst v63  }
0x95: {  	_ =	swait.ge [sflag:s26], $0x1000  }
0x96: {  	[sflag:s26] =	ssyncset.done $0x0  }
0x97: {  	[sflag:s26] =	ssyncadd.s32 $0xFFFFF000  }
0x98: {  	[spmem:s21] =	stream.linear.scatter [tilespmem:s8], [sflag:$0x3], $0x1000, $0x38;
	[tilespmem:$0x1A300] =	vst v63  }
0x99: {  	_ =	swait.ge [sflag:s26], $0x1000  }
0x9a: {  	[sflag:s26] =	ssyncset.done $0x0  }
0x9b: {  	[sflag:s26] =	ssyncadd.s32 $0xFFFFF000  }
0x9c: {  	[spmem:s22] =	stream.linear.scatter [tilespmem:s8], [sflag:$0x3], $0x1000, $0x38;
	[tilespmem:$0x1A300] =	vst v63  }
0x9d: {  	_ =	swait.ge [sflag:s26], $0x1000  }
0x9e: {  	[sflag:s26] =	ssyncset.done $0x0  }
0x9f: {  	[sflag:s26] =	ssyncadd.s32 $0xFFFFF000  }
0xa0: {  	[spmem:s23] =	stream.linear.scatter [tilespmem:s8], [sflag:$0x3], $0x1000, $0x38;
	[tilespmem:$0x1A300] =	vst v63  }
0xa1: {  	_ =	swait.ge [sflag:s26], $0x1000  }
0xa2: {  	[sflag:s26] =	ssyncset.done $0x0  }
0xa3: {  	[sflag:s26] =	ssyncadd.s32 $0xFFFFF000  }
0xa4: {  	[spmem:s24] =	stream.linear.scatter [tilespmem:s8], [sflag:$0x3], $0x1000, $0x38;
	[tilespmem:$0x1A300] =	vst v63  }
0xa5: {  	_ =	swait.ge [sflag:s26], $0x1000  }
0xa6: {  	[sflag:s26] =	ssyncset.done $0x0  }
0xa7: {  	[sflag:s26] =	ssyncadd.s32 $0xFFFFF000  }
0xa8: {  	[bflag:$0x0] =	sbarrier.arrive $0xFFFF  }
0xa9: {  	s13 =	rddreg [dreg:$0x4]  }
0xaa: {  	[tilespmem:s4], [sflag:$0x3] =	stream.linear.gather [hbm4b:s13+s4], $0x80, $0x38;
	[tilespmem:$0x1A300] =	vst v63  }
0xab: {  	_ =	swait.ge [sflag:s26], $0x80  }
0xac: {  	[sflag:s26] =	ssyncset.done $0x0  }
0xad: {  	[sflag:s26] =	ssyncadd.s32 $0xFFFFFF80  }
0xae: {  	v10 =	vld [tilespmem:$0x0];
	_ =	sdelay $0x4  }
0xaf: {  	v11 =	vand.u32 $0x3FFF, v10  }
0xb0: {  	(xrf1) =	vunique.msk.u32 $0xffff, v11;
	_ =	sdelay $0xc  }
0xb1: {  	v12 =	vshll.u32 v10, $0x7  }
0xb2: {  	v14 =	vshrl.u32 v11, $0x7;
	v12 =	vand.u32 $0x3F80, v12;
	_, v13, vm0 =	vpop (xrf1)  }
0xb3: {  	v12 =	vor.u32 v14, v12  }
0xb4: {  	v10 =	vshrl.u32 v10, $0xE  }
0xb5: {  	v10 =	vadd.s32 v0, v10  }
0xb6: {  	[tilespmem:$0x80] =	vst v10;
	v10 =	vcvt.s32.f32 v13  }
0xb7: {  	[tilespmem:$0x180] =	vst v11  }
0xb8: {  	[tilespmem:v12+s28+$0x0] =	vst.idx.add.f32.msk vm0, v10  }
0xb9: {  	v10 =	vld [tilespmem:$0x10];
	_ =	sdelay $0x4  }
0xba: {  	v11 =	vand.u32 $0x3FFF, v10  }
0xbb: {  	(xrf1) =	vunique.msk.u32 $0xffff, v11;
	_ =	sdelay $0xc  }
0xbc: {  	v55 =	vshll.u32 v10, $0x7  }
0xbd: {  	v57 =	vshrl.u32 v11, $0x7;
	v12 =	vand.u32 $0x3F80, v55;
	_, v56, vm13 =	vpop (xrf1)  }
0xbe: {  	v12 =	vor.u32 v57, v12  }
0xbf: {  	v10 =	vshrl.u32 v10, $0xE  }
0xc0: {  	v10 =	vadd.s32 v0, v10  }
0xc1: {  	[tilespmem:$0x90] =	vst v10;
	v10 =	vcvt.s32.f32 v56  }
0xc2: {  	[tilespmem:$0x190] =	vst v11  }
0xc3: {  	s14 =	sld [smem:$0x7FD];
	[tilespmem:v12+s28+$0x0] =	vst.idx.add.f32.msk vm13, v10  }
0xc4: {  	[tilespmem:s8], [sflag:$0x1] =	stream.indirect.gather [hbm4b:s2+s29], $0x80, s30, s29, $0xb8;
	[tilespmem:$0x1A300] =	vst v63  }
0xc5: {  	_ = 	snop  }
0xc6: {  	[tilespmem:s4], [sflag:$0x3] =	stream.linear.gather [hbm4b:s14+s4], $0x80, $0x38;
	[tilespmem:$0x1A300] =	vst v63  }
0xc7: {  	_ =	swait.ge [sflag:s26], $0x80  }
0xc8: {  	[sflag:s26] =	ssyncset.done $0x0  }
0xc9: {  	[sflag:s26] =	ssyncadd.s32 $0xFFFFFF80  }
0xca: {  	v10 =	vld [tilespmem:$0x0];
	_ =	sdelay $0x4  }
0xcb: {  	v11 =	vand.u32 $0x3FFF, v10  }
0xcc: {  	(xrf1) =	vunique.msk.u32 $0xffff, v11;
	_ =	sdelay $0xc  }
0xcd: {  	v58 =	vshll.u32 v10, $0x7  }
0xce: {  	v60 =	vshrl.u32 v11, $0x7;
	v12 =	vand.u32 $0x3F80, v58;
	_, v59, vm14 =	vpop (xrf1)  }
0xcf: {  	v12 =	vor.u32 v60, v12  }
0xd0: {  	v10 =	vshrl.u32 v10, $0xE  }
0xd1: {  	v10 =	vadd.s32 v0, v10  }
0xd2: {  	[tilespmem:$0x100] =	vst v10;
	v10 =	vcvt.s32.f32 v59  }
0xd3: {  	[tilespmem:$0x200] =	vst v11  }
0xd4: {  	[tilespmem:v12+s28+$0x0] =	vst.idx.add.f32.msk vm14, v10  }
0xd5: {  	v10 =	vld [tilespmem:$0x10];
	_ =	sdelay $0x4  }
0xd6: {  	v11 =	vand.u32 $0x3FFF, v10  }
0xd7: {  	(xrf1) =	vunique.msk.u32 $0xffff, v11;
	_ =	sdelay $0xc  }
0xd8: {  	v61 =	vshll.u32 v10, $0x7  }
0xd9: {  	v63 =	vshrl.u32 v11, $0x7;
	v12 =	vand.u32 $0x3F80, v61;
	_, v62, vm15 =	vpop (xrf1)  }
0xda: {  	v12 =	vor.u32 v63, v12  }
0xdb: {  	v10 =	vshrl.u32 v10, $0xE  }
0xdc: {  	v10 =	vadd.s32 v0, v10  }
0xdd: {  	[tilespmem:$0x110] =	vst v10;
	v10 =	vcvt.s32.f32 v62  }
0xde: {  	[tilespmem:$0x210] =	vst v11  }
0xdf: {  	[tilespmem:v12+s28+$0x0] =	vst.idx.add.f32.msk vm15, v10  }
0xe0: {  	[tilespmem:s31], [sflag:$0x2] =	stream.indirect.gather [hbm4b:s2+s29], $0x80, s25, s29, $0xb8;
	[tilespmem:$0x1A300] =	vst v63  }
0xe1: {  	_ =	swait.ge [sflag:s1], $0x1000  }
0xe2: {  	[sflag:s1] =	ssyncset.done $0x0  }
0xe3: {  	s12 =	simm.s32 $0x180;
	[sflag:s1] =	ssyncadd.s32 $0xFFFFF000  }
0xe4: {  	[spmem:s3] =	stream.indirect.scatter.add.f32 [tilespmem:s8], [sflag:$0x3], $0x80, s12, s29, $0xb8;
	[tilespmem:$0x1A300] =	vst v63  }
0xe5: {  	_ =	swait.ge [sflag:s26], $0x1000  }
0xe6: {  	[sflag:s26] =	ssyncset.done $0x0  }
0xe7: {  	[sflag:s26] =	ssyncadd.s32 $0xFFFFF000  }
.LBB2_6:
0xe8: {  	s13 =	sadd.s32 $0xFFFFFF80, s12  }
0xe9: {  	s14 =	sand.u32 $0x1FC00, s13  }
0xea: {  	s13 =	sand.u32 $0x300, s13;
	s14 =	sadd.s32 s5, s14  }
0xeb: {  	s13 =	sor.u32 s13, s14  }
0xec: {  	s13 =	sshrl.u32 s13, $0x3  }
0xed: {  	s13 =	sadd.s32 s6, s13  }
0xee: {  	[tilespmem:s4], [sflag:$0x3] =	stream.linear.gather [hbm4b:s13+s4], $0x80, $0x38;
	[tilespmem:$0x1A300] =	vst v63  }
0xef: {  	_ =	swait.ge [sflag:s26], $0x80  }
0xf0: {  	[sflag:s26] =	ssyncset.done $0x0  }
0xf1: {  	[sflag:s26] =	ssyncadd.s32 $0xFFFFFF80  }
0xf2: {  	v10 =	vld [tilespmem:$0x0];
	_ =	sdelay $0x4  }
0xf3: {  	v11 =	vand.u32 $0x3FFF, v10  }
0xf4: {  	(xrf1) =	vunique.msk.u32 $0xffff, v11;
	_ =	sdelay $0xc  }
0xf5: {  	v12 =	vshll.u32 v10, $0x7  }
0xf6: {  	v14 =	vshrl.u32 v11, $0x7;
	v12 =	vand.u32 $0x3F80, v12;
	_, v13, vm0 =	vpop (xrf1)  }
0xf7: {  	v12 =	vor.u32 v14, v12  }
0xf8: {  	v10 =	vshrl.u32 v10, $0xE  }
0xf9: {  	v10 =	vadd.s32 v0, v10  }
0xfa: {  	[tilespmem:$0x80] =	vst v10;
	v10 =	vcvt.s32.f32 v13  }
0xfb: {  	[tilespmem:$0x180] =	vst v11  }
0xfc: {  	[tilespmem:v12+s28+$0x0] =	vst.idx.add.f32.msk vm0, v10  }
0xfd: {  	v10 =	vld [tilespmem:$0x10];
	_ =	sdelay $0x4  }
0xfe: {  	v11 =	vand.u32 $0x3FFF, v10  }
0xff: {  	(xrf1) =	vunique.msk.u32 $0xffff, v11;
	_ =	sdelay $0xc  }
0x100: {  	v55 =	vshll.u32 v10, $0x7  }
0x101: {  	v57 =	vshrl.u32 v11, $0x7;
	v12 =	vand.u32 $0x3F80, v55;
	_, v56, vm13 =	vpop (xrf1)  }
0x102: {  	v12 =	vor.u32 v57, v12  }
0x103: {  	v10 =	vshrl.u32 v10, $0xE  }
0x104: {  	v10 =	vadd.s32 v0, v10  }
0x105: {  	[tilespmem:$0x90] =	vst v10;
	v10 =	vcvt.s32.f32 v56  }
0x106: {  	[tilespmem:$0x190] =	vst v11  }
0x107: {  	[tilespmem:v12+s28+$0x0] =	vst.idx.add.f32.msk vm13, v10  }
0x108: {  	[tilespmem:s8], [sflag:$0x1] =	stream.indirect.gather [hbm4b:s2+s29], $0x80, s30, s29, $0xb8;
	[tilespmem:$0x1A300] =	vst v63  }
0x109: {  	_ =	swait.ge [sflag:s0], $0x1000  }
0x10a: {  	s14 =	sand.u32 $0x1FC00, s12;
	[sflag:s0] =	ssyncset.done $0x0  }
0x10b: {  	s13 =	sadd.s32 s5, s14;
	s14 =	sand.u32 $0x380, s12;
	[sflag:s0] =	ssyncadd.s32 $0xFFFFF000  }
0x10c: {  	[spmem:s3] =	stream.indirect.scatter.add.f32 [tilespmem:s31], [sflag:$0x3], $0x80, s9, s29, $0xb8;
	[tilespmem:$0x1A300] =	vst v63  }
0x10d: {  	s13 =	sor.u32 s14, s13;
	_ =	swait.ge [sflag:s26], $0x1000  }
0x10e: {  	s13 =	sshrl.u32 s13, $0x3;
	[sflag:s26] =	ssyncset.done $0x0  }
0x10f: {  	s13 =	sadd.s32 s6, s13;
	[sflag:s26] =	ssyncadd.s32 $0xFFFFF000  }
0x110: {  	[tilespmem:s4], [sflag:$0x3] =	stream.linear.gather [hbm4b:s13+s4], $0x80, $0x38;
	[tilespmem:$0x1A300] =	vst v63  }
0x111: {  	_ =	swait.ge [sflag:s26], $0x80  }
0x112: {  	[sflag:s26] =	ssyncset.done $0x0  }
0x113: {  	[sflag:s26] =	ssyncadd.s32 $0xFFFFFF80  }
0x114: {  	v10 =	vld [tilespmem:$0x0];
	_ =	sdelay $0x4  }
0x115: {  	v11 =	vand.u32 $0x3FFF, v10  }
0x116: {  	(xrf1) =	vunique.msk.u32 $0xffff, v11;
	_ =	sdelay $0xc  }
0x117: {  	v58 =	vshll.u32 v10, $0x7  }
0x118: {  	v60 =	vshrl.u32 v11, $0x7;
	v12 =	vand.u32 $0x3F80, v58;
	_, v59, vm14 =	vpop (xrf1)  }
0x119: {  	v12 =	vor.u32 v60, v12  }
0x11a: {  	v10 =	vshrl.u32 v10, $0xE  }
0x11b: {  	v10 =	vadd.s32 v0, v10  }
0x11c: {  	[tilespmem:$0x100] =	vst v10;
	v10 =	vcvt.s32.f32 v59  }
0x11d: {  	[tilespmem:$0x200] =	vst v11  }
0x11e: {  	[tilespmem:v12+s28+$0x0] =	vst.idx.add.f32.msk vm14, v10  }
0x11f: {  	v10 =	vld [tilespmem:$0x10];
	_ =	sdelay $0x4  }
0x120: {  	v11 =	vand.u32 $0x3FFF, v10  }
0x121: {  	(xrf1) =	vunique.msk.u32 $0xffff, v11;
	_ =	sdelay $0xc  }
0x122: {  	v61 =	vshll.u32 v10, $0x7  }
0x123: {  	v63 =	vshrl.u32 v11, $0x7;
	v12 =	vand.u32 $0x3F80, v61;
	_, v62, vm15 =	vpop (xrf1)  }
0x124: {  	v12 =	vor.u32 v63, v12  }
0x125: {  	v10 =	vshrl.u32 v10, $0xE  }
0x126: {  	v10 =	vadd.s32 v0, v10  }
0x127: {  	[tilespmem:$0x110] =	vst v10;
	v10 =	vcvt.s32.f32 v62  }
0x128: {  	[tilespmem:$0x210] =	vst v11  }
0x129: {  	[tilespmem:v12+s28+$0x0] =	vst.idx.add.f32.msk vm15, v10  }
0x12a: {  	[tilespmem:s31], [sflag:$0x2] =	stream.indirect.gather [hbm4b:s2+s29], $0x80, s25, s29, $0xb8;
	[tilespmem:$0x1A300] =	vst v63  }
0x12b: {  	_ =	swait.ge [sflag:s1], $0x1000  }
0x12c: {  	p0 =	sne.s32 s12, $0x9D80;
	[sflag:s1] =	ssyncset.done $0x0  }
.Ltmp2:
0x12d: {  	[sflag:s1] =	ssyncadd.s32 $0xFFFFF000;
	(pc) =	sbr.rel @p0 .LBB2_6-.Ltmp2, $4  }
0x12e: {  	[spmem:s3] =	stream.indirect.scatter.add.f32 [tilespmem:s8], [sflag:$0x3], $0x80, s10, s29, $0xb8;
	[tilespmem:$0x1A300] =	vst v63  }
0x12f: {  	_ =	swait.ge [sflag:s26], $0x1000  }
0x130: {  	[sflag:s26] =	ssyncset.done $0x0  }
0x131: {  	s12 =	sadd.s32 $0x100, s12;
	[sflag:s26] =	ssyncadd.s32 $0xFFFFF000  }
0x132: {  	_ =	swait.ge [sflag:s0], $0x1000  }
0x133: {  	[sflag:s0] =	ssyncset.done $0x0  }
0x134: {  	[sflag:s0] =	ssyncadd.s32 $0xFFFFF000  }
0x135: {  	[spmem:s3] =	stream.indirect.scatter.add.f32 [tilespmem:s31], [sflag:$0x3], $0x80, s9, s29, $0xb8;
	[tilespmem:$0x1A300] =	vst v63  }
0x136: {  	_ =	swait.ge [sflag:s26], $0x1000  }
0x137: {  	[sflag:s26] =	ssyncset.done $0x0  }
0x138: {  	s12 =	simm.s32 $0x280;
	[sflag:s26] =	ssyncadd.s32 $0xFFFFF000  }
0x139: {  	[spmem:s3] =	stream.indirect.scatter.add.f32 [tilespmem:s28], [sflag:$0x3], $0x80, s12, s30, $0xb8;
	[tilespmem:$0x1A300] =	vst v63  }
0x13a: {  	_ =	swait.ge [sflag:s26], $0x4000  }
0x13b: {  	[sflag:s26] =	ssyncset.done $0x0  }
0x13c: {  	[sflag:s26] =	ssyncadd.s32 $0xFFFFC000  }
0x13d: {  	[bflag:$0x0] =	sbarrier.arrive $0xFFFF  }
0x13e: {  	[tilespmem:s8], [sflag:$0x3] =	stream.linear.gather [spmem:s7], $0x1000, $0x38;
	[tilespmem:$0x1A300] =	vst v63  }
0x13f: {  	_ =	swait.ge [sflag:s26], $0x1000  }
0x140: {  	[sflag:s26] =	ssyncset.done $0x0  }
0x141: {  	s14 =	rddreg [dreg:$0x5];
	[sflag:s26] =	ssyncadd.s32 $0xFFFFF000  }
0x142: {  	[hbm4b:s14+s4] =	stream.linear.scatter [tilespmem:s8], [sflag:$0x3], $0x1000, $0x38;
	[tilespmem:$0x1A300] =	vst v63  }
0x143: {  	_ =	swait.ge [sflag:s26], $0x1000  }
0x144: {  	[sflag:s26] =	ssyncset.done $0x0  }
0x145: {  	[sflag:s26] =	ssyncadd.s32 $0xFFFFF000  }
0x146: {  	[tilespmem:s8], [sflag:$0x3] =	stream.linear.gather [spmem:s15], $0x1000, $0x38;
	[tilespmem:$0x1A300] =	vst v63  }
0x147: {  	_ =	swait.ge [sflag:s26], $0x1000  }
0x148: {  	[sflag:s26] =	ssyncset.done $0x0  }
0x149: {  	s14 =	smov.u32 s15;
	s15 =	rddreg [dreg:$0x6];
	[sflag:s26] =	ssyncadd.s32 $0xFFFFF000  }
0x14a: {  	[hbm4b:s15+s4] =	stream.linear.scatter [tilespmem:s8], [sflag:$0x3], $0x1000, $0x38;
	[tilespmem:$0x1A300] =	vst v63  }
0x14b: {  	_ =	swait.ge [sflag:s26], $0x1000  }
0x14c: {  	[sflag:s26] =	ssyncset.done $0x0  }
0x14d: {  	s13 =	rddreg [dreg:$0x1a];
	[sflag:s26] =	ssyncadd.s32 $0xFFFFF000  }
0x14e: {  	[tilespmem:s8], [sflag:$0x3] =	stream.linear.gather [spmem:s13], $0x1000, $0x38;
	[tilespmem:$0x1A300] =	vst v63  }
0x14f: {  	_ =	swait.ge [sflag:s26], $0x1000  }
0x150: {  	[sflag:s26] =	ssyncset.done $0x0  }
0x151: {  	s15 =	rddreg [dreg:$0x7];
	[sflag:s26] =	ssyncadd.s32 $0xFFFFF000  }
0x152: {  	[hbm4b:s15+s4] =	stream.linear.scatter [tilespmem:s8], [sflag:$0x3], $0x1000, $0x38;
	[tilespmem:$0x1A300] =	vst v63  }
0x153: {  	_ =	swait.ge [sflag:s26], $0x1000  }
0x154: {  	[sflag:s26] =	ssyncset.done $0x0  }
0x155: {  	s13 =	rddreg [dreg:$0x1b];
	[sflag:s26] =	ssyncadd.s32 $0xFFFFF000  }
0x156: {  	[tilespmem:s8], [sflag:$0x3] =	stream.linear.gather [spmem:s13], $0x1000, $0x38;
	[tilespmem:$0x1A300] =	vst v63  }
0x157: {  	_ =	swait.ge [sflag:s26], $0x1000  }
0x158: {  	[sflag:s26] =	ssyncset.done $0x0  }
0x159: {  	s15 =	rddreg [dreg:$0x8];
	[sflag:s26] =	ssyncadd.s32 $0xFFFFF000  }
0x15a: {  	[hbm4b:s15+s4] =	stream.linear.scatter [tilespmem:s8], [sflag:$0x3], $0x1000, $0x38;
	[tilespmem:$0x1A300] =	vst v63  }
0x15b: {  	_ =	swait.ge [sflag:s26], $0x1000  }
0x15c: {  	[sflag:s26] =	ssyncset.done $0x0  }
0x15d: {  	s13 =	rddreg [dreg:$0x1c];
	[sflag:s26] =	ssyncadd.s32 $0xFFFFF000  }
0x15e: {  	[tilespmem:s8], [sflag:$0x3] =	stream.linear.gather [spmem:s13], $0x1000, $0x38;
	[tilespmem:$0x1A300] =	vst v63  }
0x15f: {  	_ =	swait.ge [sflag:s26], $0x1000  }
0x160: {  	[sflag:s26] =	ssyncset.done $0x0  }
0x161: {  	s15 =	rddreg [dreg:$0x9];
	[sflag:s26] =	ssyncadd.s32 $0xFFFFF000  }
0x162: {  	[hbm4b:s15+s4] =	stream.linear.scatter [tilespmem:s8], [sflag:$0x3], $0x1000, $0x38;
	[tilespmem:$0x1A300] =	vst v63  }
0x163: {  	_ =	swait.ge [sflag:s26], $0x1000  }
0x164: {  	[sflag:s26] =	ssyncset.done $0x0  }
0x165: {  	s13 =	rddreg [dreg:$0x1d];
	[sflag:s26] =	ssyncadd.s32 $0xFFFFF000  }
0x166: {  	[tilespmem:s8], [sflag:$0x3] =	stream.linear.gather [spmem:s13], $0x1000, $0x38;
	[tilespmem:$0x1A300] =	vst v63  }
0x167: {  	_ =	swait.ge [sflag:s26], $0x1000  }
0x168: {  	[sflag:s26] =	ssyncset.done $0x0  }
0x169: {  	s15 =	rddreg [dreg:$0xa];
	[sflag:s26] =	ssyncadd.s32 $0xFFFFF000  }
0x16a: {  	[hbm4b:s15+s4] =	stream.linear.scatter [tilespmem:s8], [sflag:$0x3], $0x1000, $0x38;
	[tilespmem:$0x1A300] =	vst v63  }
0x16b: {  	_ =	swait.ge [sflag:s26], $0x1000  }
0x16c: {  	[sflag:s26] =	ssyncset.done $0x0  }
0x16d: {  	s13 =	rddreg [dreg:$0x1e];
	[sflag:s26] =	ssyncadd.s32 $0xFFFFF000  }
0x16e: {  	[tilespmem:s8], [sflag:$0x3] =	stream.linear.gather [spmem:s13], $0x1000, $0x38;
	[tilespmem:$0x1A300] =	vst v63  }
0x16f: {  	_ =	swait.ge [sflag:s26], $0x1000  }
0x170: {  	[sflag:s26] =	ssyncset.done $0x0  }
0x171: {  	s15 =	rddreg [dreg:$0xb];
	[sflag:s26] =	ssyncadd.s32 $0xFFFFF000  }
0x172: {  	[hbm4b:s15+s4] =	stream.linear.scatter [tilespmem:s8], [sflag:$0x3], $0x1000, $0x38;
	[tilespmem:$0x1A300] =	vst v63  }
0x173: {  	_ =	swait.ge [sflag:s26], $0x1000  }
0x174: {  	[sflag:s26] =	ssyncset.done $0x0  }
0x175: {  	s13 =	rddreg [dreg:$0x1f];
	[sflag:s26] =	ssyncadd.s32 $0xFFFFF000  }
0x176: {  	[tilespmem:s8], [sflag:$0x3] =	stream.linear.gather [spmem:s13], $0x1000, $0x38;
	[tilespmem:$0x1A300] =	vst v63  }
0x177: {  	_ =	swait.ge [sflag:s26], $0x1000  }
0x178: {  	[sflag:s26] =	ssyncset.done $0x0  }
0x179: {  	s15 =	rddreg [dreg:$0xc];
	[sflag:s26] =	ssyncadd.s32 $0xFFFFF000  }
0x17a: {  	[hbm4b:s15+s4] =	stream.linear.scatter [tilespmem:s8], [sflag:$0x3], $0x1000, $0x38;
	[tilespmem:$0x1A300] =	vst v63  }
0x17b: {  	_ =	swait.ge [sflag:s26], $0x1000  }
0x17c: {  	s13 =	sld [smem:$0x7FA]  }
0x17d: {  	[sflag:s26] =	ssyncset.done $0x0  }
0x17e: {  	[sflag:s26] =	ssyncadd.s32 $0xFFFFF000  }
0x17f: {  	[tilespmem:s8], [sflag:$0x3] =	stream.linear.gather [spmem:s13], $0x1000, $0x38;
	[tilespmem:$0x1A300] =	vst v63  }
0x180: {  	_ =	swait.ge [sflag:s26], $0x1000  }
0x181: {  	[sflag:s26] =	ssyncset.done $0x0  }
0x182: {  	s15 =	rddreg [dreg:$0xd];
	[sflag:s26] =	ssyncadd.s32 $0xFFFFF000  }
0x183: {  	[hbm4b:s15+s4] =	stream.linear.scatter [tilespmem:s8], [sflag:$0x3], $0x1000, $0x38;
	[tilespmem:$0x1A300] =	vst v63  }
0x184: {  	_ =	swait.ge [sflag:s26], $0x1000  }
0x185: {  	s13 =	sld [smem:$0x7FB]  }
0x186: {  	[sflag:s26] =	ssyncset.done $0x0  }
0x187: {  	[sflag:s26] =	ssyncadd.s32 $0xFFFFF000  }
0x188: {  	[tilespmem:s8], [sflag:$0x3] =	stream.linear.gather [spmem:s13], $0x1000, $0x38;
	[tilespmem:$0x1A300] =	vst v63  }
0x189: {  	_ =	swait.ge [sflag:s26], $0x1000  }
0x18a: {  	[sflag:s26] =	ssyncset.done $0x0  }
0x18b: {  	s15 =	rddreg [dreg:$0xe];
	[sflag:s26] =	ssyncadd.s32 $0xFFFFF000  }
0x18c: {  	[hbm4b:s15+s4] =	stream.linear.scatter [tilespmem:s8], [sflag:$0x3], $0x1000, $0x38;
	[tilespmem:$0x1A300] =	vst v63  }
0x18d: {  	_ =	swait.ge [sflag:s26], $0x1000  }
0x18e: {  	s13 =	sld [smem:$0x7FC]  }
0x18f: {  	[sflag:s26] =	ssyncset.done $0x0  }
0x190: {  	[sflag:s26] =	ssyncadd.s32 $0xFFFFF000  }
0x191: {  	[tilespmem:s8], [sflag:$0x3] =	stream.linear.gather [spmem:s13], $0x1000, $0x38;
	[tilespmem:$0x1A300] =	vst v63  }
0x192: {  	_ =	swait.ge [sflag:s26], $0x1000  }
0x193: {  	[sflag:s26] =	ssyncset.done $0x0  }
0x194: {  	s15 =	rddreg [dreg:$0xf];
	[sflag:s26] =	ssyncadd.s32 $0xFFFFF000  }
0x195: {  	[hbm4b:s15+s4] =	stream.linear.scatter [tilespmem:s8], [sflag:$0x3], $0x1000, $0x38;
	[tilespmem:$0x1A300] =	vst v63  }
0x196: {  	_ =	swait.ge [sflag:s26], $0x1000  }
0x197: {  	[sflag:s26] =	ssyncset.done $0x0  }
0x198: {  	[sflag:s26] =	ssyncadd.s32 $0xFFFFF000  }
0x199: {  	[tilespmem:s8], [sflag:$0x3] =	stream.linear.gather [spmem:s16], $0x1000, $0x38;
	[tilespmem:$0x1A300] =	vst v63  }
0x19a: {  	_ =	swait.ge [sflag:s26], $0x1000  }
0x19b: {  	[sflag:s26] =	ssyncset.done $0x0  }
0x19c: {  	s13 =	rddreg [dreg:$0x10];
	[sflag:s26] =	ssyncadd.s32 $0xFFFFF000  }
0x19d: {  	[hbm4b:s13+s4] =	stream.linear.scatter [tilespmem:s8], [sflag:$0x3], $0x1000, $0x38;
	[tilespmem:$0x1A300] =	vst v63  }
0x19e: {  	_ =	swait.ge [sflag:s26], $0x1000  }
0x19f: {  	[sflag:s26] =	ssyncset.done $0x0  }
0x1a0: {  	[sflag:s26] =	ssyncadd.s32 $0xFFFFF000  }
0x1a1: {  	[tilespmem:s8], [sflag:$0x3] =	stream.linear.gather [spmem:s17], $0x1000, $0x38;
	[tilespmem:$0x1A300] =	vst v63  }
0x1a2: {  	_ =	swait.ge [sflag:s26], $0x1000  }
0x1a3: {  	[sflag:s26] =	ssyncset.done $0x0  }
0x1a4: {  	s15 =	rddreg [dreg:$0x11];
	[sflag:s26] =	ssyncadd.s32 $0xFFFFF000  }
0x1a5: {  	[hbm4b:s15+s4] =	stream.linear.scatter [tilespmem:s8], [sflag:$0x3], $0x1000, $0x38;
	[tilespmem:$0x1A300] =	vst v63  }
0x1a6: {  	_ =	swait.ge [sflag:s26], $0x1000  }
0x1a7: {  	[sflag:s26] =	ssyncset.done $0x0  }
0x1a8: {  	[sflag:s26] =	ssyncadd.s32 $0xFFFFF000  }
0x1a9: {  	[tilespmem:s8], [sflag:$0x3] =	stream.linear.gather [spmem:s18], $0x1000, $0x38;
	[tilespmem:$0x1A300] =	vst v63  }
0x1aa: {  	_ =	swait.ge [sflag:s26], $0x1000  }
0x1ab: {  	[sflag:s26] =	ssyncset.done $0x0  }
0x1ac: {  	s13 =	rddreg [dreg:$0x12];
	[sflag:s26] =	ssyncadd.s32 $0xFFFFF000  }
0x1ad: {  	[hbm4b:s13+s4] =	stream.linear.scatter [tilespmem:s8], [sflag:$0x3], $0x1000, $0x38;
	[tilespmem:$0x1A300] =	vst v63  }
0x1ae: {  	_ =	swait.ge [sflag:s26], $0x1000  }
0x1af: {  	[sflag:s26] =	ssyncset.done $0x0  }
0x1b0: {  	[sflag:s26] =	ssyncadd.s32 $0xFFFFF000  }
0x1b1: {  	[tilespmem:s8], [sflag:$0x3] =	stream.linear.gather [spmem:s19], $0x1000, $0x38;
	[tilespmem:$0x1A300] =	vst v63  }
0x1b2: {  	_ =	swait.ge [sflag:s26], $0x1000  }
0x1b3: {  	[sflag:s26] =	ssyncset.done $0x0  }
0x1b4: {  	s15 =	rddreg [dreg:$0x13];
	[sflag:s26] =	ssyncadd.s32 $0xFFFFF000  }
0x1b5: {  	[hbm4b:s15+s4] =	stream.linear.scatter [tilespmem:s8], [sflag:$0x3], $0x1000, $0x38;
	[tilespmem:$0x1A300] =	vst v63  }
0x1b6: {  	_ =	swait.ge [sflag:s26], $0x1000  }
0x1b7: {  	[sflag:s26] =	ssyncset.done $0x0  }
0x1b8: {  	[sflag:s26] =	ssyncadd.s32 $0xFFFFF000  }
0x1b9: {  	[tilespmem:s8], [sflag:$0x3] =	stream.linear.gather [spmem:s20], $0x1000, $0x38;
	[tilespmem:$0x1A300] =	vst v63  }
0x1ba: {  	_ =	swait.ge [sflag:s26], $0x1000  }
0x1bb: {  	[sflag:s26] =	ssyncset.done $0x0  }
0x1bc: {  	s13 =	rddreg [dreg:$0x14];
	[sflag:s26] =	ssyncadd.s32 $0xFFFFF000  }
0x1bd: {  	[hbm4b:s13+s4] =	stream.linear.scatter [tilespmem:s8], [sflag:$0x3], $0x1000, $0x38;
	[tilespmem:$0x1A300] =	vst v63  }
0x1be: {  	_ =	swait.ge [sflag:s26], $0x1000  }
0x1bf: {  	[sflag:s26] =	ssyncset.done $0x0  }
0x1c0: {  	[sflag:s26] =	ssyncadd.s32 $0xFFFFF000  }
0x1c1: {  	[tilespmem:s8], [sflag:$0x3] =	stream.linear.gather [spmem:s21], $0x1000, $0x38;
	[tilespmem:$0x1A300] =	vst v63  }
0x1c2: {  	_ =	swait.ge [sflag:s26], $0x1000  }
0x1c3: {  	[sflag:s26] =	ssyncset.done $0x0  }
0x1c4: {  	s15 =	rddreg [dreg:$0x15];
	[sflag:s26] =	ssyncadd.s32 $0xFFFFF000  }
0x1c5: {  	[hbm4b:s15+s4] =	stream.linear.scatter [tilespmem:s8], [sflag:$0x3], $0x1000, $0x38;
	[tilespmem:$0x1A300] =	vst v63  }
0x1c6: {  	_ =	swait.ge [sflag:s26], $0x1000  }
0x1c7: {  	[sflag:s26] =	ssyncset.done $0x0  }
0x1c8: {  	[sflag:s26] =	ssyncadd.s32 $0xFFFFF000  }
0x1c9: {  	[tilespmem:s8], [sflag:$0x3] =	stream.linear.gather [spmem:s22], $0x1000, $0x38;
	[tilespmem:$0x1A300] =	vst v63  }
0x1ca: {  	_ =	swait.ge [sflag:s26], $0x1000  }
0x1cb: {  	[sflag:s26] =	ssyncset.done $0x0  }
0x1cc: {  	s13 =	rddreg [dreg:$0x16];
	[sflag:s26] =	ssyncadd.s32 $0xFFFFF000  }
0x1cd: {  	[hbm4b:s13+s4] =	stream.linear.scatter [tilespmem:s8], [sflag:$0x3], $0x1000, $0x38;
	[tilespmem:$0x1A300] =	vst v63  }
0x1ce: {  	_ =	swait.ge [sflag:s26], $0x1000  }
0x1cf: {  	[sflag:s26] =	ssyncset.done $0x0  }
0x1d0: {  	[sflag:s26] =	ssyncadd.s32 $0xFFFFF000  }
0x1d1: {  	[tilespmem:s8], [sflag:$0x3] =	stream.linear.gather [spmem:s23], $0x1000, $0x38;
	[tilespmem:$0x1A300] =	vst v63  }
0x1d2: {  	_ =	swait.ge [sflag:s26], $0x1000  }
0x1d3: {  	[sflag:s26] =	ssyncset.done $0x0  }
0x1d4: {  	s15 =	rddreg [dreg:$0x17];
	[sflag:s26] =	ssyncadd.s32 $0xFFFFF000  }
0x1d5: {  	[hbm4b:s15+s4] =	stream.linear.scatter [tilespmem:s8], [sflag:$0x3], $0x1000, $0x38;
	[tilespmem:$0x1A300] =	vst v63  }
0x1d6: {  	_ =	swait.ge [sflag:s26], $0x1000  }
0x1d7: {  	[sflag:s26] =	ssyncset.done $0x0  }
0x1d8: {  	[sflag:s26] =	ssyncadd.s32 $0xFFFFF000  }
0x1d9: {  	[tilespmem:s8], [sflag:$0x3] =	stream.linear.gather [spmem:s24], $0x1000, $0x38;
	[tilespmem:$0x1A300] =	vst v63  }
0x1da: {  	_ =	swait.ge [sflag:s26], $0x1000  }
0x1db: {  	[sflag:s26] =	ssyncset.done $0x0  }
0x1dc: {  	s13 =	rddreg [dreg:$0x18];
	[sflag:s26] =	ssyncadd.s32 $0xFFFFF000  }
0x1dd: {  	[hbm4b:s13+s4] =	stream.linear.scatter [tilespmem:s8], [sflag:$0x3], $0x1000, $0x38;
	[tilespmem:$0x1A300] =	vst v63  }
0x1de: {  	_ =	swait.ge [sflag:s26], $0x1000  }
0x1df: {  	s11 =	sadd.s32 $0x1, s11;
	s15 =	rddreg [dreg:$0x19]  }
0x1e0: {  	p0 =	sne.s32 s11, s15  }
.Ltmp3:
0x1e1: {  	_ = 	snop;
	(pc) =	sbr.rel @p0 .LBB2_1-.Ltmp3, $3  }
0x1e2: {  	_ =	sdelay $0x1  }
0x1e3: {  	[sflag:s26] =	ssyncset.done $0x0  }
0x1e4: {  	[sflag:s26] =	ssyncadd.s32 $0xFFFFF000  }
0x1e5: {  	_ =	sfence.sel $0x180000  }
0x1e6: {  	[bflag:$0x0] =	sbarrier.arrive $0xFFFF  }
0x1e7: {  	_ =	strace $0x90000047  }
0x1e8: {  	s0 =	stileid.u32;
	[bflag:$0x2] =	sbarrier.arrive $0xFFFF  }
0x1e9: {  	p0 =	sne.s32 s0, $0x0;
	s0 =	rddreg [dreg:$0x3]  }
0x1ea: {  	s0 =	sadd.s32 @!p0 $0x100000, s0  }
0x1eb: {  	[sflag:s0] =	ssyncadd.tile.s32 @!p0 $0x1;
	_ =	shalt  }
.Lfunc_end2:
_tile_overlayer_lowered:
.L_overlay_start_2:
0x1ec: {  	(tag) =	ssettag $0x2  }
0x1ed: {  	s0 =	rddreg [dreg:$0x0];
	s2 =	stileid.u32  }
0x1ee: {  	s1 =	rddreg [dreg:$0x1];
	p0 =	sne.s32 s2, $0x0  }
0x1ef: {  	s3 =	rddreg [dreg:$0x2];
	[bflag:$0x3] =	sbarrier.arrive $0xFFFF;
	s2 =	simm.s32 @!p0 $0x1C03  }
0x1f0: {  	[timem:s3], [sflag:s2] =	dma.local @!p0 [hbm:s0], s1  }
0x1f1: {  	s0 =	simm.s32 @!p0 $0x3  }
0x1f2: {  	_ =	swait.ge @!p0 [sflag:s0], s1  }
0x1f3: {  	s1 =	ssub.s32 @!p0 $0x0, s1;
	[sflag:s0] =	ssyncset.done @!p0 $0x0  }
0x1f4: {  	[sflag:s0] =	ssyncadd.s32 @!p0 s1  }
0x1f5: {  	[bflag:$0x3] =	sbarrier.arrive $0xFFFF  }
0x1f6: {  	_ =	shalt  }

</sc_bundles>
